<compile_context>
chip_gen: v7x
topology: tpu7x:2x2x1
jax: 0.10.2.dev20260603
libtpu: 0.0.44.dev20260713+nightly
codegen_flags: <defaults>
</compile_context>

<pallas_src>
import functools

import jax
import jax.numpy as jnp
import numpy as np
from jax import lax
from jax.experimental import pallas as pl
from jax.experimental.pallas import tpu as pltpu
from jax.experimental.pallas import tpu_sc as plsc

N = 10000
E = 320000
D = 128
NPAD = 10240
CHUNK = 128
NS = 16
NC = 2
NCHUNKS = 2560
EPAD = NCHUNKS * CHUNK
DEG_PER_TILE = NCHUNKS // NS
MSG_PER_W = NCHUNKS // (NS * NC)
BLOCKC = 16
ROWS_PER_TILE = NPAD // NS


def _sc_body(row_hbm, col_hbm, w_hbm, g_hbm, out_hbm,
             col_st, w_st, row_st, dinv, normb, rows, deg_sh, p_sh, sem):
    c = lax.axis_index("c")
    s = lax.axis_index("s")
    w_id = c * NS + s

    zero16 = jnp.zeros((16,), jnp.float32)

    def zrow(e, carry):
        for u in range(8):
            rows[e, pl.ds(u * 16, 16)] = zero16
        return carry
    lax.fori_loop(0, 128, zrow, 0)
    for u in range(8):
        normb[pl.ds(u * 16, 16)] = zero16

    for k in range(5):
        pltpu.sync_copy(normb, deg_sh.at[pl.ds(s * 640 + k * 128, 128)])
    for k in range(5):
        pltpu.sync_copy(rows, p_sh.at[pl.ds(s * ROWS_PER_TILE + k * 128, 128)])

    plsc.subcore_barrier()

    def deg_blk(b, carry):
        base = s * DEG_PER_TILE + b * BLOCKC
        pltpu.sync_copy(col_hbm.at[pl.ds(base, BLOCKC)], col_st)
        pltpu.sync_copy(w_hbm.at[pl.ds(base, BLOCKC)], w_st)

        def deg_chunk(j, c2):
            pltpu.sync_copy(w_st.at[j], deg_sh.at[col_st.at[j]], add=True)
            return c2
        lax.fori_loop(0, BLOCKC, deg_chunk, 0)
        return carry
    lax.fori_loop(0, DEG_PER_TILE // BLOCKC, deg_blk, 0)

    plsc.subcore_barrier()

    seg = pl.ds(s * 640, 640)
    pltpu.sync_copy(deg_sh.at[seg], dinv.at[pl.ds(0, 640)])

    def bab(i, carry):
        x = dinv[pl.ds(i * 16, 16)]
        m = x > 0.0
        xs = jnp.maximum(jnp.where(m, x, 1.0), 1e-9)
        d = 1.0 / xs
        sq = (1.0 + d) * 0.5
        for _ in range(20):
            sq = 0.5 * (sq + d / sq)
        dinv[pl.ds(i * 16, 16)] = jnp.where(m, sq, 0.0)
        return carry
    lax.fori_loop(0, 40, bab, 0)

    pltpu.sync_copy(dinv.at[pl.ds(0, 640)], deg_sh.at[seg])
    plsc.subcore_barrier()
    pltpu.sync_copy(deg_sh, dinv)

    def do_chunk(j):
        cp = pltpu.async_copy(g_hbm.at[row_st.at[j]], rows, sem)

        def normi(i, carry):
            r16 = row_st[j, pl.ds(i * 16, 16)]
            c16 = col_st[j, pl.ds(i * 16, 16)]
            w16 = w_st[j, pl.ds(i * 16, 16)]
            dr = plsc.load_gather(dinv, [r16])
            dc = plsc.load_gather(dinv, [c16])
            normb[pl.ds(i * 16, 16)] = dr * w16 * dc
            return carry
        lax.fori_loop(0, 8, normi, 0)

        cp.wait()

        def scale(gi, carry):
            n16 = normb[pl.ds(gi * 16, 16)]
            for l in range(16):
                nv = n16[l]
                e = gi * 16 + l
                for u in range(8):
                    sl = pl.ds(u * 16, 16)
                    rows[e, sl] = rows[e, sl] * nv
            return carry
        lax.fori_loop(0, 8, scale, 0)

        pltpu.sync_copy(rows, p_sh.at[col_st.at[j]], add=True)

    def msg_blk(b, carry):
        base = w_id * MSG_PER_W + b * BLOCKC
        pltpu.sync_copy(row_hbm.at[pl.ds(base, BLOCKC)], row_st)
        pltpu.sync_copy(col_hbm.at[pl.ds(base, BLOCKC)], col_st)
        pltpu.sync_copy(w_hbm.at[pl.ds(base, BLOCKC)], w_st)

        def msg_chunk(j, c2):
            do_chunk(j)
            return c2
        lax.fori_loop(0, BLOCKC, msg_chunk, 0)
        return carry
    lax.fori_loop(0, MSG_PER_W // BLOCKC, msg_blk, 0)

    plsc.subcore_barrier()

    ob = s * ROWS_PER_TILE
    pltpu.sync_copy(p_sh.at[pl.ds(ob, ROWS_PER_TILE)],
                    out_hbm.at[c, pl.ds(ob, ROWS_PER_TILE)])


_sc_sparse = functools.partial(
    pl.kernel,
    out_type=jax.ShapeDtypeStruct((NC, NPAD, D), jnp.float32),
    mesh=plsc.VectorSubcoreMesh(core_axis_name="c", subcore_axis_name="s"),
    compiler_params=pltpu.CompilerParams(needs_layout_passes=False),
    scratch_types=[
        pltpu.VMEM((BLOCKC, CHUNK), jnp.int32),
        pltpu.VMEM((BLOCKC, CHUNK), jnp.float32),
        pltpu.VMEM((BLOCKC, CHUNK), jnp.int32),
        pltpu.VMEM((NPAD,), jnp.float32),
        pltpu.VMEM((CHUNK,), jnp.float32),
        pltpu.VMEM((CHUNK, D), jnp.float32),
        pltpu.VMEM_SHARED((NPAD,), jnp.float32),
        pltpu.VMEM_SHARED((NPAD, D), jnp.float32),
        pltpu.SemaphoreType.DMA,
    ],
)(_sc_body)


BLK = 256
_GRID = (N + BLK - 1) // BLK


def _dense_body(p0, p1, h0, Wz, Wr, Wh, Lz, Lr, Lh, W1, W2,
                bz, br, bh, Lzb, Lrb, Lhb, b1, b2,
                yo_ref, y1_ref, hn_ref):
    f32 = jnp.float32

    def dot(a, b):
        return lax.dot(a, b, preferred_element_type=f32)

    P = p0[0] + p1[0]
    h = h0[...]
    cz = dot(P, Wz[...]) + bz[...]
    cr = dot(P, Wr[...]) + br[...]
    ch = dot(P, Wh[...]) + bh[...]
    Lzm, Lrm, Lhm = Lz[...], Lr[...], Lh[...]
    Z = jax.nn.sigmoid(dot(cz, Lzm[:D]) + dot(h, Lzm[D:]) + Lzb[...])
    R = jax.nn.sigmoid(dot(cr, Lrm[:D]) + dot(h, Lrm[D:]) + Lrb[...])
    Ht = jnp.tanh(dot(ch, Lhm[:D]) + dot(h * R, Lhm[D:]) + Lhb[...])
    hn = Z * h + (1.0 - Z) * Ht
    y1 = dot(jnp.maximum(hn, 0.0), W1[...]) + b1[...]
    yo = dot(y1, W2[...]) + b2[...]
    yo_ref[...] = yo
    y1_ref[...] = y1
    hn_ref[...] = hn


def _dense(pp, h0, Wz, Wr, Wh, Lz, Lr, Lh, W1, W2,
           bz, br, bh, Lzb, Lrb, Lhb, b1, b2):
    rowspec = pl.BlockSpec((BLK, D), lambda i: (i, 0))
    p0spec = pl.BlockSpec((1, BLK, D), lambda i: (0, i, 0))
    p1spec = pl.BlockSpec((1, BLK, D), lambda i: (1, i, 0))
    wspec = pl.BlockSpec((D, D), lambda i: (0, 0))
    lspec = pl.BlockSpec((2 * D, D), lambda i: (0, 0))
    bspec = pl.BlockSpec((1, D), lambda i: (0, 0))
    out_shape = jax.ShapeDtypeStruct((N, D), jnp.float32)
    return pl.pallas_call(
        _dense_body,
        grid=(_GRID,),
        in_specs=[p0spec, p1spec, rowspec,
                  wspec, wspec, wspec, lspec, lspec, lspec, wspec, wspec,
                  bspec, bspec, bspec, bspec, bspec, bspec, bspec, bspec],
        out_specs=[rowspec, rowspec, rowspec],
        out_shape=[out_shape, out_shape, out_shape],
    )(pp, pp, h0, Wz, Wr, Wh, Lz, Lr, Lh, W1, W2,
      bz, br, bh, Lzb, Lrb, Lhb, b1, b2)


def kernel(g, node_feat, edge_weight, hidden_state,
           Wz, bz, Lz_w, Lz_b, Wr, br, Lr_w, Lr_b, Wh, bh, Lh_w, Lh_b,
           W1, b1, W2, b2):
    pad = EPAD - E
    pad_iota = np.arange(pad, dtype=np.int32)
    pad_rows = jnp.asarray(pad_iota % N)
    pad_cols = jnp.asarray(N + pad_iota % (NPAD - N))
    pad_w = jnp.zeros((pad,), jnp.float32)
    row2d = jnp.concatenate([node_feat[0], pad_rows]).reshape(NCHUNKS, CHUNK)
    col2d = jnp.concatenate([node_feat[1], pad_cols]).reshape(NCHUNKS, CHUNK)
    w2d = jnp.concatenate([edge_weight, pad_w]).reshape(NCHUNKS, CHUNK)

    p_parts = _sc_sparse(row2d, col2d, w2d, g)

    r2 = lambda b: b.reshape(1, D)
    yo, y1, hn = _dense(p_parts, hidden_state,
                        Wz, Wr, Wh, Lz_w, Lr_w, Lh_w, W1, W2,
                        r2(bz), r2(br), r2(bh), r2(Lz_b), r2(Lr_b), r2(Lh_b),
                        r2(b1), r2(b2))
    return (yo, y1, hn)

# --- scband reference (transcript-rebuilt; emitter-appended) ---
"""Pipeline reference for scband-py-gt-tgcn-44787918963323 (READ-ONLY COPY).

The authoritative reference and input builder live on the scoring server;
editing this copy changes nothing except your own understanding.
"""

import jax, jax.numpy as jnp
import numpy as np

N_NODES = 10000
N_EDGES = 320000
F_IN = 128
H_DIM = 128
F_OUT = 128

def _p(k, shape, scale):
    return jax.random.normal(k, shape, dtype=jnp.float32) * scale

def setup_inputs(seed: int = 0):
    key = jax.random.key(seed)
    ks = jax.random.split(key, 16)
    s_in = 1.0 / np.sqrt(F_IN)
    s_2h = 1.0 / np.sqrt(2 * H_DIM)
    s_h = 1.0 / np.sqrt(H_DIM)
    inp = {
        "g": jax.random.normal(ks[0], (N_NODES, F_IN), dtype=jnp.float32),
        "node_feat": jax.random.randint(ks[1], (2, N_EDGES), 0, N_NODES, dtype=jnp.int32),
        "edge_weight": jax.random.uniform(ks[2], (N_EDGES,), dtype=jnp.float32),
        "hidden_state": jax.random.normal(ks[3], (N_NODES, H_DIM), dtype=jnp.float32),
        "Wz": _p(ks[4], (F_IN, H_DIM), s_in), "bz": jnp.zeros((H_DIM,), jnp.float32),
        "Lz_w": _p(ks[5], (2 * H_DIM, H_DIM), s_2h), "Lz_b": jnp.zeros((H_DIM,), jnp.float32),
        "Wr": _p(ks[6], (F_IN, H_DIM), s_in), "br": jnp.zeros((H_DIM,), jnp.float32),
        "Lr_w": _p(ks[7], (2 * H_DIM, H_DIM), s_2h), "Lr_b": jnp.zeros((H_DIM,), jnp.float32),
        "Wh": _p(ks[8], (F_IN, H_DIM), s_in), "bh": jnp.zeros((H_DIM,), jnp.float32),
        "Lh_w": _p(ks[9], (2 * H_DIM, H_DIM), s_2h), "Lh_b": jnp.zeros((H_DIM,), jnp.float32),
        "W1": _p(ks[10], (H_DIM, F_IN), s_h), "b1": jnp.zeros((F_IN,), jnp.float32),
        "W2": _p(ks[11], (F_IN, F_OUT), s_in), "b2": jnp.zeros((F_OUT,), jnp.float32),
    }
    return inp

def _gcn_norm(edge_index, edge_weight, num_nodes):
    row, col = edge_index[0], edge_index[1]
    deg = jax.ops.segment_sum(edge_weight, col, num_segments=num_nodes)
    deg_safe = jnp.where(deg > 0, deg, 1.0)
    dinv = jax.lax.rsqrt(deg_safe)
    dinv = jnp.where(deg > 0, dinv, 0.0)
    return dinv[row] * edge_weight * dinv[col]

def _gcn_conv(x, W, b, edge_index, norm, num_nodes):
    row, col = edge_index[0], edge_index[1]
    xl = x @ W
    msg = norm[:, None] * jnp.take(xl, row, axis=0)
    agg = jax.ops.segment_sum(msg, col, num_segments=num_nodes)
    return agg + b

def reference(g, node_feat, edge_weight, hidden_state, Wz, bz, Lz_w, Lz_b, Wr, br, Lr_w, Lr_b, Wh, bh, Lh_w, Lh_b, W1, b1, W2, b2):
    n = g.shape[0]
    norm = _gcn_norm(node_feat, edge_weight, n)
    cz = _gcn_conv(g, Wz, bz, node_feat, norm, n)
    cr = _gcn_conv(g, Wr, br, node_feat, norm, n)
    ch = _gcn_conv(g, Wh, bh, node_feat, norm, n)
    Z = jax.nn.sigmoid(jnp.concatenate([cz, hidden_state], axis=1) @ Lz_w + Lz_b)
    R = jax.nn.sigmoid(jnp.concatenate([cr, hidden_state], axis=1) @ Lr_w + Lr_b)
    H_tilde = jnp.tanh(jnp.concatenate([ch, hidden_state * R], axis=1) @ Lh_w + Lh_b)
    h = Z * hidden_state + (1.0 - Z) * H_tilde
    y = jax.nn.relu(h)
    y = y @ W1 + b1
    y_out = y @ W2 + b2
    return (y_out, y, h)

if __name__ == "__main__":
    import jax
    _d = setup_inputs()
    print(jax.jit(kernel)(*tuple(_d.values())))

</pallas_src>

<mosaic_0001>
#map = affine_map<(d0, d1) -> (0, 0)>
#map1 = affine_map<(d0, d1) -> (0, 0, 0)>
module attributes {stable_mosaic.version = 14 : i64} {
  func.func @_sc_body(%arg0: i32, %arg1: i32, %arg2: memref<2560x128xi32, #tpu.memory_space<hbm>>, %arg3: memref<2560x128xi32, #tpu.memory_space<hbm>>, %arg4: memref<2560x128xf32, #tpu.memory_space<hbm>>, %arg5: memref<10000x128xf32, #tpu.memory_space<hbm>>, %arg6: memref<2x10240x128xf32, #tpu.memory_space<hbm>>, %arg7: memref<16x128xi32, #tpu.memory_space<vmem>>, %arg8: memref<16x128xf32, #tpu.memory_space<vmem>>, %arg9: memref<16x128xi32, #tpu.memory_space<vmem>>, %arg10: memref<10240xf32, #tpu.memory_space<vmem>>, %arg11: memref<128xf32, #tpu.memory_space<vmem>>, %arg12: memref<128x128xf32, #tpu.memory_space<vmem>>, %arg13: memref<10240xf32, #tpu.memory_space<vmem_shared>>, %arg14: memref<10240x128xf32, #tpu.memory_space<vmem_shared>>, %arg15: memref<!tpu.dma_semaphore, #tpu.memory_space<semaphore_mem>>) attributes {dimension_semantics = [#tpu.dimension_semantics<core_parallel>, #tpu.dimension_semantics<subcore_parallel>], iteration_bounds = array<i64: 2, 16>, scalar_prefetch = 0 : i64, scratch_operands = 9 : i64, tpu.core_type = #tpu.core_type<sc_vector_subcore>, window_params = [{transform_indices = #map}, {transform_indices = #map}, {transform_indices = #map}, {transform_indices = #map}, {transform_indices = #map1}]} {
    %mul3A = arith.constant 16 : i32
    %mul3A_0 = arith.muli %arg0, %mul3A : i32
    %add3A = arith.addi %mul3A_0, %arg1 : i32
    %broadcast_in_dim3A = arith.constant 0.000000e+00 : f32
    %broadcast_in_dim3A_1 = vector.broadcast %broadcast_in_dim3A : f32 to vector<16xf32>
    %scan3A = arith.constant 0 : i32
    %scan3A_2 = arith.constant 0 : i32
    %scan3A_3 = arith.constant 128 : i32
    %scan3A_4 = arith.addi %scan3A_2, %scan3A_3 : i32
    %scan3A_5 = arith.constant 1 : i32
    scf.for %scan3A_87 = %scan3A_2 to %scan3A_4 step %scan3A_5  : i32 {
      %swap3A_88 = arith.index_cast %scan3A_87 : i32 to index
      %swap3A_89 = arith.constant 0 : index
      %swap3A_90 = tpu.vector_load %arg12[%swap3A_88, %swap3A_89] {strides = array<i32>} : memref<128x128xf32, #tpu.memory_space<vmem>>, vector<16xf32>,
      tpu.vector_store %arg12[%swap3A_88, %swap3A_89], %broadcast_in_dim3A_1 {strides = array<i32>} : memref<128x128xf32, #tpu.memory_space<vmem>>, vector<16xf32>,
      %swap3A_91 = arith.index_cast %scan3A_87 : i32 to index
      %swap3A_92 = arith.constant 16 : index
      %swap3A_93 = tpu.vector_load %arg12[%swap3A_91, %swap3A_92] {strides = array<i32>} : memref<128x128xf32, #tpu.memory_space<vmem>>, vector<16xf32>,
      tpu.vector_store %arg12[%swap3A_91, %swap3A_92], %broadcast_in_dim3A_1 {strides = array<i32>} : memref<128x128xf32, #tpu.memory_space<vmem>>, vector<16xf32>,
      %swap3A_94 = arith.index_cast %scan3A_87 : i32 to index
      %swap3A_95 = arith.constant 32 : index
      %swap3A_96 = tpu.vector_load %arg12[%swap3A_94, %swap3A_95] {strides = array<i32>} : memref<128x128xf32, #tpu.memory_space<vmem>>, vector<16xf32>,
      tpu.vector_store %arg12[%swap3A_94, %swap3A_95], %broadcast_in_dim3A_1 {strides = array<i32>} : memref<128x128xf32, #tpu.memory_space<vmem>>, vector<16xf32>,
      %swap3A_97 = arith.index_cast %scan3A_87 : i32 to index
      %swap3A_98 = arith.constant 48 : index
      %swap3A_99 = tpu.vector_load %arg12[%swap3A_97, %swap3A_98] {strides = array<i32>} : memref<128x128xf32, #tpu.memory_space<vmem>>, vector<16xf32>,
      tpu.vector_store %arg12[%swap3A_97, %swap3A_98], %broadcast_in_dim3A_1 {strides = array<i32>} : memref<128x128xf32, #tpu.memory_space<vmem>>, vector<16xf32>,
      %swap3A_100 = arith.index_cast %scan3A_87 : i32 to index
      %swap3A_101 = arith.constant 64 : index
      %swap3A_102 = tpu.vector_load %arg12[%swap3A_100, %swap3A_101] {strides = array<i32>} : memref<128x128xf32, #tpu.memory_space<vmem>>, vector<16xf32>,
      tpu.vector_store %arg12[%swap3A_100, %swap3A_101], %broadcast_in_dim3A_1 {strides = array<i32>} : memref<128x128xf32, #tpu.memory_space<vmem>>, vector<16xf32>,
      %swap3A_103 = arith.index_cast %scan3A_87 : i32 to index
      %swap3A_104 = arith.constant 80 : index
      %swap3A_105 = tpu.vector_load %arg12[%swap3A_103, %swap3A_104] {strides = array<i32>} : memref<128x128xf32, #tpu.memory_space<vmem>>, vector<16xf32>,
      tpu.vector_store %arg12[%swap3A_103, %swap3A_104], %broadcast_in_dim3A_1 {strides = array<i32>} : memref<128x128xf32, #tpu.memory_space<vmem>>, vector<16xf32>,
      %swap3A_106 = arith.index_cast %scan3A_87 : i32 to index
      %swap3A_107 = arith.constant 96 : index
      %swap3A_108 = tpu.vector_load %arg12[%swap3A_106, %swap3A_107] {strides = array<i32>} : memref<128x128xf32, #tpu.memory_space<vmem>>, vector<16xf32>,
      tpu.vector_store %arg12[%swap3A_106, %swap3A_107], %broadcast_in_dim3A_1 {strides = array<i32>} : memref<128x128xf32, #tpu.memory_space<vmem>>, vector<16xf32>,
      %swap3A_109 = arith.index_cast %scan3A_87 : i32 to index
      %swap3A_110 = arith.constant 112 : index
      %swap3A_111 = tpu.vector_load %arg12[%swap3A_109, %swap3A_110] {strides = array<i32>} : memref<128x128xf32, #tpu.memory_space<vmem>>, vector<16xf32>,
      tpu.vector_store %arg12[%swap3A_109, %swap3A_110], %broadcast_in_dim3A_1 {strides = array<i32>} : memref<128x128xf32, #tpu.memory_space<vmem>>, vector<16xf32>,
    }
    %scan3A_6 = arith.constant 128 : i32
    %swap3A = arith.constant 0 : index
    %swap3A_7 = tpu.vector_load %arg11[%swap3A] {strides = array<i32>} : memref<128xf32, #tpu.memory_space<vmem>>, vector<16xf32>,
    tpu.vector_store %arg11[%swap3A], %broadcast_in_dim3A_1 {strides = array<i32>} : memref<128xf32, #tpu.memory_space<vmem>>, vector<16xf32>,
    %swap3A_8 = arith.constant 16 : index
    %swap3A_9 = tpu.vector_load %arg11[%swap3A_8] {strides = array<i32>} : memref<128xf32, #tpu.memory_space<vmem>>, vector<16xf32>,
    tpu.vector_store %arg11[%swap3A_8], %broadcast_in_dim3A_1 {strides = array<i32>} : memref<128xf32, #tpu.memory_space<vmem>>, vector<16xf32>,
    %swap3A_10 = arith.constant 32 : index
    %swap3A_11 = tpu.vector_load %arg11[%swap3A_10] {strides = array<i32>} : memref<128xf32, #tpu.memory_space<vmem>>, vector<16xf32>,
    tpu.vector_store %arg11[%swap3A_10], %broadcast_in_dim3A_1 {strides = array<i32>} : memref<128xf32, #tpu.memory_space<vmem>>, vector<16xf32>,
    %swap3A_12 = arith.constant 48 : index
    %swap3A_13 = tpu.vector_load %arg11[%swap3A_12] {strides = array<i32>} : memref<128xf32, #tpu.memory_space<vmem>>, vector<16xf32>,
    tpu.vector_store %arg11[%swap3A_12], %broadcast_in_dim3A_1 {strides = array<i32>} : memref<128xf32, #tpu.memory_space<vmem>>, vector<16xf32>,
    %swap3A_14 = arith.constant 64 : index
    %swap3A_15 = tpu.vector_load %arg11[%swap3A_14] {strides = array<i32>} : memref<128xf32, #tpu.memory_space<vmem>>, vector<16xf32>,
    tpu.vector_store %arg11[%swap3A_14], %broadcast_in_dim3A_1 {strides = array<i32>} : memref<128xf32, #tpu.memory_space<vmem>>, vector<16xf32>,
    %swap3A_16 = arith.constant 80 : index
    %swap3A_17 = tpu.vector_load %arg11[%swap3A_16] {strides = array<i32>} : memref<128xf32, #tpu.memory_space<vmem>>, vector<16xf32>,
    tpu.vector_store %arg11[%swap3A_16], %broadcast_in_dim3A_1 {strides = array<i32>} : memref<128xf32, #tpu.memory_space<vmem>>, vector<16xf32>,
    %swap3A_18 = arith.constant 96 : index
    %swap3A_19 = tpu.vector_load %arg11[%swap3A_18] {strides = array<i32>} : memref<128xf32, #tpu.memory_space<vmem>>, vector<16xf32>,
    tpu.vector_store %arg11[%swap3A_18], %broadcast_in_dim3A_1 {strides = array<i32>} : memref<128xf32, #tpu.memory_space<vmem>>, vector<16xf32>,
    %swap3A_20 = arith.constant 112 : index
    %swap3A_21 = tpu.vector_load %arg11[%swap3A_20] {strides = array<i32>} : memref<128xf32, #tpu.memory_space<vmem>>, vector<16xf32>,
    tpu.vector_store %arg11[%swap3A_20], %broadcast_in_dim3A_1 {strides = array<i32>} : memref<128xf32, #tpu.memory_space<vmem>>, vector<16xf32>,
    %mul3A_22 = arith.constant 640 : i32
    %mul3A_23 = arith.muli %arg1, %mul3A_22 : i32
    %add3A_24 = arith.constant 0 : i32
    %add3A_25 = arith.addi %mul3A_23, %add3A_24 : i32
    "tpu.region"() ({
      %run_scoped3A = tpu.sem_alloc : memref<!tpu.dma_semaphore, #tpu.memory_space<semaphore_mem>>
      %dma_start3A = tpu.memref_slice %arg13[%add3A_25] : memref<10240xf32, #tpu.memory_space<vmem_shared>> -> memref<128xf32, #tpu.memory_space<vmem_shared>>
      %dma_start3A_87 = tpu.memref_slice %arg13[%add3A_25] : memref<10240xf32, #tpu.memory_space<vmem_shared>> -> memref<128xf32, #tpu.memory_space<vmem_shared>>
      tpu.enqueue_dma source(%arg11 : memref<128xf32, #tpu.memory_space<vmem>>) target(%dma_start3A_87 : memref<128xf32, #tpu.memory_space<vmem_shared>>) target_semaphore(%run_scoped3A : memref<!tpu.dma_semaphore, #tpu.memory_space<semaphore_mem>>)
      %dma_wait3A = tpu.memref_slice %arg13[%add3A_25] : memref<10240xf32, #tpu.memory_space<vmem_shared>> -> memref<128xf32, #tpu.memory_space<vmem_shared>>
      %dma_wait3A_88 = tpu.memref_slice %arg13[%add3A_25] : memref<10240xf32, #tpu.memory_space<vmem_shared>> -> memref<128xf32, #tpu.memory_space<vmem_shared>>
      tpu.wait_dma2 semaphore(%run_scoped3A : memref<!tpu.dma_semaphore, #tpu.memory_space<semaphore_mem>>) src(%arg11 : memref<128xf32, #tpu.memory_space<vmem>>) dst(%dma_wait3A_88 : memref<128xf32, #tpu.memory_space<vmem_shared>>)
      tpu.yield
    }) : () -> ()
    %mul3A_26 = arith.constant 640 : i32
    %mul3A_27 = arith.muli %arg1, %mul3A_26 : i32
    %add3A_28 = arith.constant 128 : i32
    %add3A_29 = arith.addi %mul3A_27, %add3A_28 : i32
    "tpu.region"() ({
      %run_scoped3A = tpu.sem_alloc : memref<!tpu.dma_semaphore, #tpu.memory_space<semaphore_mem>>
      %dma_start3A = tpu.memref_slice %arg13[%add3A_29] : memref<10240xf32, #tpu.memory_space<vmem_shared>> -> memref<128xf32, #tpu.memory_space<vmem_shared>>
      %dma_start3A_87 = tpu.memref_slice %arg13[%add3A_29] : memref<10240xf32, #tpu.memory_space<vmem_shared>> -> memref<128xf32, #tpu.memory_space<vmem_shared>>
      tpu.enqueue_dma source(%arg11 : memref<128xf32, #tpu.memory_space<vmem>>) target(%dma_start3A_87 : memref<128xf32, #tpu.memory_space<vmem_shared>>) target_semaphore(%run_scoped3A : memref<!tpu.dma_semaphore, #tpu.memory_space<semaphore_mem>>)
      %dma_wait3A = tpu.memref_slice %arg13[%add3A_29] : memref<10240xf32, #tpu.memory_space<vmem_shared>> -> memref<128xf32, #tpu.memory_space<vmem_shared>>
      %dma_wait3A_88 = tpu.memref_slice %arg13[%add3A_29] : memref<10240xf32, #tpu.memory_space<vmem_shared>> -> memref<128xf32, #tpu.memory_space<vmem_shared>>
      tpu.wait_dma2 semaphore(%run_scoped3A : memref<!tpu.dma_semaphore, #tpu.memory_space<semaphore_mem>>) src(%arg11 : memref<128xf32, #tpu.memory_space<vmem>>) dst(%dma_wait3A_88 : memref<128xf32, #tpu.memory_space<vmem_shared>>)
      tpu.yield
    }) : () -> ()
    %mul3A_30 = arith.constant 640 : i32
    %mul3A_31 = arith.muli %arg1, %mul3A_30 : i32
    %add3A_32 = arith.constant 256 : i32
    %add3A_33 = arith.addi %mul3A_31, %add3A_32 : i32
    "tpu.region"() ({
      %run_scoped3A = tpu.sem_alloc : memref<!tpu.dma_semaphore, #tpu.memory_space<semaphore_mem>>
      %dma_start3A = tpu.memref_slice %arg13[%add3A_33] : memref<10240xf32, #tpu.memory_space<vmem_shared>> -> memref<128xf32, #tpu.memory_space<vmem_shared>>
      %dma_start3A_87 = tpu.memref_slice %arg13[%add3A_33] : memref<10240xf32, #tpu.memory_space<vmem_shared>> -> memref<128xf32, #tpu.memory_space<vmem_shared>>
      tpu.enqueue_dma source(%arg11 : memref<128xf32, #tpu.memory_space<vmem>>) target(%dma_start3A_87 : memref<128xf32, #tpu.memory_space<vmem_shared>>) target_semaphore(%run_scoped3A : memref<!tpu.dma_semaphore, #tpu.memory_space<semaphore_mem>>)
      %dma_wait3A = tpu.memref_slice %arg13[%add3A_33] : memref<10240xf32, #tpu.memory_space<vmem_shared>> -> memref<128xf32, #tpu.memory_space<vmem_shared>>
      %dma_wait3A_88 = tpu.memref_slice %arg13[%add3A_33] : memref<10240xf32, #tpu.memory_space<vmem_shared>> -> memref<128xf32, #tpu.memory_space<vmem_shared>>
      tpu.wait_dma2 semaphore(%run_scoped3A : memref<!tpu.dma_semaphore, #tpu.memory_space<semaphore_mem>>) src(%arg11 : memref<128xf32, #tpu.memory_space<vmem>>) dst(%dma_wait3A_88 : memref<128xf32, #tpu.memory_space<vmem_shared>>)
      tpu.yield
    }) : () -> ()
    %mul3A_34 = arith.constant 640 : i32
    %mul3A_35 = arith.muli %arg1, %mul3A_34 : i32
    %add3A_36 = arith.constant 384 : i32
    %add3A_37 = arith.addi %mul3A_35, %add3A_36 : i32
    "tpu.region"() ({
      %run_scoped3A = tpu.sem_alloc : memref<!tpu.dma_semaphore, #tpu.memory_space<semaphore_mem>>
      %dma_start3A = tpu.memref_slice %arg13[%add3A_37] : memref<10240xf32, #tpu.memory_space<vmem_shared>> -> memref<128xf32, #tpu.memory_space<vmem_shared>>
      %dma_start3A_87 = tpu.memref_slice %arg13[%add3A_37] : memref<10240xf32, #tpu.memory_space<vmem_shared>> -> memref<128xf32, #tpu.memory_space<vmem_shared>>
      tpu.enqueue_dma source(%arg11 : memref<128xf32, #tpu.memory_space<vmem>>) target(%dma_start3A_87 : memref<128xf32, #tpu.memory_space<vmem_shared>>) target_semaphore(%run_scoped3A : memref<!tpu.dma_semaphore, #tpu.memory_space<semaphore_mem>>)
      %dma_wait3A = tpu.memref_slice %arg13[%add3A_37] : memref<10240xf32, #tpu.memory_space<vmem_shared>> -> memref<128xf32, #tpu.memory_space<vmem_shared>>
      %dma_wait3A_88 = tpu.memref_slice %arg13[%add3A_37] : memref<10240xf32, #tpu.memory_space<vmem_shared>> -> memref<128xf32, #tpu.memory_space<vmem_shared>>
      tpu.wait_dma2 semaphore(%run_scoped3A : memref<!tpu.dma_semaphore, #tpu.memory_space<semaphore_mem>>) src(%arg11 : memref<128xf32, #tpu.memory_space<vmem>>) dst(%dma_wait3A_88 : memref<128xf32, #tpu.memory_space<vmem_shared>>)
      tpu.yield
    }) : () -> ()
    %mul3A_38 = arith.constant 640 : i32
    %mul3A_39 = arith.muli %arg1, %mul3A_38 : i32
    %add3A_40 = arith.constant 512 : i32
    %add3A_41 = arith.addi %mul3A_39, %add3A_40 : i32
    "tpu.region"() ({
      %run_scoped3A = tpu.sem_alloc : memref<!tpu.dma_semaphore, #tpu.memory_space<semaphore_mem>>
      %dma_start3A = tpu.memref_slice %arg13[%add3A_41] : memref<10240xf32, #tpu.memory_space<vmem_shared>> -> memref<128xf32, #tpu.memory_space<vmem_shared>>
      %dma_start3A_87 = tpu.memref_slice %arg13[%add3A_41] : memref<10240xf32, #tpu.memory_space<vmem_shared>> -> memref<128xf32, #tpu.memory_space<vmem_shared>>
      tpu.enqueue_dma source(%arg11 : memref<128xf32, #tpu.memory_space<vmem>>) target(%dma_start3A_87 : memref<128xf32, #tpu.memory_space<vmem_shared>>) target_semaphore(%run_scoped3A : memref<!tpu.dma_semaphore, #tpu.memory_space<semaphore_mem>>)
      %dma_wait3A = tpu.memref_slice %arg13[%add3A_41] : memref<10240xf32, #tpu.memory_space<vmem_shared>> -> memref<128xf32, #tpu.memory_space<vmem_shared>>
      %dma_wait3A_88 = tpu.memref_slice %arg13[%add3A_41] : memref<10240xf32, #tpu.memory_space<vmem_shared>> -> memref<128xf32, #tpu.memory_space<vmem_shared>>
      tpu.wait_dma2 semaphore(%run_scoped3A : memref<!tpu.dma_semaphore, #tpu.memory_space<semaphore_mem>>) src(%arg11 : memref<128xf32, #tpu.memory_space<vmem>>) dst(%dma_wait3A_88 : memref<128xf32, #tpu.memory_space<vmem_shared>>)
      tpu.yield
    }) : () -> ()
    %mul3A_42 = arith.constant 640 : i32
    %mul3A_43 = arith.muli %arg1, %mul3A_42 : i32
    %add3A_44 = arith.constant 0 : i32
    %add3A_45 = arith.addi %mul3A_43, %add3A_44 : i32
    "tpu.region"() ({
      %run_scoped3A = tpu.sem_alloc : memref<!tpu.dma_semaphore, #tpu.memory_space<semaphore_mem>>
      %dma_start3A = arith.constant 0 : i32
      %dma_start3A_87 = tpu.memref_slice %arg14[%add3A_45, %dma_start3A] : memref<10240x128xf32, #tpu.memory_space<vmem_shared>> -> memref<128x128xf32, #tpu.memory_space<vmem_shared>>
      %dma_start3A_88 = arith.constant 0 : i32
      %dma_start3A_89 = tpu.memref_slice %arg14[%add3A_45, %dma_start3A_88] : memref<10240x128xf32, #tpu.memory_space<vmem_shared>> -> memref<128x128xf32, #tpu.memory_space<vmem_shared>>
      tpu.enqueue_dma source(%arg12 : memref<128x128xf32, #tpu.memory_space<vmem>>) target(%dma_start3A_89 : memref<128x128xf32, #tpu.memory_space<vmem_shared>>) target_semaphore(%run_scoped3A : memref<!tpu.dma_semaphore, #tpu.memory_space<semaphore_mem>>)
      %dma_wait3A = arith.constant 0 : i32
      %dma_wait3A_90 = tpu.memref_slice %arg14[%add3A_45, %dma_wait3A] : memref<10240x128xf32, #tpu.memory_space<vmem_shared>> -> memref<128x128xf32, #tpu.memory_space<vmem_shared>>
      %dma_wait3A_91 = arith.constant 0 : i32
      %dma_wait3A_92 = tpu.memref_slice %arg14[%add3A_45, %dma_wait3A_91] : memref<10240x128xf32, #tpu.memory_space<vmem_shared>> -> memref<128x128xf32, #tpu.memory_space<vmem_shared>>
      tpu.wait_dma2 semaphore(%run_scoped3A : memref<!tpu.dma_semaphore, #tpu.memory_space<semaphore_mem>>) src(%arg12 : memref<128x128xf32, #tpu.memory_space<vmem>>) dst(%dma_wait3A_92 : memref<128x128xf32, #tpu.memory_space<vmem_shared>>)
      tpu.yield
    }) : () -> ()
    %mul3A_46 = arith.constant 640 : i32
    %mul3A_47 = arith.muli %arg1, %mul3A_46 : i32
    %add3A_48 = arith.constant 128 : i32
    %add3A_49 = arith.addi %mul3A_47, %add3A_48 : i32
    "tpu.region"() ({
      %run_scoped3A = tpu.sem_alloc : memref<!tpu.dma_semaphore, #tpu.memory_space<semaphore_mem>>
      %dma_start3A = arith.constant 0 : i32
      %dma_start3A_87 = tpu.memref_slice %arg14[%add3A_49, %dma_start3A] : memref<10240x128xf32, #tpu.memory_space<vmem_shared>> -> memref<128x128xf32, #tpu.memory_space<vmem_shared>>
      %dma_start3A_88 = arith.constant 0 : i32
      %dma_start3A_89 = tpu.memref_slice %arg14[%add3A_49, %dma_start3A_88] : memref<10240x128xf32, #tpu.memory_space<vmem_shared>> -> memref<128x128xf32, #tpu.memory_space<vmem_shared>>
      tpu.enqueue_dma source(%arg12 : memref<128x128xf32, #tpu.memory_space<vmem>>) target(%dma_start3A_89 : memref<128x128xf32, #tpu.memory_space<vmem_shared>>) target_semaphore(%run_scoped3A : memref<!tpu.dma_semaphore, #tpu.memory_space<semaphore_mem>>)
      %dma_wait3A = arith.constant 0 : i32
      %dma_wait3A_90 = tpu.memref_slice %arg14[%add3A_49, %dma_wait3A] : memref<10240x128xf32, #tpu.memory_space<vmem_shared>> -> memref<128x128xf32, #tpu.memory_space<vmem_shared>>
      %dma_wait3A_91 = arith.constant 0 : i32
      %dma_wait3A_92 = tpu.memref_slice %arg14[%add3A_49, %dma_wait3A_91] : memref<10240x128xf32, #tpu.memory_space<vmem_shared>> -> memref<128x128xf32, #tpu.memory_space<vmem_shared>>
      tpu.wait_dma2 semaphore(%run_scoped3A : memref<!tpu.dma_semaphore, #tpu.memory_space<semaphore_mem>>) src(%arg12 : memref<128x128xf32, #tpu.memory_space<vmem>>) dst(%dma_wait3A_92 : memref<128x128xf32, #tpu.memory_space<vmem_shared>>)
      tpu.yield
    }) : () -> ()
    %mul3A_50 = arith.constant 640 : i32
    %mul3A_51 = arith.muli %arg1, %mul3A_50 : i32
    %add3A_52 = arith.constant 256 : i32
    %add3A_53 = arith.addi %mul3A_51, %add3A_52 : i32
    "tpu.region"() ({
      %run_scoped3A = tpu.sem_alloc : memref<!tpu.dma_semaphore, #tpu.memory_space<semaphore_mem>>
      %dma_start3A = arith.constant 0 : i32
      %dma_start3A_87 = tpu.memref_slice %arg14[%add3A_53, %dma_start3A] : memref<10240x128xf32, #tpu.memory_space<vmem_shared>> -> memref<128x128xf32, #tpu.memory_space<vmem_shared>>
      %dma_start3A_88 = arith.constant 0 : i32
      %dma_start3A_89 = tpu.memref_slice %arg14[%add3A_53, %dma_start3A_88] : memref<10240x128xf32, #tpu.memory_space<vmem_shared>> -> memref<128x128xf32, #tpu.memory_space<vmem_shared>>
      tpu.enqueue_dma source(%arg12 : memref<128x128xf32, #tpu.memory_space<vmem>>) target(%dma_start3A_89 : memref<128x128xf32, #tpu.memory_space<vmem_shared>>) target_semaphore(%run_scoped3A : memref<!tpu.dma_semaphore, #tpu.memory_space<semaphore_mem>>)
      %dma_wait3A = arith.constant 0 : i32
      %dma_wait3A_90 = tpu.memref_slice %arg14[%add3A_53, %dma_wait3A] : memref<10240x128xf32, #tpu.memory_space<vmem_shared>> -> memref<128x128xf32, #tpu.memory_space<vmem_shared>>
      %dma_wait3A_91 = arith.constant 0 : i32
      %dma_wait3A_92 = tpu.memref_slice %arg14[%add3A_53, %dma_wait3A_91] : memref<10240x128xf32, #tpu.memory_space<vmem_shared>> -> memref<128x128xf32, #tpu.memory_space<vmem_shared>>
      tpu.wait_dma2 semaphore(%run_scoped3A : memref<!tpu.dma_semaphore, #tpu.memory_space<semaphore_mem>>) src(%arg12 : memref<128x128xf32, #tpu.memory_space<vmem>>) dst(%dma_wait3A_92 : memref<128x128xf32, #tpu.memory_space<vmem_shared>>)
      tpu.yield
    }) : () -> ()
    %mul3A_54 = arith.constant 640 : i32
    %mul3A_55 = arith.muli %arg1, %mul3A_54 : i32
    %add3A_56 = arith.constant 384 : i32
    %add3A_57 = arith.addi %mul3A_55, %add3A_56 : i32
    "tpu.region"() ({
      %run_scoped3A = tpu.sem_alloc : memref<!tpu.dma_semaphore, #tpu.memory_space<semaphore_mem>>
      %dma_start3A = arith.constant 0 : i32
      %dma_start3A_87 = tpu.memref_slice %arg14[%add3A_57, %dma_start3A] : memref<10240x128xf32, #tpu.memory_space<vmem_shared>> -> memref<128x128xf32, #tpu.memory_space<vmem_shared>>
      %dma_start3A_88 = arith.constant 0 : i32
      %dma_start3A_89 = tpu.memref_slice %arg14[%add3A_57, %dma_start3A_88] : memref<10240x128xf32, #tpu.memory_space<vmem_shared>> -> memref<128x128xf32, #tpu.memory_space<vmem_shared>>
      tpu.enqueue_dma source(%arg12 : memref<128x128xf32, #tpu.memory_space<vmem>>) target(%dma_start3A_89 : memref<128x128xf32, #tpu.memory_space<vmem_shared>>) target_semaphore(%run_scoped3A : memref<!tpu.dma_semaphore, #tpu.memory_space<semaphore_mem>>)
      %dma_wait3A = arith.constant 0 : i32
      %dma_wait3A_90 = tpu.memref_slice %arg14[%add3A_57, %dma_wait3A] : memref<10240x128xf32, #tpu.memory_space<vmem_shared>> -> memref<128x128xf32, #tpu.memory_space<vmem_shared>>
      %dma_wait3A_91 = arith.constant 0 : i32
      %dma_wait3A_92 = tpu.memref_slice %arg14[%add3A_57, %dma_wait3A_91] : memref<10240x128xf32, #tpu.memory_space<vmem_shared>> -> memref<128x128xf32, #tpu.memory_space<vmem_shared>>
      tpu.wait_dma2 semaphore(%run_scoped3A : memref<!tpu.dma_semaphore, #tpu.memory_space<semaphore_mem>>) src(%arg12 : memref<128x128xf32, #tpu.memory_space<vmem>>) dst(%dma_wait3A_92 : memref<128x128xf32, #tpu.memory_space<vmem_shared>>)
      tpu.yield
    }) : () -> ()
    %mul3A_58 = arith.constant 640 : i32
    %mul3A_59 = arith.muli %arg1, %mul3A_58 : i32
    %add3A_60 = arith.constant 512 : i32
    %add3A_61 = arith.addi %mul3A_59, %add3A_60 : i32
    "tpu.region"() ({
      %run_scoped3A = tpu.sem_alloc : memref<!tpu.dma_semaphore, #tpu.memory_space<semaphore_mem>>
      %dma_start3A = arith.constant 0 : i32
      %dma_start3A_87 = tpu.memref_slice %arg14[%add3A_61, %dma_start3A] : memref<10240x128xf32, #tpu.memory_space<vmem_shared>> -> memref<128x128xf32, #tpu.memory_space<vmem_shared>>
      %dma_start3A_88 = arith.constant 0 : i32
      %dma_start3A_89 = tpu.memref_slice %arg14[%add3A_61, %dma_start3A_88] : memref<10240x128xf32, #tpu.memory_space<vmem_shared>> -> memref<128x128xf32, #tpu.memory_space<vmem_shared>>
      tpu.enqueue_dma source(%arg12 : memref<128x128xf32, #tpu.memory_space<vmem>>) target(%dma_start3A_89 : memref<128x128xf32, #tpu.memory_space<vmem_shared>>) target_semaphore(%run_scoped3A : memref<!tpu.dma_semaphore, #tpu.memory_space<semaphore_mem>>)
      %dma_wait3A = arith.constant 0 : i32
      %dma_wait3A_90 = tpu.memref_slice %arg14[%add3A_61, %dma_wait3A] : memref<10240x128xf32, #tpu.memory_space<vmem_shared>> -> memref<128x128xf32, #tpu.memory_space<vmem_shared>>
      %dma_wait3A_91 = arith.constant 0 : i32
      %dma_wait3A_92 = tpu.memref_slice %arg14[%add3A_61, %dma_wait3A_91] : memref<10240x128xf32, #tpu.memory_space<vmem_shared>> -> memref<128x128xf32, #tpu.memory_space<vmem_shared>>
      tpu.wait_dma2 semaphore(%run_scoped3A : memref<!tpu.dma_semaphore, #tpu.memory_space<semaphore_mem>>) src(%arg12 : memref<128x128xf32, #tpu.memory_space<vmem>>) dst(%dma_wait3A_92 : memref<128x128xf32, #tpu.memory_space<vmem_shared>>)
      tpu.yield
    }) : () -> ()
    %barrier3A = arith.constant 0 : index
    tpu.barrier barrier_id(%barrier3A)
    %scan3A_62 = arith.constant 0 : i32
    %scan3A_63 = arith.constant 0 : i32
    %scan3A_64 = arith.constant 10 : i32
    %scan3A_65 = arith.addi %scan3A_63, %scan3A_64 : i32
    %scan3A_66 = arith.constant 1 : i32
    scf.for %scan3A_87 = %scan3A_63 to %scan3A_65 step %scan3A_66  : i32 {
      %mul3A_88 = arith.constant 160 : i32
      %mul3A_89 = arith.muli %arg1, %mul3A_88 : i32
      %mul3A_90 = arith.constant 16 : i32
      %mul3A_91 = arith.muli %scan3A_87, %mul3A_90 : i32
      %add3A_92 = arith.addi %mul3A_89, %mul3A_91 : i32
      "tpu.region"() ({
        %run_scoped3A = tpu.sem_alloc : memref<!tpu.dma_semaphore, #tpu.memory_space<semaphore_mem>>
        %dma_start3A = arith.constant 0 : i32
        %dma_start3A_99 = tpu.memref_slice %arg3[%add3A_92, %dma_start3A] : memref<2560x128xi32, #tpu.memory_space<hbm>> -> memref<16x128xi32, #tpu.memory_space<hbm>>
        %dma_start3A_100 = arith.constant 0 : i32
        %dma_start3A_101 = tpu.memref_slice %arg3[%add3A_92, %dma_start3A_100] : memref<2560x128xi32, #tpu.memory_space<hbm>> -> memref<16x128xi32, #tpu.memory_space<hbm>>
        tpu.enqueue_dma source(%dma_start3A_101 : memref<16x128xi32, #tpu.memory_space<hbm>>) target(%arg7 : memref<16x128xi32, #tpu.memory_space<vmem>>) target_semaphore(%run_scoped3A : memref<!tpu.dma_semaphore, #tpu.memory_space<semaphore_mem>>)
        %dma_wait3A = arith.constant 0 : i32
        %dma_wait3A_102 = tpu.memref_slice %arg3[%add3A_92, %dma_wait3A] : memref<2560x128xi32, #tpu.memory_space<hbm>> -> memref<16x128xi32, #tpu.memory_space<hbm>>
        %dma_wait3A_103 = arith.constant 0 : i32
        %dma_wait3A_104 = tpu.memref_slice %arg3[%add3A_92, %dma_wait3A_103] : memref<2560x128xi32, #tpu.memory_space<hbm>> -> memref<16x128xi32, #tpu.memory_space<hbm>>
        tpu.wait_dma2 semaphore(%run_scoped3A : memref<!tpu.dma_semaphore, #tpu.memory_space<semaphore_mem>>) src(%dma_wait3A_104 : memref<16x128xi32, #tpu.memory_space<hbm>>) dst(%arg7 : memref<16x128xi32, #tpu.memory_space<vmem>>)
        tpu.yield
      }) : () -> ()
      "tpu.region"() ({
        %run_scoped3A = tpu.sem_alloc : memref<!tpu.dma_semaphore, #tpu.memory_space<semaphore_mem>>
        %dma_start3A = arith.constant 0 : i32
        %dma_start3A_99 = tpu.memref_slice %arg4[%add3A_92, %dma_start3A] : memref<2560x128xf32, #tpu.memory_space<hbm>> -> memref<16x128xf32, #tpu.memory_space<hbm>>
        %dma_start3A_100 = arith.constant 0 : i32
        %dma_start3A_101 = tpu.memref_slice %arg4[%add3A_92, %dma_start3A_100] : memref<2560x128xf32, #tpu.memory_space<hbm>> -> memref<16x128xf32, #tpu.memory_space<hbm>>
        tpu.enqueue_dma source(%dma_start3A_101 : memref<16x128xf32, #tpu.memory_space<hbm>>) target(%arg8 : memref<16x128xf32, #tpu.memory_space<vmem>>) target_semaphore(%run_scoped3A : memref<!tpu.dma_semaphore, #tpu.memory_space<semaphore_mem>>)
        %dma_wait3A = arith.constant 0 : i32
        %dma_wait3A_102 = tpu.memref_slice %arg4[%add3A_92, %dma_wait3A] : memref<2560x128xf32, #tpu.memory_space<hbm>> -> memref<16x128xf32, #tpu.memory_space<hbm>>
        %dma_wait3A_103 = arith.constant 0 : i32
        %dma_wait3A_104 = tpu.memref_slice %arg4[%add3A_92, %dma_wait3A_103] : memref<2560x128xf32, #tpu.memory_space<hbm>> -> memref<16x128xf32, #tpu.memory_space<hbm>>
        tpu.wait_dma2 semaphore(%run_scoped3A : memref<!tpu.dma_semaphore, #tpu.memory_space<semaphore_mem>>) src(%dma_wait3A_104 : memref<16x128xf32, #tpu.memory_space<hbm>>) dst(%arg8 : memref<16x128xf32, #tpu.memory_space<vmem>>)
        tpu.yield
      }) : () -> ()
      %scan3A_93 = arith.constant 0 : i32
      %scan3A_94 = arith.constant 0 : i32
      %scan3A_95 = arith.constant 16 : i32
      %scan3A_96 = arith.addi %scan3A_94, %scan3A_95 : i32
      %scan3A_97 = arith.constant 1 : i32
      scf.for %scan3A_99 = %scan3A_94 to %scan3A_96 step %scan3A_97  : i32 {
        "tpu.region"() ({
          %run_scoped3A = tpu.sem_alloc : memref<!tpu.dma_semaphore, #tpu.memory_space<semaphore_mem>>
          %dma_start3A = arith.constant 0 : i32
          %dma_start3A_100 = tpu.memref_slice %arg8[%scan3A_99, %dma_start3A] : memref<16x128xf32, #tpu.memory_space<vmem>> -> memref<1x128xf32, #tpu.memory_space<vmem>>
          %dma_start3A_101 = tpu.memref_squeeze %dma_start3A_100 : memref<1x128xf32, #tpu.memory_space<vmem>> -> memref<128xf32, #tpu.memory_space<vmem>>
          %dma_start3A_102 = arith.constant 0 : i32
          %dma_start3A_103 = tpu.memref_slice %arg7[%scan3A_99, %dma_start3A_102] : memref<16x128xi32, #tpu.memory_space<vmem>> -> memref<1x128xi32, #tpu.memory_space<vmem>>
          %dma_start3A_104 = tpu.memref_squeeze %dma_start3A_103 : memref<1x128xi32, #tpu.memory_space<vmem>> -> memref<128xi32, #tpu.memory_space<vmem>>
          %dma_start3A_105 = arith.constant 0 : i32
          %dma_start3A_106 = tpu.memref_slice %arg13[%dma_start3A_105] : memref<10240xf32, #tpu.memory_space<vmem_shared>> -> memref<10240xf32, #tpu.memory_space<vmem_shared>>
          tpu.enqueue_indirect_dma source(%dma_start3A_101 : memref<128xf32, #tpu.memory_space<vmem>>) target(%dma_start3A_106 : memref<10240xf32, #tpu.memory_space<vmem_shared>>) offsets(%dma_start3A_104 : memref<128xi32, #tpu.memory_space<vmem>>) semaphore(%run_scoped3A : memref<!tpu.dma_semaphore, #tpu.memory_space<semaphore_mem>>) {add = true}
          %dma_wait3A = arith.constant 0 : i32
          %dma_wait3A_107 = tpu.memref_slice %arg8[%scan3A_99, %dma_wait3A] : memref<16x128xf32, #tpu.memory_space<vmem>> -> memref<1x128xf32, #tpu.memory_space<vmem>>
          %dma_wait3A_108 = tpu.memref_squeeze %dma_wait3A_107 : memref<1x128xf32, #tpu.memory_space<vmem>> -> memref<128xf32, #tpu.memory_space<vmem>>
          %dma_wait3A_109 = arith.constant 0 : i32
          %dma_wait3A_110 = tpu.memref_slice %arg7[%scan3A_99, %dma_wait3A_109] : memref<16x128xi32, #tpu.memory_space<vmem>> -> memref<1x128xi32, #tpu.memory_space<vmem>>
          %dma_wait3A_111 = tpu.memref_squeeze %dma_wait3A_110 : memref<1x128xi32, #tpu.memory_space<vmem>> -> memref<128xi32, #tpu.memory_space<vmem>>
          %dma_wait3A_112 = arith.constant 0 : i32
          %dma_wait3A_113 = tpu.memref_slice %arg13[%dma_wait3A_112] : memref<10240xf32, #tpu.memory_space<vmem_shared>> -> memref<10240xf32, #tpu.memory_space<vmem_shared>>
          tpu.wait_indirect_dma semaphore(%run_scoped3A : memref<!tpu.dma_semaphore, #tpu.memory_space<semaphore_mem>>) src(%dma_wait3A_108 : memref<128xf32, #tpu.memory_space<vmem>>) dst(%dma_wait3A_113 : memref<10240xf32, #tpu.memory_space<vmem_shared>>)
          tpu.yield
        }) : () -> ()
      }
      %scan3A_98 = arith.constant 16 : i32
    }
    %scan3A_67 = arith.constant 10 : i32
    %barrier3A_68 = arith.constant 0 : index
    tpu.barrier barrier_id(%barrier3A_68)
    %mul3A_69 = arith.constant 640 : i32
    %mul3A_70 = arith.muli %arg1, %mul3A_69 : i32
    "tpu.region"() ({
      %run_scoped3A = tpu.sem_alloc : memref<!tpu.dma_semaphore, #tpu.memory_space<semaphore_mem>>
      %dma_start3A = arith.constant 0 : i32
      %dma_start3A_87 = tpu.memref_slice %arg10[%dma_start3A] : memref<10240xf32, #tpu.memory_space<vmem>> -> memref<640xf32, #tpu.memory_space<vmem>>
      %dma_start3A_88 = tpu.memref_slice %arg13[%mul3A_70] : memref<10240xf32, #tpu.memory_space<vmem_shared>> -> memref<640xf32, #tpu.memory_space<vmem_shared>>
      %dma_start3A_89 = arith.constant 0 : i32
      %dma_start3A_90 = tpu.memref_slice %arg10[%dma_start3A_89] : memref<10240xf32, #tpu.memory_space<vmem>> -> memref<640xf32, #tpu.memory_space<vmem>>
      %dma_start3A_91 = tpu.memref_slice %arg13[%mul3A_70] : memref<10240xf32, #tpu.memory_space<vmem_shared>> -> memref<640xf32, #tpu.memory_space<vmem_shared>>
      tpu.enqueue_dma source(%dma_start3A_91 : memref<640xf32, #tpu.memory_space<vmem_shared>>) target(%dma_start3A_90 : memref<640xf32, #tpu.memory_space<vmem>>) target_semaphore(%run_scoped3A : memref<!tpu.dma_semaphore, #tpu.memory_space<semaphore_mem>>)
      %dma_wait3A = arith.constant 0 : i32
      %dma_wait3A_92 = tpu.memref_slice %arg10[%dma_wait3A] : memref<10240xf32, #tpu.memory_space<vmem>> -> memref<640xf32, #tpu.memory_space<vmem>>
      %dma_wait3A_93 = tpu.memref_slice %arg13[%mul3A_70] : memref<10240xf32, #tpu.memory_space<vmem_shared>> -> memref<640xf32, #tpu.memory_space<vmem_shared>>
      %dma_wait3A_94 = arith.constant 0 : i32
      %dma_wait3A_95 = tpu.memref_slice %arg10[%dma_wait3A_94] : memref<10240xf32, #tpu.memory_space<vmem>> -> memref<640xf32, #tpu.memory_space<vmem>>
      %dma_wait3A_96 = tpu.memref_slice %arg13[%mul3A_70] : memref<10240xf32, #tpu.memory_space<vmem_shared>> -> memref<640xf32, #tpu.memory_space<vmem_shared>>
      tpu.wait_dma2 semaphore(%run_scoped3A : memref<!tpu.dma_semaphore, #tpu.memory_space<semaphore_mem>>) src(%dma_wait3A_96 : memref<640xf32, #tpu.memory_space<vmem_shared>>) dst(%dma_wait3A_95 : memref<640xf32, #tpu.memory_space<vmem>>)
      tpu.yield
    }) : () -> ()
    %scan3A_71 = arith.constant 0 : i32
    %scan3A_72 = arith.constant 0 : i32
    %scan3A_73 = arith.constant 40 : i32
    %scan3A_74 = arith.addi %scan3A_72, %scan3A_73 : i32
    %scan3A_75 = arith.constant 1 : i32
    scf.for %scan3A_87 = %scan3A_72 to %scan3A_74 step %scan3A_75  : i32 {
      %mul3A_88 = arith.constant 16 : i32
      %mul3A_89 = arith.muli %scan3A_87, %mul3A_88 : i32
      %get3A = arith.index_cast %mul3A_89 : i32 to index
      %get3A_90 = tpu.vector_load %arg10[%get3A] {strides = array<i32>} : memref<10240xf32, #tpu.memory_space<vmem>>, vector<16xf32>,
      %gt3A = arith.constant 0.000000e+00 : f32
      %gt3A_91 = vector.broadcast %gt3A : f32 to vector<16xf32>
      %gt3A_92 = arith.cmpf ogt, %get3A_90, %gt3A_91 : vector<16xf32>
      %jit3A = arith.constant 1.000000e+00 : f32
      %broadcast_in_dim3A_93 = vector.broadcast %jit3A : f32 to vector<16xf32>
      %select_n3A = arith.select %gt3A_92, %get3A_90, %broadcast_in_dim3A_93 : vector<16xi1>, vector<16xf32>
      %max3A = arith.constant 9.99999971E-10 : f32
      %max3A_94 = vector.broadcast %max3A : f32 to vector<16xf32>
      %max3A_95 = arith.maximumf %select_n3A, %max3A_94 : vector<16xf32>
      %div3A = arith.constant 1.000000e+00 : f32
      %div3A_96 = vector.broadcast %div3A : f32 to vector<16xf32>
      %div3A_97 = arith.divf %div3A_96, %max3A_95 : vector<16xf32>
      %add3A_98 = arith.constant 1.000000e+00 : f32
      %add3A_99 = vector.broadcast %add3A_98 : f32 to vector<16xf32>
      %add3A_100 = arith.addf %add3A_99, %div3A_97 : vector<16xf32>
      %mul3A_101 = arith.constant 5.000000e-01 : f32
      %mul3A_102 = vector.broadcast %mul3A_101 : f32 to vector<16xf32>
      %mul3A_103 = arith.mulf %add3A_100, %mul3A_102 : vector<16xf32>
      %div3A_104 = arith.divf %div3A_97, %mul3A_103 : vector<16xf32>
      %add3A_105 = arith.addf %mul3A_103, %div3A_104 : vector<16xf32>
      %mul3A_106 = arith.constant 5.000000e-01 : f32
      %mul3A_107 = vector.broadcast %mul3A_106 : f32 to vector<16xf32>
      %mul3A_108 = arith.mulf %mul3A_107, %add3A_105 : vector<16xf32>
      %div3A_109 = arith.divf %div3A_97, %mul3A_108 : vector<16xf32>
      %add3A_110 = arith.addf %mul3A_108, %div3A_109 : vector<16xf32>
      %mul3A_111 = arith.constant 5.000000e-01 : f32
      %mul3A_112 = vector.broadcast %mul3A_111 : f32 to vector<16xf32>
      %mul3A_113 = arith.mulf %mul3A_112, %add3A_110 : vector<16xf32>
      %div3A_114 = arith.divf %div3A_97, %mul3A_113 : vector<16xf32>
      %add3A_115 = arith.addf %mul3A_113, %div3A_114 : vector<16xf32>
      %mul3A_116 = arith.constant 5.000000e-01 : f32
      %mul3A_117 = vector.broadcast %mul3A_116 : f32 to vector<16xf32>
      %mul3A_118 = arith.mulf %mul3A_117, %add3A_115 : vector<16xf32>
      %div3A_119 = arith.divf %div3A_97, %mul3A_118 : vector<16xf32>
      %add3A_120 = arith.addf %mul3A_118, %div3A_119 : vector<16xf32>
      %mul3A_121 = arith.constant 5.000000e-01 : f32
      %mul3A_122 = vector.broadcast %mul3A_121 : f32 to vector<16xf32>
      %mul3A_123 = arith.mulf %mul3A_122, %add3A_120 : vector<16xf32>
      %div3A_124 = arith.divf %div3A_97, %mul3A_123 : vector<16xf32>
      %add3A_125 = arith.addf %mul3A_123, %div3A_124 : vector<16xf32>
      %mul3A_126 = arith.constant 5.000000e-01 : f32
      %mul3A_127 = vector.broadcast %mul3A_126 : f32 to vector<16xf32>
      %mul3A_128 = arith.mulf %mul3A_127, %add3A_125 : vector<16xf32>
      %div3A_129 = arith.divf %div3A_97, %mul3A_128 : vector<16xf32>
      %add3A_130 = arith.addf %mul3A_128, %div3A_129 : vector<16xf32>
      %mul3A_131 = arith.constant 5.000000e-01 : f32
      %mul3A_132 = vector.broadcast %mul3A_131 : f32 to vector<16xf32>
      %mul3A_133 = arith.mulf %mul3A_132, %add3A_130 : vector<16xf32>
      %div3A_134 = arith.divf %div3A_97, %mul3A_133 : vector<16xf32>
      %add3A_135 = arith.addf %mul3A_133, %div3A_134 : vector<16xf32>
      %mul3A_136 = arith.constant 5.000000e-01 : f32
      %mul3A_137 = vector.broadcast %mul3A_136 : f32 to vector<16xf32>
      %mul3A_138 = arith.mulf %mul3A_137, %add3A_135 : vector<16xf32>
      %div3A_139 = arith.divf %div3A_97, %mul3A_138 : vector<16xf32>
      %add3A_140 = arith.addf %mul3A_138, %div3A_139 : vector<16xf32>
      %mul3A_141 = arith.constant 5.000000e-01 : f32
      %mul3A_142 = vector.broadcast %mul3A_141 : f32 to vector<16xf32>
      %mul3A_143 = arith.mulf %mul3A_142, %add3A_140 : vector<16xf32>
      %div3A_144 = arith.divf %div3A_97, %mul3A_143 : vector<16xf32>
      %add3A_145 = arith.addf %mul3A_143, %div3A_144 : vector<16xf32>
      %mul3A_146 = arith.constant 5.000000e-01 : f32
      %mul3A_147 = vector.broadcast %mul3A_146 : f32 to vector<16xf32>
      %mul3A_148 = arith.mulf %mul3A_147, %add3A_145 : vector<16xf32>
      %div3A_149 = arith.divf %div3A_97, %mul3A_148 : vector<16xf32>
      %add3A_150 = arith.addf %mul3A_148, %div3A_149 : vector<16xf32>
      %mul3A_151 = arith.constant 5.000000e-01 : f32
      %mul3A_152 = vector.broadcast %mul3A_151 : f32 to vector<16xf32>
      %mul3A_153 = arith.mulf %mul3A_152, %add3A_150 : vector<16xf32>
      %div3A_154 = arith.divf %div3A_97, %mul3A_153 : vector<16xf32>
      %add3A_155 = arith.addf %mul3A_153, %div3A_154 : vector<16xf32>
      %mul3A_156 = arith.constant 5.000000e-01 : f32
      %mul3A_157 = vector.broadcast %mul3A_156 : f32 to vector<16xf32>
      %mul3A_158 = arith.mulf %mul3A_157, %add3A_155 : vector<16xf32>
      %div3A_159 = arith.divf %div3A_97, %mul3A_158 : vector<16xf32>
      %add3A_160 = arith.addf %mul3A_158, %div3A_159 : vector<16xf32>
      %mul3A_161 = arith.constant 5.000000e-01 : f32
      %mul3A_162 = vector.broadcast %mul3A_161 : f32 to vector<16xf32>
      %mul3A_163 = arith.mulf %mul3A_162, %add3A_160 : vector<16xf32>
      %div3A_164 = arith.divf %div3A_97, %mul3A_163 : vector<16xf32>
      %add3A_165 = arith.addf %mul3A_163, %div3A_164 : vector<16xf32>
      %mul3A_166 = arith.constant 5.000000e-01 : f32
      %mul3A_167 = vector.broadcast %mul3A_166 : f32 to vector<16xf32>
      %mul3A_168 = arith.mulf %mul3A_167, %add3A_165 : vector<16xf32>
      %div3A_169 = arith.divf %div3A_97, %mul3A_168 : vector<16xf32>
      %add3A_170 = arith.addf %mul3A_168, %div3A_169 : vector<16xf32>
      %mul3A_171 = arith.constant 5.000000e-01 : f32
      %mul3A_172 = vector.broadcast %mul3A_171 : f32 to vector<16xf32>
      %mul3A_173 = arith.mulf %mul3A_172, %add3A_170 : vector<16xf32>
      %div3A_174 = arith.divf %div3A_97, %mul3A_173 : vector<16xf32>
      %add3A_175 = arith.addf %mul3A_173, %div3A_174 : vector<16xf32>
      %mul3A_176 = arith.constant 5.000000e-01 : f32
      %mul3A_177 = vector.broadcast %mul3A_176 : f32 to vector<16xf32>
      %mul3A_178 = arith.mulf %mul3A_177, %add3A_175 : vector<16xf32>
      %div3A_179 = arith.divf %div3A_97, %mul3A_178 : vector<16xf32>
      %add3A_180 = arith.addf %mul3A_178, %div3A_179 : vector<16xf32>
      %mul3A_181 = arith.constant 5.000000e-01 : f32
      %mul3A_182 = vector.broadcast %mul3A_181 : f32 to vector<16xf32>
      %mul3A_183 = arith.mulf %mul3A_182, %add3A_180 : vector<16xf32>
      %div3A_184 = arith.divf %div3A_97, %mul3A_183 : vector<16xf32>
      %add3A_185 = arith.addf %mul3A_183, %div3A_184 : vector<16xf32>
      %mul3A_186 = arith.constant 5.000000e-01 : f32
      %mul3A_187 = vector.broadcast %mul3A_186 : f32 to vector<16xf32>
      %mul3A_188 = arith.mulf %mul3A_187, %add3A_185 : vector<16xf32>
      %div3A_189 = arith.divf %div3A_97, %mul3A_188 : vector<16xf32>
      %add3A_190 = arith.addf %mul3A_188, %div3A_189 : vector<16xf32>
      %mul3A_191 = arith.constant 5.000000e-01 : f32
      %mul3A_192 = vector.broadcast %mul3A_191 : f32 to vector<16xf32>
      %mul3A_193 = arith.mulf %mul3A_192, %add3A_190 : vector<16xf32>
      %div3A_194 = arith.divf %div3A_97, %mul3A_193 : vector<16xf32>
      %add3A_195 = arith.addf %mul3A_193, %div3A_194 : vector<16xf32>
      %mul3A_196 = arith.constant 5.000000e-01 : f32
      %mul3A_197 = vector.broadcast %mul3A_196 : f32 to vector<16xf32>
      %mul3A_198 = arith.mulf %mul3A_197, %add3A_195 : vector<16xf32>
      %div3A_199 = arith.divf %div3A_97, %mul3A_198 : vector<16xf32>
      %add3A_200 = arith.addf %mul3A_198, %div3A_199 : vector<16xf32>
      %mul3A_201 = arith.constant 5.000000e-01 : f32
      %mul3A_202 = vector.broadcast %mul3A_201 : f32 to vector<16xf32>
      %mul3A_203 = arith.mulf %mul3A_202, %add3A_200 : vector<16xf32>
      %jit3A_204 = arith.constant 0.000000e+00 : f32
      %broadcast_in_dim3A_205 = vector.broadcast %jit3A_204 : f32 to vector<16xf32>
      %select_n3A_206 = arith.select %gt3A_92, %mul3A_203, %broadcast_in_dim3A_205 : vector<16xi1>, vector<16xf32>
      %mul3A_207 = arith.constant 16 : i32
      %mul3A_208 = arith.muli %scan3A_87, %mul3A_207 : i32
      %swap3A_209 = arith.index_cast %mul3A_208 : i32 to index
      %swap3A_210 = tpu.vector_load %arg10[%swap3A_209] {strides = array<i32>} : memref<10240xf32, #tpu.memory_space<vmem>>, vector<16xf32>,
      tpu.vector_store %arg10[%swap3A_209], %select_n3A_206 {strides = array<i32>} : memref<10240xf32, #tpu.memory_space<vmem>>, vector<16xf32>,
    }
    %scan3A_76 = arith.constant 40 : i32
    "tpu.region"() ({
      %run_scoped3A = tpu.sem_alloc : memref<!tpu.dma_semaphore, #tpu.memory_space<semaphore_mem>>
      %dma_start3A = arith.constant 0 : i32
      %dma_start3A_87 = tpu.memref_slice %arg10[%dma_start3A] : memref<10240xf32, #tpu.memory_space<vmem>> -> memref<640xf32, #tpu.memory_space<vmem>>
      %dma_start3A_88 = tpu.memref_slice %arg13[%mul3A_70] : memref<10240xf32, #tpu.memory_space<vmem_shared>> -> memref<640xf32, #tpu.memory_space<vmem_shared>>
      %dma_start3A_89 = tpu.memref_slice %arg13[%mul3A_70] : memref<10240xf32, #tpu.memory_space<vmem_shared>> -> memref<640xf32, #tpu.memory_space<vmem_shared>>
      %dma_start3A_90 = arith.constant 0 : i32
      %dma_start3A_91 = tpu.memref_slice %arg10[%dma_start3A_90] : memref<10240xf32, #tpu.memory_space<vmem>> -> memref<640xf32, #tpu.memory_space<vmem>>
      tpu.enqueue_dma source(%dma_start3A_91 : memref<640xf32, #tpu.memory_space<vmem>>) target(%dma_start3A_89 : memref<640xf32, #tpu.memory_space<vmem_shared>>) target_semaphore(%run_scoped3A : memref<!tpu.dma_semaphore, #tpu.memory_space<semaphore_mem>>)
      %dma_wait3A = arith.constant 0 : i32
      %dma_wait3A_92 = tpu.memref_slice %arg10[%dma_wait3A] : memref<10240xf32, #tpu.memory_space<vmem>> -> memref<640xf32, #tpu.memory_space<vmem>>
      %dma_wait3A_93 = tpu.memref_slice %arg13[%mul3A_70] : memref<10240xf32, #tpu.memory_space<vmem_shared>> -> memref<640xf32, #tpu.memory_space<vmem_shared>>
      %dma_wait3A_94 = tpu.memref_slice %arg13[%mul3A_70] : memref<10240xf32, #tpu.memory_space<vmem_shared>> -> memref<640xf32, #tpu.memory_space<vmem_shared>>
      %dma_wait3A_95 = arith.constant 0 : i32
      %dma_wait3A_96 = tpu.memref_slice %arg10[%dma_wait3A_95] : memref<10240xf32, #tpu.memory_space<vmem>> -> memref<640xf32, #tpu.memory_space<vmem>>
      tpu.wait_dma2 semaphore(%run_scoped3A : memref<!tpu.dma_semaphore, #tpu.memory_space<semaphore_mem>>) src(%dma_wait3A_96 : memref<640xf32, #tpu.memory_space<vmem>>) dst(%dma_wait3A_94 : memref<640xf32, #tpu.memory_space<vmem_shared>>)
      tpu.yield
    }) : () -> ()
    %barrier3A_77 = arith.constant 0 : index
    tpu.barrier barrier_id(%barrier3A_77)
    "tpu.region"() ({
      %run_scoped3A = tpu.sem_alloc : memref<!tpu.dma_semaphore, #tpu.memory_space<semaphore_mem>>
      tpu.enqueue_dma source(%arg13 : memref<10240xf32, #tpu.memory_space<vmem_shared>>) target(%arg10 : memref<10240xf32, #tpu.memory_space<vmem>>) target_semaphore(%run_scoped3A : memref<!tpu.dma_semaphore, #tpu.memory_space<semaphore_mem>>)
      tpu.wait_dma2 semaphore(%run_scoped3A : memref<!tpu.dma_semaphore, #tpu.memory_space<semaphore_mem>>) src(%arg13 : memref<10240xf32, #tpu.memory_space<vmem_shared>>) dst(%arg10 : memref<10240xf32, #tpu.memory_space<vmem>>)
      tpu.yield
    }) : () -> ()
    %scan3A_78 = arith.constant 0 : i32
    %scan3A_79 = arith.constant 0 : i32
    %scan3A_80 = arith.constant 5 : i32
    %scan3A_81 = arith.addi %scan3A_79, %scan3A_80 : i32
    %scan3A_82 = arith.constant 1 : i32
    scf.for %scan3A_87 = %scan3A_79 to %scan3A_81 step %scan3A_82  : i32 {
      %mul3A_88 = arith.constant 80 : i32
      %mul3A_89 = arith.muli %add3A, %mul3A_88 : i32
      %mul3A_90 = arith.constant 16 : i32
      %mul3A_91 = arith.muli %scan3A_87, %mul3A_90 : i32
      %add3A_92 = arith.addi %mul3A_89, %mul3A_91 : i32
      "tpu.region"() ({
        %run_scoped3A = tpu.sem_alloc : memref<!tpu.dma_semaphore, #tpu.memory_space<semaphore_mem>>
        %dma_start3A = arith.constant 0 : i32
        %dma_start3A_99 = tpu.memref_slice %arg2[%add3A_92, %dma_start3A] : memref<2560x128xi32, #tpu.memory_space<hbm>> -> memref<16x128xi32, #tpu.memory_space<hbm>>
        %dma_start3A_100 = arith.constant 0 : i32
        %dma_start3A_101 = tpu.memref_slice %arg2[%add3A_92, %dma_start3A_100] : memref<2560x128xi32, #tpu.memory_space<hbm>> -> memref<16x128xi32, #tpu.memory_space<hbm>>
        tpu.enqueue_dma source(%dma_start3A_101 : memref<16x128xi32, #tpu.memory_space<hbm>>) target(%arg9 : memref<16x128xi32, #tpu.memory_space<vmem>>) target_semaphore(%run_scoped3A : memref<!tpu.dma_semaphore, #tpu.memory_space<semaphore_mem>>)
        %dma_wait3A = arith.constant 0 : i32
        %dma_wait3A_102 = tpu.memref_slice %arg2[%add3A_92, %dma_wait3A] : memref<2560x128xi32, #tpu.memory_space<hbm>> -> memref<16x128xi32, #tpu.memory_space<hbm>>
        %dma_wait3A_103 = arith.constant 0 : i32
        %dma_wait3A_104 = tpu.memref_slice %arg2[%add3A_92, %dma_wait3A_103] : memref<2560x128xi32, #tpu.memory_space<hbm>> -> memref<16x128xi32, #tpu.memory_space<hbm>>
        tpu.wait_dma2 semaphore(%run_scoped3A : memref<!tpu.dma_semaphore, #tpu.memory_space<semaphore_mem>>) src(%dma_wait3A_104 : memref<16x128xi32, #tpu.memory_space<hbm>>) dst(%arg9 : memref<16x128xi32, #tpu.memory_space<vmem>>)
        tpu.yield
      }) : () -> ()
      "tpu.region"() ({
        %run_scoped3A = tpu.sem_alloc : memref<!tpu.dma_semaphore, #tpu.memory_space<semaphore_mem>>
        %dma_start3A = arith.constant 0 : i32
        %dma_start3A_99 = tpu.memref_slice %arg3[%add3A_92, %dma_start3A] : memref<2560x128xi32, #tpu.memory_space<hbm>> -> memref<16x128xi32, #tpu.memory_space<hbm>>
        %dma_start3A_100 = arith.constant 0 : i32
        %dma_start3A_101 = tpu.memref_slice %arg3[%add3A_92, %dma_start3A_100] : memref<2560x128xi32, #tpu.memory_space<hbm>> -> memref<16x128xi32, #tpu.memory_space<hbm>>
        tpu.enqueue_dma source(%dma_start3A_101 : memref<16x128xi32, #tpu.memory_space<hbm>>) target(%arg7 : memref<16x128xi32, #tpu.memory_space<vmem>>) target_semaphore(%run_scoped3A : memref<!tpu.dma_semaphore, #tpu.memory_space<semaphore_mem>>)
        %dma_wait3A = arith.constant 0 : i32
        %dma_wait3A_102 = tpu.memref_slice %arg3[%add3A_92, %dma_wait3A] : memref<2560x128xi32, #tpu.memory_space<hbm>> -> memref<16x128xi32, #tpu.memory_space<hbm>>
        %dma_wait3A_103 = arith.constant 0 : i32
        %dma_wait3A_104 = tpu.memref_slice %arg3[%add3A_92, %dma_wait3A_103] : memref<2560x128xi32, #tpu.memory_space<hbm>> -> memref<16x128xi32, #tpu.memory_space<hbm>>
        tpu.wait_dma2 semaphore(%run_scoped3A : memref<!tpu.dma_semaphore, #tpu.memory_space<semaphore_mem>>) src(%dma_wait3A_104 : memref<16x128xi32, #tpu.memory_space<hbm>>) dst(%arg7 : memref<16x128xi32, #tpu.memory_space<vmem>>)
        tpu.yield
      }) : () -> ()
      "tpu.region"() ({
        %run_scoped3A = tpu.sem_alloc : memref<!tpu.dma_semaphore, #tpu.memory_space<semaphore_mem>>
        %dma_start3A = arith.constant 0 : i32
        %dma_start3A_99 = tpu.memref_slice %arg4[%add3A_92, %dma_start3A] : memref<2560x128xf32, #tpu.memory_space<hbm>> -> memref<16x128xf32, #tpu.memory_space<hbm>>
        %dma_start3A_100 = arith.constant 0 : i32
        %dma_start3A_101 = tpu.memref_slice %arg4[%add3A_92, %dma_start3A_100] : memref<2560x128xf32, #tpu.memory_space<hbm>> -> memref<16x128xf32, #tpu.memory_space<hbm>>
        tpu.enqueue_dma source(%dma_start3A_101 : memref<16x128xf32, #tpu.memory_space<hbm>>) target(%arg8 : memref<16x128xf32, #tpu.memory_space<vmem>>) target_semaphore(%run_scoped3A : memref<!tpu.dma_semaphore, #tpu.memory_space<semaphore_mem>>)
        %dma_wait3A = arith.constant 0 : i32
        %dma_wait3A_102 = tpu.memref_slice %arg4[%add3A_92, %dma_wait3A] : memref<2560x128xf32, #tpu.memory_space<hbm>> -> memref<16x128xf32, #tpu.memory_space<hbm>>
        %dma_wait3A_103 = arith.constant 0 : i32
        %dma_wait3A_104 = tpu.memref_slice %arg4[%add3A_92, %dma_wait3A_103] : memref<2560x128xf32, #tpu.memory_space<hbm>> -> memref<16x128xf32, #tpu.memory_space<hbm>>
        tpu.wait_dma2 semaphore(%run_scoped3A : memref<!tpu.dma_semaphore, #tpu.memory_space<semaphore_mem>>) src(%dma_wait3A_104 : memref<16x128xf32, #tpu.memory_space<hbm>>) dst(%arg8 : memref<16x128xf32, #tpu.memory_space<vmem>>)
        tpu.yield
      }) : () -> ()
      %scan3A_93 = arith.constant 0 : i32
      %scan3A_94 = arith.constant 0 : i32
      %scan3A_95 = arith.constant 16 : i32
      %scan3A_96 = arith.addi %scan3A_94, %scan3A_95 : i32
      %scan3A_97 = arith.constant 1 : i32
      scf.for %scan3A_99 = %scan3A_94 to %scan3A_96 step %scan3A_97  : i32 {
        %dma_start3A = arith.constant 0 : i32
        %dma_start3A_100 = tpu.memref_slice %arg9[%scan3A_99, %dma_start3A] : memref<16x128xi32, #tpu.memory_space<vmem>> -> memref<1x128xi32, #tpu.memory_space<vmem>>
        %dma_start3A_101 = tpu.memref_squeeze %dma_start3A_100 : memref<1x128xi32, #tpu.memory_space<vmem>> -> memref<128xi32, #tpu.memory_space<vmem>>
        %dma_start3A_102 = arith.constant 0 : i32
        %dma_start3A_103 = arith.constant 0 : i32
        %dma_start3A_104 = tpu.memref_slice %arg5[%dma_start3A_102, %dma_start3A_103] : memref<10000x128xf32, #tpu.memory_space<hbm>> -> memref<10000x128xf32, #tpu.memory_space<hbm>>
        tpu.enqueue_indirect_dma source(%dma_start3A_104 : memref<10000x128xf32, #tpu.memory_space<hbm>>) target(%arg12 : memref<128x128xf32, #tpu.memory_space<vmem>>) offsets(%dma_start3A_101 : memref<128xi32, #tpu.memory_space<vmem>>) semaphore(%arg15 : memref<!tpu.dma_semaphore, #tpu.memory_space<semaphore_mem>>)
        %scan3A_105 = arith.constant 0 : i32
        %scan3A_106 = arith.constant 0 : i32
        %scan3A_107 = arith.constant 8 : i32
        %scan3A_108 = arith.addi %scan3A_106, %scan3A_107 : i32
        %scan3A_109 = arith.constant 1 : i32
        scf.for %scan3A_122 = %scan3A_106 to %scan3A_108 step %scan3A_109  : i32 {
          %mul3A_123 = arith.constant 16 : i32
          %mul3A_124 = arith.muli %scan3A_122, %mul3A_123 : i32
          %get3A = arith.index_cast %scan3A_99 : i32 to index
          %get3A_125 = arith.index_cast %mul3A_124 : i32 to index
          %get3A_126 = tpu.vector_load %arg9[%get3A, %get3A_125] {strides = array<i32>} : memref<16x128xi32, #tpu.memory_space<vmem>>, vector<16xi32>,
          %mul3A_127 = arith.constant 16 : i32
          %mul3A_128 = arith.muli %scan3A_122, %mul3A_127 : i32
          %get3A_129 = arith.index_cast %scan3A_99 : i32 to index
          %get3A_130 = arith.index_cast %mul3A_128 : i32 to index
          %get3A_131 = tpu.vector_load %arg7[%get3A_129, %get3A_130] {strides = array<i32>} : memref<16x128xi32, #tpu.memory_space<vmem>>, vector<16xi32>,
          %mul3A_132 = arith.constant 16 : i32
          %mul3A_133 = arith.muli %scan3A_122, %mul3A_132 : i32
          %get3A_134 = arith.index_cast %scan3A_99 : i32 to index
          %get3A_135 = arith.index_cast %mul3A_133 : i32 to index
          %get3A_136 = tpu.vector_load %arg8[%get3A_134, %get3A_135] {strides = array<i32>} : memref<16x128xf32, #tpu.memory_space<vmem>>, vector<16xf32>,
          %gather3A = tpu.vector_load_idx %arg10[%get3A_126] : memref<10240xf32, #tpu.memory_space<vmem>>[vector<16xi32>], vector<16xf32>,
          %gather3A_137 = tpu.vector_load_idx %arg10[%get3A_131] : memref<10240xf32, #tpu.memory_space<vmem>>[vector<16xi32>], vector<16xf32>,
          %mul3A_138 = arith.mulf %gather3A, %get3A_136 : vector<16xf32>
          %mul3A_139 = arith.mulf %mul3A_138, %gather3A_137 : vector<16xf32>
          %mul3A_140 = arith.constant 16 : i32
          %mul3A_141 = arith.muli %scan3A_122, %mul3A_140 : i32
          %swap3A_142 = arith.index_cast %mul3A_141 : i32 to index
          %swap3A_143 = tpu.vector_load %arg11[%swap3A_142] {strides = array<i32>} : memref<128xf32, #tpu.memory_space<vmem>>, vector<16xf32>,
          tpu.vector_store %arg11[%swap3A_142], %mul3A_139 {strides = array<i32>} : memref<128xf32, #tpu.memory_space<vmem>>, vector<16xf32>,
        }
        %scan3A_110 = arith.constant 8 : i32
        %dma_wait3A = arith.constant 0 : i32
        %dma_wait3A_111 = tpu.memref_slice %arg9[%scan3A_99, %dma_wait3A] : memref<16x128xi32, #tpu.memory_space<vmem>> -> memref<1x128xi32, #tpu.memory_space<vmem>>
        %dma_wait3A_112 = tpu.memref_squeeze %dma_wait3A_111 : memref<1x128xi32, #tpu.memory_space<vmem>> -> memref<128xi32, #tpu.memory_space<vmem>>
        %dma_wait3A_113 = arith.constant 0 : i32
        %dma_wait3A_114 = arith.constant 0 : i32
        %dma_wait3A_115 = tpu.memref_slice %arg5[%dma_wait3A_113, %dma_wait3A_114] : memref<10000x128xf32, #tpu.memory_space<hbm>> -> memref<10000x128xf32, #tpu.memory_space<hbm>>
        tpu.wait_indirect_dma semaphore(%arg15 : memref<!tpu.dma_semaphore, #tpu.memory_space<semaphore_mem>>) src(%dma_wait3A_115 : memref<10000x128xf32, #tpu.memory_space<hbm>>) dst(%arg12 : memref<128x128xf32, #tpu.memory_space<vmem>>)
        %scan3A_116 = arith.constant 0 : i32
        %scan3A_117 = arith.constant 0 : i32
        %scan3A_118 = arith.constant 8 : i32
        %scan3A_119 = arith.addi %scan3A_117, %scan3A_118 : i32
        %scan3A_120 = arith.constant 1 : i32
        scf.for %scan3A_122 = %scan3A_117 to %scan3A_119 step %scan3A_120  : i32 {
          %mul3A_123 = arith.constant 16 : i32
          %mul3A_124 = arith.muli %scan3A_122, %mul3A_123 : i32
          %get3A = arith.index_cast %mul3A_124 : i32 to index
          %get3A_125 = tpu.vector_load %arg11[%get3A] {strides = array<i32>} : memref<128xf32, #tpu.memory_space<vmem>>, vector<16xf32>,
          %slice3A = vector.extract_strided_slice %get3A_125 {offsets = [0], sizes = [1], strides = [1]} : vector<16xf32> to vector<1xf32>
          %squeeze3A = vector.extract %slice3A[0] : f32 from vector<1xf32>
          %mul3A_126 = arith.constant 16 : i32
          %mul3A_127 = arith.muli %scan3A_122, %mul3A_126 : i32
          %add3A_128 = arith.constant 0 : i32
          %add3A_129 = arith.addi %mul3A_127, %add3A_128 : i32
          %get3A_130 = arith.index_cast %add3A_129 : i32 to index
          %get3A_131 = arith.constant 0 : index
          %get3A_132 = tpu.vector_load %arg12[%get3A_130, %get3A_131] {strides = array<i32>} : memref<128x128xf32, #tpu.memory_space<vmem>>, vector<16xf32>,
          %mul3A_133 = vector.broadcast %squeeze3A : f32 to vector<16xf32>
          %mul3A_134 = arith.mulf %get3A_132, %mul3A_133 : vector<16xf32>
          %swap3A_135 = arith.index_cast %add3A_129 : i32 to index
          %swap3A_136 = arith.constant 0 : index
          %swap3A_137 = tpu.vector_load %arg12[%swap3A_135, %swap3A_136] {strides = array<i32>} : memref<128x128xf32, #tpu.memory_space<vmem>>, vector<16xf32>,
          tpu.vector_store %arg12[%swap3A_135, %swap3A_136], %mul3A_134 {strides = array<i32>} : memref<128x128xf32, #tpu.memory_space<vmem>>, vector<16xf32>,
          %get3A_138 = arith.index_cast %add3A_129 : i32 to index
          %get3A_139 = arith.constant 16 : index
          %get3A_140 = tpu.vector_load %arg12[%get3A_138, %get3A_139] {strides = array<i32>} : memref<128x128xf32, #tpu.memory_space<vmem>>, vector<16xf32>,
          %mul3A_141 = vector.broadcast %squeeze3A : f32 to vector<16xf32>
          %mul3A_142 = arith.mulf %get3A_140, %mul3A_141 : vector<16xf32>
          %swap3A_143 = arith.index_cast %add3A_129 : i32 to index
          %swap3A_144 = arith.constant 16 : index
          %swap3A_145 = tpu.vector_load %arg12[%swap3A_143, %swap3A_144] {strides = array<i32>} : memref<128x128xf32, #tpu.memory_space<vmem>>, vector<16xf32>,
          tpu.vector_store %arg12[%swap3A_143, %swap3A_144], %mul3A_142 {strides = array<i32>} : memref<128x128xf32, #tpu.memory_space<vmem>>, vector<16xf32>,
          %get3A_146 = arith.index_cast %add3A_129 : i32 to index
          %get3A_147 = arith.constant 32 : index
          %get3A_148 = tpu.vector_load %arg12[%get3A_146, %get3A_147] {strides = array<i32>} : memref<128x128xf32, #tpu.memory_space<vmem>>, vector<16xf32>,
          %mul3A_149 = vector.broadcast %squeeze3A : f32 to vector<16xf32>
          %mul3A_150 = arith.mulf %get3A_148, %mul3A_149 : vector<16xf32>
          %swap3A_151 = arith.index_cast %add3A_129 : i32 to index
          %swap3A_152 = arith.constant 32 : index
          %swap3A_153 = tpu.vector_load %arg12[%swap3A_151, %swap3A_152] {strides = array<i32>} : memref<128x128xf32, #tpu.memory_space<vmem>>, vector<16xf32>,
          tpu.vector_store %arg12[%swap3A_151, %swap3A_152], %mul3A_150 {strides = array<i32>} : memref<128x128xf32, #tpu.memory_space<vmem>>, vector<16xf32>,
          %get3A_154 = arith.index_cast %add3A_129 : i32 to index
          %get3A_155 = arith.constant 48 : index
          %get3A_156 = tpu.vector_load %arg12[%get3A_154, %get3A_155] {strides = array<i32>} : memref<128x128xf32, #tpu.memory_space<vmem>>, vector<16xf32>,
          %mul3A_157 = vector.broadcast %squeeze3A : f32 to vector<16xf32>
          %mul3A_158 = arith.mulf %get3A_156, %mul3A_157 : vector<16xf32>
          %swap3A_159 = arith.index_cast %add3A_129 : i32 to index
          %swap3A_160 = arith.constant 48 : index
          %swap3A_161 = tpu.vector_load %arg12[%swap3A_159, %swap3A_160] {strides = array<i32>} : memref<128x128xf32, #tpu.memory_space<vmem>>, vector<16xf32>,
          tpu.vector_store %arg12[%swap3A_159, %swap3A_160], %mul3A_158 {strides = array<i32>} : memref<128x128xf32, #tpu.memory_space<vmem>>, vector<16xf32>,
          %get3A_162 = arith.index_cast %add3A_129 : i32 to index
          %get3A_163 = arith.constant 64 : index
          %get3A_164 = tpu.vector_load %arg12[%get3A_162, %get3A_163] {strides = array<i32>} : memref<128x128xf32, #tpu.memory_space<vmem>>, vector<16xf32>,
          %mul3A_165 = vector.broadcast %squeeze3A : f32 to vector<16xf32>
          %mul3A_166 = arith.mulf %get3A_164, %mul3A_165 : vector<16xf32>
          %swap3A_167 = arith.index_cast %add3A_129 : i32 to index
          %swap3A_168 = arith.constant 64 : index
          %swap3A_169 = tpu.vector_load %arg12[%swap3A_167, %swap3A_168] {strides = array<i32>} : memref<128x128xf32, #tpu.memory_space<vmem>>, vector<16xf32>,
          tpu.vector_store %arg12[%swap3A_167, %swap3A_168], %mul3A_166 {strides = array<i32>} : memref<128x128xf32, #tpu.memory_space<vmem>>, vector<16xf32>,
          %get3A_170 = arith.index_cast %add3A_129 : i32 to index
          %get3A_171 = arith.constant 80 : index
          %get3A_172 = tpu.vector_load %arg12[%get3A_170, %get3A_171] {strides = array<i32>} : memref<128x128xf32, #tpu.memory_space<vmem>>, vector<16xf32>,
          %mul3A_173 = vector.broadcast %squeeze3A : f32 to vector<16xf32>
          %mul3A_174 = arith.mulf %get3A_172, %mul3A_173 : vector<16xf32>
          %swap3A_175 = arith.index_cast %add3A_129 : i32 to index
          %swap3A_176 = arith.constant 80 : index
          %swap3A_177 = tpu.vector_load %arg12[%swap3A_175, %swap3A_176] {strides = array<i32>} : memref<128x128xf32, #tpu.memory_space<vmem>>, vector<16xf32>,
          tpu.vector_store %arg12[%swap3A_175, %swap3A_176], %mul3A_174 {strides = array<i32>} : memref<128x128xf32, #tpu.memory_space<vmem>>, vector<16xf32>,
          %get3A_178 = arith.index_cast %add3A_129 : i32 to index
          %get3A_179 = arith.constant 96 : index
          %get3A_180 = tpu.vector_load %arg12[%get3A_178, %get3A_179] {strides = array<i32>} : memref<128x128xf32, #tpu.memory_space<vmem>>, vector<16xf32>,
          %mul3A_181 = vector.broadcast %squeeze3A : f32 to vector<16xf32>
          %mul3A_182 = arith.mulf %get3A_180, %mul3A_181 : vector<16xf32>
          %swap3A_183 = arith.index_cast %add3A_129 : i32 to index
          %swap3A_184 = arith.constant 96 : index
          %swap3A_185 = tpu.vector_load %arg12[%swap3A_183, %swap3A_184] {strides = array<i32>} : memref<128x128xf32, #tpu.memory_space<vmem>>, vector<16xf32>,
          tpu.vector_store %arg12[%swap3A_183, %swap3A_184], %mul3A_182 {strides = array<i32>} : memref<128x128xf32, #tpu.memory_space<vmem>>, vector<16xf32>,
          %get3A_186 = arith.index_cast %add3A_129 : i32 to index
          %get3A_187 = arith.constant 112 : index
          %get3A_188 = tpu.vector_load %arg12[%get3A_186, %get3A_187] {strides = array<i32>} : memref<128x128xf32, #tpu.memory_space<vmem>>, vector<16xf32>,
          %mul3A_189 = vector.broadcast %squeeze3A : f32 to vector<16xf32>
          %mul3A_190 = arith.mulf %get3A_188, %mul3A_189 : vector<16xf32>
          %swap3A_191 = arith.index_cast %add3A_129 : i32 to index
          %swap3A_192 = arith.constant 112 : index
          %swap3A_193 = tpu.vector_load %arg12[%swap3A_191, %swap3A_192] {strides = array<i32>} : memref<128x128xf32, #tpu.memory_space<vmem>>, vector<16xf32>,
          tpu.vector_store %arg12[%swap3A_191, %swap3A_192], %mul3A_190 {strides = array<i32>} : memref<128x128xf32, #tpu.memory_space<vmem>>, vector<16xf32>,
          %slice3A_194 = vector.extract_strided_slice %get3A_125 {offsets = [1], sizes = [1], strides = [1]} : vector<16xf32> to vector<1xf32>
          %squeeze3A_195 = vector.extract %slice3A_194[0] : f32 from vector<1xf32>
          %mul3A_196 = arith.constant 16 : i32
          %mul3A_197 = arith.muli %scan3A_122, %mul3A_196 : i32
          %add3A_198 = arith.constant 1 : i32
          %add3A_199 = arith.addi %mul3A_197, %add3A_198 : i32
          %get3A_200 = arith.index_cast %add3A_199 : i32 to index
          %get3A_201 = arith.constant 0 : index
          %get3A_202 = tpu.vector_load %arg12[%get3A_200, %get3A_201] {strides = array<i32>} : memref<128x128xf32, #tpu.memory_space<vmem>>, vector<16xf32>,
          %mul3A_203 = vector.broadcast %squeeze3A_195 : f32 to vector<16xf32>
          %mul3A_204 = arith.mulf %get3A_202, %mul3A_203 : vector<16xf32>
          %swap3A_205 = arith.index_cast %add3A_199 : i32 to index
          %swap3A_206 = arith.constant 0 : index
          %swap3A_207 = tpu.vector_load %arg12[%swap3A_205, %swap3A_206] {strides = array<i32>} : memref<128x128xf32, #tpu.memory_space<vmem>>, vector<16xf32>,
          tpu.vector_store %arg12[%swap3A_205, %swap3A_206], %mul3A_204 {strides = array<i32>} : memref<128x128xf32, #tpu.memory_space<vmem>>, vector<16xf32>,
          %get3A_208 = arith.index_cast %add3A_199 : i32 to index
          %get3A_209 = arith.constant 16 : index
          %get3A_210 = tpu.vector_load %arg12[%get3A_208, %get3A_209] {strides = array<i32>} : memref<128x128xf32, #tpu.memory_space<vmem>>, vector<16xf32>,
          %mul3A_211 = vector.broadcast %squeeze3A_195 : f32 to vector<16xf32>
          %mul3A_212 = arith.mulf %get3A_210, %mul3A_211 : vector<16xf32>
          %swap3A_213 = arith.index_cast %add3A_199 : i32 to index
          %swap3A_214 = arith.constant 16 : index
          %swap3A_215 = tpu.vector_load %arg12[%swap3A_213, %swap3A_214] {strides = array<i32>} : memref<128x128xf32, #tpu.memory_space<vmem>>, vector<16xf32>,
          tpu.vector_store %arg12[%swap3A_213, %swap3A_214], %mul3A_212 {strides = array<i32>} : memref<128x128xf32, #tpu.memory_space<vmem>>, vector<16xf32>,
          %get3A_216 = arith.index_cast %add3A_199 : i32 to index
          %get3A_217 = arith.constant 32 : index
          %get3A_218 = tpu.vector_load %arg12[%get3A_216, %get3A_217] {strides = array<i32>} : memref<128x128xf32, #tpu.memory_space<vmem>>, vector<16xf32>,
          %mul3A_219 = vector.broadcast %squeeze3A_195 : f32 to vector<16xf32>
          %mul3A_220 = arith.mulf %get3A_218, %mul3A_219 : vector<16xf32>
          %swap3A_221 = arith.index_cast %add3A_199 : i32 to index
          %swap3A_222 = arith.constant 32 : index
          %swap3A_223 = tpu.vector_load %arg12[%swap3A_221, %swap3A_222] {strides = array<i32>} : memref<128x128xf32, #tpu.memory_space<vmem>>, vector<16xf32>,
          tpu.vector_store %arg12[%swap3A_221, %swap3A_222], %mul3A_220 {strides = array<i32>} : memref<128x128xf32, #tpu.memory_space<vmem>>, vector<16xf32>,
          %get3A_224 = arith.index_cast %add3A_199 : i32 to index
          %get3A_225 = arith.constant 48 : index
          %get3A_226 = tpu.vector_load %arg12[%get3A_224, %get3A_225] {strides = array<i32>} : memref<128x128xf32, #tpu.memory_space<vmem>>, vector<16xf32>,
          %mul3A_227 = vector.broadcast %squeeze3A_195 : f32 to vector<16xf32>
          %mul3A_228 = arith.mulf %get3A_226, %mul3A_227 : vector<16xf32>
          %swap3A_229 = arith.index_cast %add3A_199 : i32 to index
          %swap3A_230 = arith.constant 48 : index
          %swap3A_231 = tpu.vector_load %arg12[%swap3A_229, %swap3A_230] {strides = array<i32>} : memref<128x128xf32, #tpu.memory_space<vmem>>, vector<16xf32>,
          tpu.vector_store %arg12[%swap3A_229, %swap3A_230], %mul3A_228 {strides = array<i32>} : memref<128x128xf32, #tpu.memory_space<vmem>>, vector<16xf32>,
          %get3A_232 = arith.index_cast %add3A_199 : i32 to index
          %get3A_233 = arith.constant 64 : index
          %get3A_234 = tpu.vector_load %arg12[%get3A_232, %get3A_233] {strides = array<i32>} : memref<128x128xf32, #tpu.memory_space<vmem>>, vector<16xf32>,
          %mul3A_235 = vector.broadcast %squeeze3A_195 : f32 to vector<16xf32>
          %mul3A_236 = arith.mulf %get3A_234, %mul3A_235 : vector<16xf32>
          %swap3A_237 = arith.index_cast %add3A_199 : i32 to index
          %swap3A_238 = arith.constant 64 : index
          %swap3A_239 = tpu.vector_load %arg12[%swap3A_237, %swap3A_238] {strides = array<i32>} : memref<128x128xf32, #tpu.memory_space<vmem>>, vector<16xf32>,
          tpu.vector_store %arg12[%swap3A_237, %swap3A_238], %mul3A_236 {strides = array<i32>} : memref<128x128xf32, #tpu.memory_space<vmem>>, vector<16xf32>,
          %get3A_240 = arith.index_cast %add3A_199 : i32 to index
          %get3A_241 = arith.constant 80 : index
          %get3A_242 = tpu.vector_load %arg12[%get3A_240, %get3A_241] {strides = array<i32>} : memref<128x128xf32, #tpu.memory_space<vmem>>, vector<16xf32>,
          %mul3A_243 = vector.broadcast %squeeze3A_195 : f32 to vector<16xf32>
          %mul3A_244 = arith.mulf %get3A_242, %mul3A_243 : vector<16xf32>
          %swap3A_245 = arith.index_cast %add3A_199 : i32 to index
          %swap3A_246 = arith.constant 80 : index
          %swap3A_247 = tpu.vector_load %arg12[%swap3A_245, %swap3A_246] {strides = array<i32>} : memref<128x128xf32, #tpu.memory_space<vmem>>, vector<16xf32>,
          tpu.vector_store %arg12[%swap3A_245, %swap3A_246], %mul3A_244 {strides = array<i32>} : memref<128x128xf32, #tpu.memory_space<vmem>>, vector<16xf32>,
          %get3A_248 = arith.index_cast %add3A_199 : i32 to index
          %get3A_249 = arith.constant 96 : index
          %get3A_250 = tpu.vector_load %arg12[%get3A_248, %get3A_249] {strides = array<i32>} : memref<128x128xf32, #tpu.memory_space<vmem>>, vector<16xf32>,
          %mul3A_251 = vector.broadcast %squeeze3A_195 : f32 to vector<16xf32>
          %mul3A_252 = arith.mulf %get3A_250, %mul3A_251 : vector<16xf32>
          %swap3A_253 = arith.index_cast %add3A_199 : i32 to index
          %swap3A_254 = arith.constant 96 : index
          %swap3A_255 = tpu.vector_load %arg12[%swap3A_253, %swap3A_254] {strides = array<i32>} : memref<128x128xf32, #tpu.memory_space<vmem>>, vector<16xf32>,
          tpu.vector_store %arg12[%swap3A_253, %swap3A_254], %mul3A_252 {strides = array<i32>} : memref<128x128xf32, #tpu.memory_space<vmem>>, vector<16xf32>,
          %get3A_256 = arith.index_cast %add3A_199 : i32 to index
          %get3A_257 = arith.constant 112 : index
          %get3A_258 = tpu.vector_load %arg12[%get3A_256, %get3A_257] {strides = array<i32>} : memref<128x128xf32, #tpu.memory_space<vmem>>, vector<16xf32>,
          %mul3A_259 = vector.broadcast %squeeze3A_195 : f32 to vector<16xf32>
          %mul3A_260 = arith.mulf %get3A_258, %mul3A_259 : vector<16xf32>
          %swap3A_261 = arith.index_cast %add3A_199 : i32 to index
          %swap3A_262 = arith.constant 112 : index
          %swap3A_263 = tpu.vector_load %arg12[%swap3A_261, %swap3A_262] {strides = array<i32>} : memref<128x128xf32, #tpu.memory_space<vmem>>, vector<16xf32>,
          tpu.vector_store %arg12[%swap3A_261, %swap3A_262], %mul3A_260 {strides = array<i32>} : memref<128x128xf32, #tpu.memory_space<vmem>>, vector<16xf32>,
          %slice3A_264 = vector.extract_strided_slice %get3A_125 {offsets = [2], sizes = [1], strides = [1]} : vector<16xf32> to vector<1xf32>
          %squeeze3A_265 = vector.extract %slice3A_264[0] : f32 from vector<1xf32>
          %mul3A_266 = arith.constant 16 : i32
          %mul3A_267 = arith.muli %scan3A_122, %mul3A_266 : i32
          %add3A_268 = arith.constant 2 : i32
          %add3A_269 = arith.addi %mul3A_267, %add3A_268 : i32
          %get3A_270 = arith.index_cast %add3A_269 : i32 to index
          %get3A_271 = arith.constant 0 : index
          %get3A_272 = tpu.vector_load %arg12[%get3A_270, %get3A_271] {strides = array<i32>} : memref<128x128xf32, #tpu.memory_space<vmem>>, vector<16xf32>,
          %mul3A_273 = vector.broadcast %squeeze3A_265 : f32 to vector<16xf32>
          %mul3A_274 = arith.mulf %get3A_272, %mul3A_273 : vector<16xf32>
          %swap3A_275 = arith.index_cast %add3A_269 : i32 to index
          %swap3A_276 = arith.constant 0 : index
          %swap3A_277 = tpu.vector_load %arg12[%swap3A_275, %swap3A_276] {strides = array<i32>} : memref<128x128xf32, #tpu.memory_space<vmem>>, vector<16xf32>,
          tpu.vector_store %arg12[%swap3A_275, %swap3A_276], %mul3A_274 {strides = array<i32>} : memref<128x128xf32, #tpu.memory_space<vmem>>, vector<16xf32>,
          %get3A_278 = arith.index_cast %add3A_269 : i32 to index
          %get3A_279 = arith.constant 16 : index
          %get3A_280 = tpu.vector_load %arg12[%get3A_278, %get3A_279] {strides = array<i32>} : memref<128x128xf32, #tpu.memory_space<vmem>>, vector<16xf32>,
          %mul3A_281 = vector.broadcast %squeeze3A_265 : f32 to vector<16xf32>
          %mul3A_282 = arith.mulf %get3A_280, %mul3A_281 : vector<16xf32>
          %swap3A_283 = arith.index_cast %add3A_269 : i32 to index
          %swap3A_284 = arith.constant 16 : index
          %swap3A_285 = tpu.vector_load %arg12[%swap3A_283, %swap3A_284] {strides = array<i32>} : memref<128x128xf32, #tpu.memory_space<vmem>>, vector<16xf32>,
          tpu.vector_store %arg12[%swap3A_283, %swap3A_284], %mul3A_282 {strides = array<i32>} : memref<128x128xf32, #tpu.memory_space<vmem>>, vector<16xf32>,
          %get3A_286 = arith.index_cast %add3A_269 : i32 to index
          %get3A_287 = arith.constant 32 : index
          %get3A_288 = tpu.vector_load %arg12[%get3A_286, %get3A_287] {strides = array<i32>} : memref<128x128xf32, #tpu.memory_space<vmem>>, vector<16xf32>,
          %mul3A_289 = vector.broadcast %squeeze3A_265 : f32 to vector<16xf32>
          %mul3A_290 = arith.mulf %get3A_288, %mul3A_289 : vector<16xf32>
          %swap3A_291 = arith.index_cast %add3A_269 : i32 to index
          %swap3A_292 = arith.constant 32 : index
          %swap3A_293 = tpu.vector_load %arg12[%swap3A_291, %swap3A_292] {strides = array<i32>} : memref<128x128xf32, #tpu.memory_space<vmem>>, vector<16xf32>,
          tpu.vector_store %arg12[%swap3A_291, %swap3A_292], %mul3A_290 {strides = array<i32>} : memref<128x128xf32, #tpu.memory_space<vmem>>, vector<16xf32>,
          %get3A_294 = arith.index_cast %add3A_269 : i32 to index
          %get3A_295 = arith.constant 48 : index
          %get3A_296 = tpu.vector_load %arg12[%get3A_294, %get3A_295] {strides = array<i32>} : memref<128x128xf32, #tpu.memory_space<vmem>>, vector<16xf32>,
          %mul3A_297 = vector.broadcast %squeeze3A_265 : f32 to vector<16xf32>
          %mul3A_298 = arith.mulf %get3A_296, %mul3A_297 : vector<16xf32>
          %swap3A_299 = arith.index_cast %add3A_269 : i32 to index
          %swap3A_300 = arith.constant 48 : index
          %swap3A_301 = tpu.vector_load %arg12[%swap3A_299, %swap3A_300] {strides = array<i32>} : memref<128x128xf32, #tpu.memory_space<vmem>>, vector<16xf32>,
          tpu.vector_store %arg12[%swap3A_299, %swap3A_300], %mul3A_298 {strides = array<i32>} : memref<128x128xf32, #tpu.memory_space<vmem>>, vector<16xf32>,
          %get3A_302 = arith.index_cast %add3A_269 : i32 to index
          %get3A_303 = arith.constant 64 : index
          %get3A_304 = tpu.vector_load %arg12[%get3A_302, %get3A_303] {strides = array<i32>} : memref<128x128xf32, #tpu.memory_space<vmem>>, vector<16xf32>,
          %mul3A_305 = vector.broadcast %squeeze3A_265 : f32 to vector<16xf32>
          %mul3A_306 = arith.mulf %get3A_304, %mul3A_305 : vector<16xf32>
          %swap3A_307 = arith.index_cast %add3A_269 : i32 to index
          %swap3A_308 = arith.constant 64 : index
          %swap3A_309 = tpu.vector_load %arg12[%swap3A_307, %swap3A_308] {strides = array<i32>} : memref<128x128xf32, #tpu.memory_space<vmem>>, vector<16xf32>,
          tpu.vector_store %arg12[%swap3A_307, %swap3A_308], %mul3A_306 {strides = array<i32>} : memref<128x128xf32, #tpu.memory_space<vmem>>, vector<16xf32>,
          %get3A_310 = arith.index_cast %add3A_269 : i32 to index
          %get3A_311 = arith.constant 80 : index
          %get3A_312 = tpu.vector_load %arg12[%get3A_310, %get3A_311] {strides = array<i32>} : memref<128x128xf32, #tpu.memory_space<vmem>>, vector<16xf32>,
          %mul3A_313 = vector.broadcast %squeeze3A_265 : f32 to vector<16xf32>
          %mul3A_314 = arith.mulf %get3A_312, %mul3A_313 : vector<16xf32>
          %swap3A_315 = arith.index_cast %add3A_269 : i32 to index
          %swap3A_316 = arith.constant 80 : index
          %swap3A_317 = tpu.vector_load %arg12[%swap3A_315, %swap3A_316] {strides = array<i32>} : memref<128x128xf32, #tpu.memory_space<vmem>>, vector<16xf32>,
          tpu.vector_store %arg12[%swap3A_315, %swap3A_316], %mul3A_314 {strides = array<i32>} : memref<128x128xf32, #tpu.memory_space<vmem>>, vector<16xf32>,
          %get3A_318 = arith.index_cast %add3A_269 : i32 to index
          %get3A_319 = arith.constant 96 : index
          %get3A_320 = tpu.vector_load %arg12[%get3A_318, %get3A_319] {strides = array<i32>} : memref<128x128xf32, #tpu.memory_space<vmem>>, vector<16xf32>,
          %mul3A_321 = vector.broadcast %squeeze3A_265 : f32 to vector<16xf32>
          %mul3A_322 = arith.mulf %get3A_320, %mul3A_321 : vector<16xf32>
          %swap3A_323 = arith.index_cast %add3A_269 : i32 to index
          %swap3A_324 = arith.constant 96 : index
          %swap3A_325 = tpu.vector_load %arg12[%swap3A_323, %swap3A_324] {strides = array<i32>} : memref<128x128xf32, #tpu.memory_space<vmem>>, vector<16xf32>,
          tpu.vector_store %arg12[%swap3A_323, %swap3A_324], %mul3A_322 {strides = array<i32>} : memref<128x128xf32, #tpu.memory_space<vmem>>, vector<16xf32>,
          %get3A_326 = arith.index_cast %add3A_269 : i32 to index
          %get3A_327 = arith.constant 112 : index
          %get3A_328 = tpu.vector_load %arg12[%get3A_326, %get3A_327] {strides = array<i32>} : memref<128x128xf32, #tpu.memory_space<vmem>>, vector<16xf32>,
          %mul3A_329 = vector.broadcast %squeeze3A_265 : f32 to vector<16xf32>
          %mul3A_330 = arith.mulf %get3A_328, %mul3A_329 : vector<16xf32>
          %swap3A_331 = arith.index_cast %add3A_269 : i32 to index
          %swap3A_332 = arith.constant 112 : index
          %swap3A_333 = tpu.vector_load %arg12[%swap3A_331, %swap3A_332] {strides = array<i32>} : memref<128x128xf32, #tpu.memory_space<vmem>>, vector<16xf32>,
          tpu.vector_store %arg12[%swap3A_331, %swap3A_332], %mul3A_330 {strides = array<i32>} : memref<128x128xf32, #tpu.memory_space<vmem>>, vector<16xf32>,
          %slice3A_334 = vector.extract_strided_slice %get3A_125 {offsets = [3], sizes = [1], strides = [1]} : vector<16xf32> to vector<1xf32>
          %squeeze3A_335 = vector.extract %slice3A_334[0] : f32 from vector<1xf32>
          %mul3A_336 = arith.constant 16 : i32
          %mul3A_337 = arith.muli %scan3A_122, %mul3A_336 : i32
          %add3A_338 = arith.constant 3 : i32
          %add3A_339 = arith.addi %mul3A_337, %add3A_338 : i32
          %get3A_340 = arith.index_cast %add3A_339 : i32 to index
          %get3A_341 = arith.constant 0 : index
          %get3A_342 = tpu.vector_load %arg12[%get3A_340, %get3A_341] {strides = array<i32>} : memref<128x128xf32, #tpu.memory_space<vmem>>, vector<16xf32>,
          %mul3A_343 = vector.broadcast %squeeze3A_335 : f32 to vector<16xf32>
          %mul3A_344 = arith.mulf %get3A_342, %mul3A_343 : vector<16xf32>
          %swap3A_345 = arith.index_cast %add3A_339 : i32 to index
          %swap3A_346 = arith.constant 0 : index
          %swap3A_347 = tpu.vector_load %arg12[%swap3A_345, %swap3A_346] {strides = array<i32>} : memref<128x128xf32, #tpu.memory_space<vmem>>, vector<16xf32>,
          tpu.vector_store %arg12[%swap3A_345, %swap3A_346], %mul3A_344 {strides = array<i32>} : memref<128x128xf32, #tpu.memory_space<vmem>>, vector<16xf32>,
          %get3A_348 = arith.index_cast %add3A_339 : i32 to index
          %get3A_349 = arith.constant 16 : index
          %get3A_350 = tpu.vector_load %arg12[%get3A_348, %get3A_349] {strides = array<i32>} : memref<128x128xf32, #tpu.memory_space<vmem>>, vector<16xf32>,
          %mul3A_351 = vector.broadcast %squeeze3A_335 : f32 to vector<16xf32>
          %mul3A_352 = arith.mulf %get3A_350, %mul3A_351 : vector<16xf32>
          %swap3A_353 = arith.index_cast %add3A_339 : i32 to index
          %swap3A_354 = arith.constant 16 : index
          %swap3A_355 = tpu.vector_load %arg12[%swap3A_353, %swap3A_354] {strides = array<i32>} : memref<128x128xf32, #tpu.memory_space<vmem>>, vector<16xf32>,
          tpu.vector_store %arg12[%swap3A_353, %swap3A_354], %mul3A_352 {strides = array<i32>} : memref<128x128xf32, #tpu.memory_space<vmem>>, vector<16xf32>,
          %get3A_356 = arith.index_cast %add3A_339 : i32 to index
          %get3A_357 = arith.constant 32 : index
          %get3A_358 = tpu.vector_load %arg12[%get3A_356, %get3A_357] {strides = array<i32>} : memref<128x128xf32, #tpu.memory_space<vmem>>, vector<16xf32>,
          %mul3A_359 = vector.broadcast %squeeze3A_335 : f32 to vector<16xf32>
          %mul3A_360 = arith.mulf %get3A_358, %mul3A_359 : vector<16xf32>
          %swap3A_361 = arith.index_cast %add3A_339 : i32 to index
          %swap3A_362 = arith.constant 32 : index
          %swap3A_363 = tpu.vector_load %arg12[%swap3A_361, %swap3A_362] {strides = array<i32>} : memref<128x128xf32, #tpu.memory_space<vmem>>, vector<16xf32>,
          tpu.vector_store %arg12[%swap3A_361, %swap3A_362], %mul3A_360 {strides = array<i32>} : memref<128x128xf32, #tpu.memory_space<vmem>>, vector<16xf32>,
          %get3A_364 = arith.index_cast %add3A_339 : i32 to index
          %get3A_365 = arith.constant 48 : index
          %get3A_366 = tpu.vector_load %arg12[%get3A_364, %get3A_365] {strides = array<i32>} : memref<128x128xf32, #tpu.memory_space<vmem>>, vector<16xf32>,
          %mul3A_367 = vector.broadcast %squeeze3A_335 : f32 to vector<16xf32>
          %mul3A_368 = arith.mulf %get3A_366, %mul3A_367 : vector<16xf32>
          %swap3A_369 = arith.index_cast %add3A_339 : i32 to index
          %swap3A_370 = arith.constant 48 : index
          %swap3A_371 = tpu.vector_load %arg12[%swap3A_369, %swap3A_370] {strides = array<i32>} : memref<128x128xf32, #tpu.memory_space<vmem>>, vector<16xf32>,
          tpu.vector_store %arg12[%swap3A_369, %swap3A_370], %mul3A_368 {strides = array<i32>} : memref<128x128xf32, #tpu.memory_space<vmem>>, vector<16xf32>,
          %get3A_372 = arith.index_cast %add3A_339 : i32 to index
          %get3A_373 = arith.constant 64 : index
          %get3A_374 = tpu.vector_load %arg12[%get3A_372, %get3A_373] {strides = array<i32>} : memref<128x128xf32, #tpu.memory_space<vmem>>, vector<16xf32>,
          %mul3A_375 = vector.broadcast %squeeze3A_335 : f32 to vector<16xf32>
          %mul3A_376 = arith.mulf %get3A_374, %mul3A_375 : vector<16xf32>
          %swap3A_377 = arith.index_cast %add3A_339 : i32 to index
          %swap3A_378 = arith.constant 64 : index
          %swap3A_379 = tpu.vector_load %arg12[%swap3A_377, %swap3A_378] {strides = array<i32>} : memref<128x128xf32, #tpu.memory_space<vmem>>, vector<16xf32>,
          tpu.vector_store %arg12[%swap3A_377, %swap3A_378], %mul3A_376 {strides = array<i32>} : memref<128x128xf32, #tpu.memory_space<vmem>>, vector<16xf32>,
          %get3A_380 = arith.index_cast %add3A_339 : i32 to index
          %get3A_381 = arith.constant 80 : index
          %get3A_382 = tpu.vector_load %arg12[%get3A_380, %get3A_381] {strides = array<i32>} : memref<128x128xf32, #tpu.memory_space<vmem>>, vector<16xf32>,
          %mul3A_383 = vector.broadcast %squeeze3A_335 : f32 to vector<16xf32>
          %mul3A_384 = arith.mulf %get3A_382, %mul3A_383 : vector<16xf32>
          %swap3A_385 = arith.index_cast %add3A_339 : i32 to index
          %swap3A_386 = arith.constant 80 : index
          %swap3A_387 = tpu.vector_load %arg12[%swap3A_385, %swap3A_386] {strides = array<i32>} : memref<128x128xf32, #tpu.memory_space<vmem>>, vector<16xf32>,
          tpu.vector_store %arg12[%swap3A_385, %swap3A_386], %mul3A_384 {strides = array<i32>} : memref<128x128xf32, #tpu.memory_space<vmem>>, vector<16xf32>,
          %get3A_388 = arith.index_cast %add3A_339 : i32 to index
          %get3A_389 = arith.constant 96 : index
          %get3A_390 = tpu.vector_load %arg12[%get3A_388, %get3A_389] {strides = array<i32>} : memref<128x128xf32, #tpu.memory_space<vmem>>, vector<16xf32>,
          %mul3A_391 = vector.broadcast %squeeze3A_335 : f32 to vector<16xf32>
          %mul3A_392 = arith.mulf %get3A_390, %mul3A_391 : vector<16xf32>
          %swap3A_393 = arith.index_cast %add3A_339 : i32 to index
          %swap3A_394 = arith.constant 96 : index
          %swap3A_395 = tpu.vector_load %arg12[%swap3A_393, %swap3A_394] {strides = array<i32>} : memref<128x128xf32, #tpu.memory_space<vmem>>, vector<16xf32>,
          tpu.vector_store %arg12[%swap3A_393, %swap3A_394], %mul3A_392 {strides = array<i32>} : memref<128x128xf32, #tpu.memory_space<vmem>>, vector<16xf32>,
          %get3A_396 = arith.index_cast %add3A_339 : i32 to index
          %get3A_397 = arith.constant 112 : index
          %get3A_398 = tpu.vector_load %arg12[%get3A_396, %get3A_397] {strides = array<i32>} : memref<128x128xf32, #tpu.memory_space<vmem>>, vector<16xf32>,
          %mul3A_399 = vector.broadcast %squeeze3A_335 : f32 to vector<16xf32>
          %mul3A_400 = arith.mulf %get3A_398, %mul3A_399 : vector<16xf32>
          %swap3A_401 = arith.index_cast %add3A_339 : i32 to index
          %swap3A_402 = arith.constant 112 : index
          %swap3A_403 = tpu.vector_load %arg12[%swap3A_401, %swap3A_402] {strides = array<i32>} : memref<128x128xf32, #tpu.memory_space<vmem>>, vector<16xf32>,
          tpu.vector_store %arg12[%swap3A_401, %swap3A_402], %mul3A_400 {strides = array<i32>} : memref<128x128xf32, #tpu.memory_space<vmem>>, vector<16xf32>,
          %slice3A_404 = vector.extract_strided_slice %get3A_125 {offsets = [4], sizes = [1], strides = [1]} : vector<16xf32> to vector<1xf32>
          %squeeze3A_405 = vector.extract %slice3A_404[0] : f32 from vector<1xf32>
          %mul3A_406 = arith.constant 16 : i32
          %mul3A_407 = arith.muli %scan3A_122, %mul3A_406 : i32
          %add3A_408 = arith.constant 4 : i32
          %add3A_409 = arith.addi %mul3A_407, %add3A_408 : i32
          %get3A_410 = arith.index_cast %add3A_409 : i32 to index
          %get3A_411 = arith.constant 0 : index
          %get3A_412 = tpu.vector_load %arg12[%get3A_410, %get3A_411] {strides = array<i32>} : memref<128x128xf32, #tpu.memory_space<vmem>>, vector<16xf32>,
          %mul3A_413 = vector.broadcast %squeeze3A_405 : f32 to vector<16xf32>
          %mul3A_414 = arith.mulf %get3A_412, %mul3A_413 : vector<16xf32>
          %swap3A_415 = arith.index_cast %add3A_409 : i32 to index
          %swap3A_416 = arith.constant 0 : index
          %swap3A_417 = tpu.vector_load %arg12[%swap3A_415, %swap3A_416] {strides = array<i32>} : memref<128x128xf32, #tpu.memory_space<vmem>>, vector<16xf32>,
          tpu.vector_store %arg12[%swap3A_415, %swap3A_416], %mul3A_414 {strides = array<i32>} : memref<128x128xf32, #tpu.memory_space<vmem>>, vector<16xf32>,
          %get3A_418 = arith.index_cast %add3A_409 : i32 to index
          %get3A_419 = arith.constant 16 : index
          %get3A_420 = tpu.vector_load %arg12[%get3A_418, %get3A_419] {strides = array<i32>} : memref<128x128xf32, #tpu.memory_space<vmem>>, vector<16xf32>,
          %mul3A_421 = vector.broadcast %squeeze3A_405 : f32 to vector<16xf32>
          %mul3A_422 = arith.mulf %get3A_420, %mul3A_421 : vector<16xf32>
          %swap3A_423 = arith.index_cast %add3A_409 : i32 to index
          %swap3A_424 = arith.constant 16 : index
          %swap3A_425 = tpu.vector_load %arg12[%swap3A_423, %swap3A_424] {strides = array<i32>} : memref<128x128xf32, #tpu.memory_space<vmem>>, vector<16xf32>,
          tpu.vector_store %arg12[%swap3A_423, %swap3A_424], %mul3A_422 {strides = array<i32>} : memref<128x128xf32, #tpu.memory_space<vmem>>, vector<16xf32>,
          %get3A_426 = arith.index_cast %add3A_409 : i32 to index
          %get3A_427 = arith.constant 32 : index
          %get3A_428 = tpu.vector_load %arg12[%get3A_426, %get3A_427] {strides = array<i32>} : memref<128x128xf32, #tpu.memory_space<vmem>>, vector<16xf32>,
          %mul3A_429 = vector.broadcast %squeeze3A_405 : f32 to vector<16xf32>
          %mul3A_430 = arith.mulf %get3A_428, %mul3A_429 : vector<16xf32>
          %swap3A_431 = arith.index_cast %add3A_409 : i32 to index
          %swap3A_432 = arith.constant 32 : index
          %swap3A_433 = tpu.vector_load %arg12[%swap3A_431, %swap3A_432] {strides = array<i32>} : memref<128x128xf32, #tpu.memory_space<vmem>>, vector<16xf32>,
          tpu.vector_store %arg12[%swap3A_431, %swap3A_432], %mul3A_430 {strides = array<i32>} : memref<128x128xf32, #tpu.memory_space<vmem>>, vector<16xf32>,
          %get3A_434 = arith.index_cast %add3A_409 : i32 to index
          %get3A_435 = arith.constant 48 : index
          %get3A_436 = tpu.vector_load %arg12[%get3A_434, %get3A_435] {strides = array<i32>} : memref<128x128xf32, #tpu.memory_space<vmem>>, vector<16xf32>,
          %mul3A_437 = vector.broadcast %squeeze3A_405 : f32 to vector<16xf32>
          %mul3A_438 = arith.mulf %get3A_436, %mul3A_437 : vector<16xf32>
          %swap3A_439 = arith.index_cast %add3A_409 : i32 to index
          %swap3A_440 = arith.constant 48 : index
          %swap3A_441 = tpu.vector_load %arg12[%swap3A_439, %swap3A_440] {strides = array<i32>} : memref<128x128xf32, #tpu.memory_space<vmem>>, vector<16xf32>,
          tpu.vector_store %arg12[%swap3A_439, %swap3A_440], %mul3A_438 {strides = array<i32>} : memref<128x128xf32, #tpu.memory_space<vmem>>, vector<16xf32>,
          %get3A_442 = arith.index_cast %add3A_409 : i32 to index
          %get3A_443 = arith.constant 64 : index
          %get3A_444 = tpu.vector_load %arg12[%get3A_442, %get3A_443] {strides = array<i32>} : memref<128x128xf32, #tpu.memory_space<vmem>>, vector<16xf32>,
          %mul3A_445 = vector.broadcast %squeeze3A_405 : f32 to vector<16xf32>
          %mul3A_446 = arith.mulf %get3A_444, %mul3A_445 : vector<16xf32>
          %swap3A_447 = arith.index_cast %add3A_409 : i32 to index
          %swap3A_448 = arith.constant 64 : index
          %swap3A_449 = tpu.vector_load %arg12[%swap3A_447, %swap3A_448] {strides = array<i32>} : memref<128x128xf32, #tpu.memory_space<vmem>>, vector<16xf32>,
          tpu.vector_store %arg12[%swap3A_447, %swap3A_448], %mul3A_446 {strides = array<i32>} : memref<128x128xf32, #tpu.memory_space<vmem>>, vector<16xf32>,
          %get3A_450 = arith.index_cast %add3A_409 : i32 to index
          %get3A_451 = arith.constant 80 : index
          %get3A_452 = tpu.vector_load %arg12[%get3A_450, %get3A_451] {strides = array<i32>} : memref<128x128xf32, #tpu.memory_space<vmem>>, vector<16xf32>,
          %mul3A_453 = vector.broadcast %squeeze3A_405 : f32 to vector<16xf32>
          %mul3A_454 = arith.mulf %get3A_452, %mul3A_453 : vector<16xf32>
          %swap3A_455 = arith.index_cast %add3A_409 : i32 to index
          %swap3A_456 = arith.constant 80 : index
          %swap3A_457 = tpu.vector_load %arg12[%swap3A_455, %swap3A_456] {strides = array<i32>} : memref<128x128xf32, #tpu.memory_space<vmem>>, vector<16xf32>,
          tpu.vector_store %arg12[%swap3A_455, %swap3A_456], %mul3A_454 {strides = array<i32>} : memref<128x128xf32, #tpu.memory_space<vmem>>, vector<16xf32>,
          %get3A_458 = arith.index_cast %add3A_409 : i32 to index
          %get3A_459 = arith.constant 96 : index
          %get3A_460 = tpu.vector_load %arg12[%get3A_458, %get3A_459] {strides = array<i32>} : memref<128x128xf32, #tpu.memory_space<vmem>>, vector<16xf32>,
          %mul3A_461 = vector.broadcast %squeeze3A_405 : f32 to vector<16xf32>
          %mul3A_462 = arith.mulf %get3A_460, %mul3A_461 : vector<16xf32>
          %swap3A_463 = arith.index_cast %add3A_409 : i32 to index
          %swap3A_464 = arith.constant 96 : index
          %swap3A_465 = tpu.vector_load %arg12[%swap3A_463, %swap3A_464] {strides = array<i32>} : memref<128x128xf32, #tpu.memory_space<vmem>>, vector<16xf32>,
          tpu.vector_store %arg12[%swap3A_463, %swap3A_464], %mul3A_462 {strides = array<i32>} : memref<128x128xf32, #tpu.memory_space<vmem>>, vector<16xf32>,
          %get3A_466 = arith.index_cast %add3A_409 : i32 to index
          %get3A_467 = arith.constant 112 : index
          %get3A_468 = tpu.vector_load %arg12[%get3A_466, %get3A_467] {strides = array<i32>} : memref<128x128xf32, #tpu.memory_space<vmem>>, vector<16xf32>,
          %mul3A_469 = vector.broadcast %squeeze3A_405 : f32 to vector<16xf32>
          %mul3A_470 = arith.mulf %get3A_468, %mul3A_469 : vector<16xf32>
          %swap3A_471 = arith.index_cast %add3A_409 : i32 to index
          %swap3A_472 = arith.constant 112 : index
          %swap3A_473 = tpu.vector_load %arg12[%swap3A_471, %swap3A_472] {strides = array<i32>} : memref<128x128xf32, #tpu.memory_space<vmem>>, vector<16xf32>,
          tpu.vector_store %arg12[%swap3A_471, %swap3A_472], %mul3A_470 {strides = array<i32>} : memref<128x128xf32, #tpu.memory_space<vmem>>, vector<16xf32>,
          %slice3A_474 = vector.extract_strided_slice %get3A_125 {offsets = [5], sizes = [1], strides = [1]} : vector<16xf32> to vector<1xf32>
          %squeeze3A_475 = vector.extract %slice3A_474[0] : f32 from vector<1xf32>
          %mul3A_476 = arith.constant 16 : i32
          %mul3A_477 = arith.muli %scan3A_122, %mul3A_476 : i32
          %add3A_478 = arith.constant 5 : i32
          %add3A_479 = arith.addi %mul3A_477, %add3A_478 : i32
          %get3A_480 = arith.index_cast %add3A_479 : i32 to index
          %get3A_481 = arith.constant 0 : index
          %get3A_482 = tpu.vector_load %arg12[%get3A_480, %get3A_481] {strides = array<i32>} : memref<128x128xf32, #tpu.memory_space<vmem>>, vector<16xf32>,
          %mul3A_483 = vector.broadcast %squeeze3A_475 : f32 to vector<16xf32>
          %mul3A_484 = arith.mulf %get3A_482, %mul3A_483 : vector<16xf32>
          %swap3A_485 = arith.index_cast %add3A_479 : i32 to index
          %swap3A_486 = arith.constant 0 : index
          %swap3A_487 = tpu.vector_load %arg12[%swap3A_485, %swap3A_486] {strides = array<i32>} : memref<128x128xf32, #tpu.memory_space<vmem>>, vector<16xf32>,
          tpu.vector_store %arg12[%swap3A_485, %swap3A_486], %mul3A_484 {strides = array<i32>} : memref<128x128xf32, #tpu.memory_space<vmem>>, vector<16xf32>,
          %get3A_488 = arith.index_cast %add3A_479 : i32 to index
          %get3A_489 = arith.constant 16 : index
          %get3A_490 = tpu.vector_load %arg12[%get3A_488, %get3A_489] {strides = array<i32>} : memref<128x128xf32, #tpu.memory_space<vmem>>, vector<16xf32>,
          %mul3A_491 = vector.broadcast %squeeze3A_475 : f32 to vector<16xf32>
          %mul3A_492 = arith.mulf %get3A_490, %mul3A_491 : vector<16xf32>
          %swap3A_493 = arith.index_cast %add3A_479 : i32 to index
          %swap3A_494 = arith.constant 16 : index
          %swap3A_495 = tpu.vector_load %arg12[%swap3A_493, %swap3A_494] {strides = array<i32>} : memref<128x128xf32, #tpu.memory_space<vmem>>, vector<16xf32>,
          tpu.vector_store %arg12[%swap3A_493, %swap3A_494], %mul3A_492 {strides = array<i32>} : memref<128x128xf32, #tpu.memory_space<vmem>>, vector<16xf32>,
          %get3A_496 = arith.index_cast %add3A_479 : i32 to index
          %get3A_497 = arith.constant 32 : index
          %get3A_498 = tpu.vector_load %arg12[%get3A_496, %get3A_497] {strides = array<i32>} : memref<128x128xf32, #tpu.memory_space<vmem>>, vector<16xf32>,
          %mul3A_499 = vector.broadcast %squeeze3A_475 : f32 to vector<16xf32>
          %mul3A_500 = arith.mulf %get3A_498, %mul3A_499 : vector<16xf32>
          %swap3A_501 = arith.index_cast %add3A_479 : i32 to index
          %swap3A_502 = arith.constant 32 : index
          %swap3A_503 = tpu.vector_load %arg12[%swap3A_501, %swap3A_502] {strides = array<i32>} : memref<128x128xf32, #tpu.memory_space<vmem>>, vector<16xf32>,
          tpu.vector_store %arg12[%swap3A_501, %swap3A_502], %mul3A_500 {strides = array<i32>} : memref<128x128xf32, #tpu.memory_space<vmem>>, vector<16xf32>,
          %get3A_504 = arith.index_cast %add3A_479 : i32 to index
          %get3A_505 = arith.constant 48 : index
          %get3A_506 = tpu.vector_load %arg12[%get3A_504, %get3A_505] {strides = array<i32>} : memref<128x128xf32, #tpu.memory_space<vmem>>, vector<16xf32>,
          %mul3A_507 = vector.broadcast %squeeze3A_475 : f32 to vector<16xf32>
          %mul3A_508 = arith.mulf %get3A_506, %mul3A_507 : vector<16xf32>
          %swap3A_509 = arith.index_cast %add3A_479 : i32 to index
          %swap3A_510 = arith.constant 48 : index
          %swap3A_511 = tpu.vector_load %arg12[%swap3A_509, %swap3A_510] {strides = array<i32>} : memref<128x128xf32, #tpu.memory_space<vmem>>, vector<16xf32>,
          tpu.vector_store %arg12[%swap3A_509, %swap3A_510], %mul3A_508 {strides = array<i32>} : memref<128x128xf32, #tpu.memory_space<vmem>>, vector<16xf32>,
          %get3A_512 = arith.index_cast %add3A_479 : i32 to index
          %get3A_513 = arith.constant 64 : index
          %get3A_514 = tpu.vector_load %arg12[%get3A_512, %get3A_513] {strides = array<i32>} : memref<128x128xf32, #tpu.memory_space<vmem>>, vector<16xf32>,
          %mul3A_515 = vector.broadcast %squeeze3A_475 : f32 to vector<16xf32>
          %mul3A_516 = arith.mulf %get3A_514, %mul3A_515 : vector<16xf32>
          %swap3A_517 = arith.index_cast %add3A_479 : i32 to index
          %swap3A_518 = arith.constant 64 : index
          %swap3A_519 = tpu.vector_load %arg12[%swap3A_517, %swap3A_518] {strides = array<i32>} : memref<128x128xf32, #tpu.memory_space<vmem>>, vector<16xf32>,
          tpu.vector_store %arg12[%swap3A_517, %swap3A_518], %mul3A_516 {strides = array<i32>} : memref<128x128xf32, #tpu.memory_space<vmem>>, vector<16xf32>,
          %get3A_520 = arith.index_cast %add3A_479 : i32 to index
          %get3A_521 = arith.constant 80 : index
          %get3A_522 = tpu.vector_load %arg12[%get3A_520, %get3A_521] {strides = array<i32>} : memref<128x128xf32, #tpu.memory_space<vmem>>, vector<16xf32>,
          %mul3A_523 = vector.broadcast %squeeze3A_475 : f32 to vector<16xf32>
          %mul3A_524 = arith.mulf %get3A_522, %mul3A_523 : vector<16xf32>
          %swap3A_525 = arith.index_cast %add3A_479 : i32 to index
          %swap3A_526 = arith.constant 80 : index
          %swap3A_527 = tpu.vector_load %arg12[%swap3A_525, %swap3A_526] {strides = array<i32>} : memref<128x128xf32, #tpu.memory_space<vmem>>, vector<16xf32>,
          tpu.vector_store %arg12[%swap3A_525, %swap3A_526], %mul3A_524 {strides = array<i32>} : memref<128x128xf32, #tpu.memory_space<vmem>>, vector<16xf32>,
          %get3A_528 = arith.index_cast %add3A_479 : i32 to index
          %get3A_529 = arith.constant 96 : index
          %get3A_530 = tpu.vector_load %arg12[%get3A_528, %get3A_529] {strides = array<i32>} : memref<128x128xf32, #tpu.memory_space<vmem>>, vector<16xf32>,
          %mul3A_531 = vector.broadcast %squeeze3A_475 : f32 to vector<16xf32>
          %mul3A_532 = arith.mulf %get3A_530, %mul3A_531 : vector<16xf32>
          %swap3A_533 = arith.index_cast %add3A_479 : i32 to index
          %swap3A_534 = arith.constant 96 : index
          %swap3A_535 = tpu.vector_load %arg12[%swap3A_533, %swap3A_534] {strides = array<i32>} : memref<128x128xf32, #tpu.memory_space<vmem>>, vector<16xf32>,
          tpu.vector_store %arg12[%swap3A_533, %swap3A_534], %mul3A_532 {strides = array<i32>} : memref<128x128xf32, #tpu.memory_space<vmem>>, vector<16xf32>,
          %get3A_536 = arith.index_cast %add3A_479 : i32 to index
          %get3A_537 = arith.constant 112 : index
          %get3A_538 = tpu.vector_load %arg12[%get3A_536, %get3A_537] {strides = array<i32>} : memref<128x128xf32, #tpu.memory_space<vmem>>, vector<16xf32>,
          %mul3A_539 = vector.broadcast %squeeze3A_475 : f32 to vector<16xf32>
          %mul3A_540 = arith.mulf %get3A_538, %mul3A_539 : vector<16xf32>
          %swap3A_541 = arith.index_cast %add3A_479 : i32 to index
          %swap3A_542 = arith.constant 112 : index
          %swap3A_543 = tpu.vector_load %arg12[%swap3A_541, %swap3A_542] {strides = array<i32>} : memref<128x128xf32, #tpu.memory_space<vmem>>, vector<16xf32>,
          tpu.vector_store %arg12[%swap3A_541, %swap3A_542], %mul3A_540 {strides = array<i32>} : memref<128x128xf32, #tpu.memory_space<vmem>>, vector<16xf32>,
          %slice3A_544 = vector.extract_strided_slice %get3A_125 {offsets = [6], sizes = [1], strides = [1]} : vector<16xf32> to vector<1xf32>
          %squeeze3A_545 = vector.extract %slice3A_544[0] : f32 from vector<1xf32>
          %mul3A_546 = arith.constant 16 : i32
          %mul3A_547 = arith.muli %scan3A_122, %mul3A_546 : i32
          %add3A_548 = arith.constant 6 : i32
          %add3A_549 = arith.addi %mul3A_547, %add3A_548 : i32
          %get3A_550 = arith.index_cast %add3A_549 : i32 to index
          %get3A_551 = arith.constant 0 : index
          %get3A_552 = tpu.vector_load %arg12[%get3A_550, %get3A_551] {strides = array<i32>} : memref<128x128xf32, #tpu.memory_space<vmem>>, vector<16xf32>,
          %mul3A_553 = vector.broadcast %squeeze3A_545 : f32 to vector<16xf32>
          %mul3A_554 = arith.mulf %get3A_552, %mul3A_553 : vector<16xf32>
          %swap3A_555 = arith.index_cast %add3A_549 : i32 to index
          %swap3A_556 = arith.constant 0 : index
          %swap3A_557 = tpu.vector_load %arg12[%swap3A_555, %swap3A_556] {strides = array<i32>} : memref<128x128xf32, #tpu.memory_space<vmem>>, vector<16xf32>,
          tpu.vector_store %arg12[%swap3A_555, %swap3A_556], %mul3A_554 {strides = array<i32>} : memref<128x128xf32, #tpu.memory_space<vmem>>, vector<16xf32>,
          %get3A_558 = arith.index_cast %add3A_549 : i32 to index
          %get3A_559 = arith.constant 16 : index
          %get3A_560 = tpu.vector_load %arg12[%get3A_558, %get3A_559] {strides = array<i32>} : memref<128x128xf32, #tpu.memory_space<vmem>>, vector<16xf32>,
          %mul3A_561 = vector.broadcast %squeeze3A_545 : f32 to vector<16xf32>
          %mul3A_562 = arith.mulf %get3A_560, %mul3A_561 : vector<16xf32>
          %swap3A_563 = arith.index_cast %add3A_549 : i32 to index
          %swap3A_564 = arith.constant 16 : index
          %swap3A_565 = tpu.vector_load %arg12[%swap3A_563, %swap3A_564] {strides = array<i32>} : memref<128x128xf32, #tpu.memory_space<vmem>>, vector<16xf32>,
          tpu.vector_store %arg12[%swap3A_563, %swap3A_564], %mul3A_562 {strides = array<i32>} : memref<128x128xf32, #tpu.memory_space<vmem>>, vector<16xf32>,
          %get3A_566 = arith.index_cast %add3A_549 : i32 to index
          %get3A_567 = arith.constant 32 : index
          %get3A_568 = tpu.vector_load %arg12[%get3A_566, %get3A_567] {strides = array<i32>} : memref<128x128xf32, #tpu.memory_space<vmem>>, vector<16xf32>,
          %mul3A_569 = vector.broadcast %squeeze3A_545 : f32 to vector<16xf32>
          %mul3A_570 = arith.mulf %get3A_568, %mul3A_569 : vector<16xf32>
          %swap3A_571 = arith.index_cast %add3A_549 : i32 to index
          %swap3A_572 = arith.constant 32 : index
          %swap3A_573 = tpu.vector_load %arg12[%swap3A_571, %swap3A_572] {strides = array<i32>} : memref<128x128xf32, #tpu.memory_space<vmem>>, vector<16xf32>,
          tpu.vector_store %arg12[%swap3A_571, %swap3A_572], %mul3A_570 {strides = array<i32>} : memref<128x128xf32, #tpu.memory_space<vmem>>, vector<16xf32>,
          %get3A_574 = arith.index_cast %add3A_549 : i32 to index
          %get3A_575 = arith.constant 48 : index
          %get3A_576 = tpu.vector_load %arg12[%get3A_574, %get3A_575] {strides = array<i32>} : memref<128x128xf32, #tpu.memory_space<vmem>>, vector<16xf32>,
          %mul3A_577 = vector.broadcast %squeeze3A_545 : f32 to vector<16xf32>
          %mul3A_578 = arith.mulf %get3A_576, %mul3A_577 : vector<16xf32>
          %swap3A_579 = arith.index_cast %add3A_549 : i32 to index
          %swap3A_580 = arith.constant 48 : index
          %swap3A_581 = tpu.vector_load %arg12[%swap3A_579, %swap3A_580] {strides = array<i32>} : memref<128x128xf32, #tpu.memory_space<vmem>>, vector<16xf32>,
          tpu.vector_store %arg12[%swap3A_579, %swap3A_580], %mul3A_578 {strides = array<i32>} : memref<128x128xf32, #tpu.memory_space<vmem>>, vector<16xf32>,
          %get3A_582 = arith.index_cast %add3A_549 : i32 to index
          %get3A_583 = arith.constant 64 : index
          %get3A_584 = tpu.vector_load %arg12[%get3A_582, %get3A_583] {strides = array<i32>} : memref<128x128xf32, #tpu.memory_space<vmem>>, vector<16xf32>,
          %mul3A_585 = vector.broadcast %squeeze3A_545 : f32 to vector<16xf32>
          %mul3A_586 = arith.mulf %get3A_584, %mul3A_585 : vector<16xf32>
          %swap3A_587 = arith.index_cast %add3A_549 : i32 to index
          %swap3A_588 = arith.constant 64 : index
          %swap3A_589 = tpu.vector_load %arg12[%swap3A_587, %swap3A_588] {strides = array<i32>} : memref<128x128xf32, #tpu.memory_space<vmem>>, vector<16xf32>,
          tpu.vector_store %arg12[%swap3A_587, %swap3A_588], %mul3A_586 {strides = array<i32>} : memref<128x128xf32, #tpu.memory_space<vmem>>, vector<16xf32>,
          %get3A_590 = arith.index_cast %add3A_549 : i32 to index
          %get3A_591 = arith.constant 80 : index
          %get3A_592 = tpu.vector_load %arg12[%get3A_590, %get3A_591] {strides = array<i32>} : memref<128x128xf32, #tpu.memory_space<vmem>>, vector<16xf32>,
          %mul3A_593 = vector.broadcast %squeeze3A_545 : f32 to vector<16xf32>
          %mul3A_594 = arith.mulf %get3A_592, %mul3A_593 : vector<16xf32>
          %swap3A_595 = arith.index_cast %add3A_549 : i32 to index
          %swap3A_596 = arith.constant 80 : index
          %swap3A_597 = tpu.vector_load %arg12[%swap3A_595, %swap3A_596] {strides = array<i32>} : memref<128x128xf32, #tpu.memory_space<vmem>>, vector<16xf32>,
          tpu.vector_store %arg12[%swap3A_595, %swap3A_596], %mul3A_594 {strides = array<i32>} : memref<128x128xf32, #tpu.memory_space<vmem>>, vector<16xf32>,
          %get3A_598 = arith.index_cast %add3A_549 : i32 to index
          %get3A_599 = arith.constant 96 : index
          %get3A_600 = tpu.vector_load %arg12[%get3A_598, %get3A_599] {strides = array<i32>} : memref<128x128xf32, #tpu.memory_space<vmem>>, vector<16xf32>,
          %mul3A_601 = vector.broadcast %squeeze3A_545 : f32 to vector<16xf32>
          %mul3A_602 = arith.mulf %get3A_600, %mul3A_601 : vector<16xf32>
          %swap3A_603 = arith.index_cast %add3A_549 : i32 to index
          %swap3A_604 = arith.constant 96 : index
          %swap3A_605 = tpu.vector_load %arg12[%swap3A_603, %swap3A_604] {strides = array<i32>} : memref<128x128xf32, #tpu.memory_space<vmem>>, vector<16xf32>,
          tpu.vector_store %arg12[%swap3A_603, %swap3A_604], %mul3A_602 {strides = array<i32>} : memref<128x128xf32, #tpu.memory_space<vmem>>, vector<16xf32>,
          %get3A_606 = arith.index_cast %add3A_549 : i32 to index
          %get3A_607 = arith.constant 112 : index
          %get3A_608 = tpu.vector_load %arg12[%get3A_606, %get3A_607] {strides = array<i32>} : memref<128x128xf32, #tpu.memory_space<vmem>>, vector<16xf32>,
          %mul3A_609 = vector.broadcast %squeeze3A_545 : f32 to vector<16xf32>
          %mul3A_610 = arith.mulf %get3A_608, %mul3A_609 : vector<16xf32>
          %swap3A_611 = arith.index_cast %add3A_549 : i32 to index
          %swap3A_612 = arith.constant 112 : index
          %swap3A_613 = tpu.vector_load %arg12[%swap3A_611, %swap3A_612] {strides = array<i32>} : memref<128x128xf32, #tpu.memory_space<vmem>>, vector<16xf32>,
          tpu.vector_store %arg12[%swap3A_611, %swap3A_612], %mul3A_610 {strides = array<i32>} : memref<128x128xf32, #tpu.memory_space<vmem>>, vector<16xf32>,
          %slice3A_614 = vector.extract_strided_slice %get3A_125 {offsets = [7], sizes = [1], strides = [1]} : vector<16xf32> to vector<1xf32>
          %squeeze3A_615 = vector.extract %slice3A_614[0] : f32 from vector<1xf32>
          %mul3A_616 = arith.constant 16 : i32
          %mul3A_617 = arith.muli %scan3A_122, %mul3A_616 : i32
          %add3A_618 = arith.constant 7 : i32
          %add3A_619 = arith.addi %mul3A_617, %add3A_618 : i32
          %get3A_620 = arith.index_cast %add3A_619 : i32 to index
          %get3A_621 = arith.constant 0 : index
          %get3A_622 = tpu.vector_load %arg12[%get3A_620, %get3A_621] {strides = array<i32>} : memref<128x128xf32, #tpu.memory_space<vmem>>, vector<16xf32>,
          %mul3A_623 = vector.broadcast %squeeze3A_615 : f32 to vector<16xf32>
          %mul3A_624 = arith.mulf %get3A_622, %mul3A_623 : vector<16xf32>
          %swap3A_625 = arith.index_cast %add3A_619 : i32 to index
          %swap3A_626 = arith.constant 0 : index
          %swap3A_627 = tpu.vector_load %arg12[%swap3A_625, %swap3A_626] {strides = array<i32>} : memref<128x128xf32, #tpu.memory_space<vmem>>, vector<16xf32>,
          tpu.vector_store %arg12[%swap3A_625, %swap3A_626], %mul3A_624 {strides = array<i32>} : memref<128x128xf32, #tpu.memory_space<vmem>>, vector<16xf32>,
          %get3A_628 = arith.index_cast %add3A_619 : i32 to index
          %get3A_629 = arith.constant 16 : index
          %get3A_630 = tpu.vector_load %arg12[%get3A_628, %get3A_629] {strides = array<i32>} : memref<128x128xf32, #tpu.memory_space<vmem>>, vector<16xf32>,
          %mul3A_631 = vector.broadcast %squeeze3A_615 : f32 to vector<16xf32>
          %mul3A_632 = arith.mulf %get3A_630, %mul3A_631 : vector<16xf32>
          %swap3A_633 = arith.index_cast %add3A_619 : i32 to index
          %swap3A_634 = arith.constant 16 : index
          %swap3A_635 = tpu.vector_load %arg12[%swap3A_633, %swap3A_634] {strides = array<i32>} : memref<128x128xf32, #tpu.memory_space<vmem>>, vector<16xf32>,
          tpu.vector_store %arg12[%swap3A_633, %swap3A_634], %mul3A_632 {strides = array<i32>} : memref<128x128xf32, #tpu.memory_space<vmem>>, vector<16xf32>,
          %get3A_636 = arith.index_cast %add3A_619 : i32 to index
          %get3A_637 = arith.constant 32 : index
          %get3A_638 = tpu.vector_load %arg12[%get3A_636, %get3A_637] {strides = array<i32>} : memref<128x128xf32, #tpu.memory_space<vmem>>, vector<16xf32>,
          %mul3A_639 = vector.broadcast %squeeze3A_615 : f32 to vector<16xf32>
          %mul3A_640 = arith.mulf %get3A_638, %mul3A_639 : vector<16xf32>
          %swap3A_641 = arith.index_cast %add3A_619 : i32 to index
          %swap3A_642 = arith.constant 32 : index
          %swap3A_643 = tpu.vector_load %arg12[%swap3A_641, %swap3A_642] {strides = array<i32>} : memref<128x128xf32, #tpu.memory_space<vmem>>, vector<16xf32>,
          tpu.vector_store %arg12[%swap3A_641, %swap3A_642], %mul3A_640 {strides = array<i32>} : memref<128x128xf32, #tpu.memory_space<vmem>>, vector<16xf32>,
          %get3A_644 = arith.index_cast %add3A_619 : i32 to index
          %get3A_645 = arith.constant 48 : index
          %get3A_646 = tpu.vector_load %arg12[%get3A_644, %get3A_645] {strides = array<i32>} : memref<128x128xf32, #tpu.memory_space<vmem>>, vector<16xf32>,
          %mul3A_647 = vector.broadcast %squeeze3A_615 : f32 to vector<16xf32>
          %mul3A_648 = arith.mulf %get3A_646, %mul3A_647 : vector<16xf32>
          %swap3A_649 = arith.index_cast %add3A_619 : i32 to index
          %swap3A_650 = arith.constant 48 : index
          %swap3A_651 = tpu.vector_load %arg12[%swap3A_649, %swap3A_650] {strides = array<i32>} : memref<128x128xf32, #tpu.memory_space<vmem>>, vector<16xf32>,
          tpu.vector_store %arg12[%swap3A_649, %swap3A_650], %mul3A_648 {strides = array<i32>} : memref<128x128xf32, #tpu.memory_space<vmem>>, vector<16xf32>,
          %get3A_652 = arith.index_cast %add3A_619 : i32 to index
          %get3A_653 = arith.constant 64 : index
          %get3A_654 = tpu.vector_load %arg12[%get3A_652, %get3A_653] {strides = array<i32>} : memref<128x128xf32, #tpu.memory_space<vmem>>, vector<16xf32>,
          %mul3A_655 = vector.broadcast %squeeze3A_615 : f32 to vector<16xf32>
          %mul3A_656 = arith.mulf %get3A_654, %mul3A_655 : vector<16xf32>
          %swap3A_657 = arith.index_cast %add3A_619 : i32 to index
          %swap3A_658 = arith.constant 64 : index
          %swap3A_659 = tpu.vector_load %arg12[%swap3A_657, %swap3A_658] {strides = array<i32>} : memref<128x128xf32, #tpu.memory_space<vmem>>, vector<16xf32>,
          tpu.vector_store %arg12[%swap3A_657, %swap3A_658], %mul3A_656 {strides = array<i32>} : memref<128x128xf32, #tpu.memory_space<vmem>>, vector<16xf32>,
          %get3A_660 = arith.index_cast %add3A_619 : i32 to index
          %get3A_661 = arith.constant 80 : index
          %get3A_662 = tpu.vector_load %arg12[%get3A_660, %get3A_661] {strides = array<i32>} : memref<128x128xf32, #tpu.memory_space<vmem>>, vector<16xf32>,
          %mul3A_663 = vector.broadcast %squeeze3A_615 : f32 to vector<16xf32>
          %mul3A_664 = arith.mulf %get3A_662, %mul3A_663 : vector<16xf32>
          %swap3A_665 = arith.index_cast %add3A_619 : i32 to index
          %swap3A_666 = arith.constant 80 : index
          %swap3A_667 = tpu.vector_load %arg12[%swap3A_665, %swap3A_666] {strides = array<i32>} : memref<128x128xf32, #tpu.memory_space<vmem>>, vector<16xf32>,
          tpu.vector_store %arg12[%swap3A_665, %swap3A_666], %mul3A_664 {strides = array<i32>} : memref<128x128xf32, #tpu.memory_space<vmem>>, vector<16xf32>,
          %get3A_668 = arith.index_cast %add3A_619 : i32 to index
          %get3A_669 = arith.constant 96 : index
          %get3A_670 = tpu.vector_load %arg12[%get3A_668, %get3A_669] {strides = array<i32>} : memref<128x128xf32, #tpu.memory_space<vmem>>, vector<16xf32>,
          %mul3A_671 = vector.broadcast %squeeze3A_615 : f32 to vector<16xf32>
          %mul3A_672 = arith.mulf %get3A_670, %mul3A_671 : vector<16xf32>
          %swap3A_673 = arith.index_cast %add3A_619 : i32 to index
          %swap3A_674 = arith.constant 96 : index
          %swap3A_675 = tpu.vector_load %arg12[%swap3A_673, %swap3A_674] {strides = array<i32>} : memref<128x128xf32, #tpu.memory_space<vmem>>, vector<16xf32>,
          tpu.vector_store %arg12[%swap3A_673, %swap3A_674], %mul3A_672 {strides = array<i32>} : memref<128x128xf32, #tpu.memory_space<vmem>>, vector<16xf32>,
          %get3A_676 = arith.index_cast %add3A_619 : i32 to index
          %get3A_677 = arith.constant 112 : index
          %get3A_678 = tpu.vector_load %arg12[%get3A_676, %get3A_677] {strides = array<i32>} : memref<128x128xf32, #tpu.memory_space<vmem>>, vector<16xf32>,
          %mul3A_679 = vector.broadcast %squeeze3A_615 : f32 to vector<16xf32>
          %mul3A_680 = arith.mulf %get3A_678, %mul3A_679 : vector<16xf32>
          %swap3A_681 = arith.index_cast %add3A_619 : i32 to index
          %swap3A_682 = arith.constant 112 : index
          %swap3A_683 = tpu.vector_load %arg12[%swap3A_681, %swap3A_682] {strides = array<i32>} : memref<128x128xf32, #tpu.memory_space<vmem>>, vector<16xf32>,
          tpu.vector_store %arg12[%swap3A_681, %swap3A_682], %mul3A_680 {strides = array<i32>} : memref<128x128xf32, #tpu.memory_space<vmem>>, vector<16xf32>,
          %slice3A_684 = vector.extract_strided_slice %get3A_125 {offsets = [8], sizes = [1], strides = [1]} : vector<16xf32> to vector<1xf32>
          %squeeze3A_685 = vector.extract %slice3A_684[0] : f32 from vector<1xf32>
          %mul3A_686 = arith.constant 16 : i32
          %mul3A_687 = arith.muli %scan3A_122, %mul3A_686 : i32
          %add3A_688 = arith.constant 8 : i32
          %add3A_689 = arith.addi %mul3A_687, %add3A_688 : i32
          %get3A_690 = arith.index_cast %add3A_689 : i32 to index
          %get3A_691 = arith.constant 0 : index
          %get3A_692 = tpu.vector_load %arg12[%get3A_690, %get3A_691] {strides = array<i32>} : memref<128x128xf32, #tpu.memory_space<vmem>>, vector<16xf32>,
          %mul3A_693 = vector.broadcast %squeeze3A_685 : f32 to vector<16xf32>
          %mul3A_694 = arith.mulf %get3A_692, %mul3A_693 : vector<16xf32>
          %swap3A_695 = arith.index_cast %add3A_689 : i32 to index
          %swap3A_696 = arith.constant 0 : index
          %swap3A_697 = tpu.vector_load %arg12[%swap3A_695, %swap3A_696] {strides = array<i32>} : memref<128x128xf32, #tpu.memory_space<vmem>>, vector<16xf32>,
          tpu.vector_store %arg12[%swap3A_695, %swap3A_696], %mul3A_694 {strides = array<i32>} : memref<128x128xf32, #tpu.memory_space<vmem>>, vector<16xf32>,
          %get3A_698 = arith.index_cast %add3A_689 : i32 to index
          %get3A_699 = arith.constant 16 : index
          %get3A_700 = tpu.vector_load %arg12[%get3A_698, %get3A_699] {strides = array<i32>} : memref<128x128xf32, #tpu.memory_space<vmem>>, vector<16xf32>,
          %mul3A_701 = vector.broadcast %squeeze3A_685 : f32 to vector<16xf32>
          %mul3A_702 = arith.mulf %get3A_700, %mul3A_701 : vector<16xf32>
          %swap3A_703 = arith.index_cast %add3A_689 : i32 to index
          %swap3A_704 = arith.constant 16 : index
          %swap3A_705 = tpu.vector_load %arg12[%swap3A_703, %swap3A_704] {strides = array<i32>} : memref<128x128xf32, #tpu.memory_space<vmem>>, vector<16xf32>,
          tpu.vector_store %arg12[%swap3A_703, %swap3A_704], %mul3A_702 {strides = array<i32>} : memref<128x128xf32, #tpu.memory_space<vmem>>, vector<16xf32>,
          %get3A_706 = arith.index_cast %add3A_689 : i32 to index
          %get3A_707 = arith.constant 32 : index
          %get3A_708 = tpu.vector_load %arg12[%get3A_706, %get3A_707] {strides = array<i32>} : memref<128x128xf32, #tpu.memory_space<vmem>>, vector<16xf32>,
          %mul3A_709 = vector.broadcast %squeeze3A_685 : f32 to vector<16xf32>
          %mul3A_710 = arith.mulf %get3A_708, %mul3A_709 : vector<16xf32>
          %swap3A_711 = arith.index_cast %add3A_689 : i32 to index
          %swap3A_712 = arith.constant 32 : index
          %swap3A_713 = tpu.vector_load %arg12[%swap3A_711, %swap3A_712] {strides = array<i32>} : memref<128x128xf32, #tpu.memory_space<vmem>>, vector<16xf32>,
          tpu.vector_store %arg12[%swap3A_711, %swap3A_712], %mul3A_710 {strides = array<i32>} : memref<128x128xf32, #tpu.memory_space<vmem>>, vector<16xf32>,
          %get3A_714 = arith.index_cast %add3A_689 : i32 to index
          %get3A_715 = arith.constant 48 : index
          %get3A_716 = tpu.vector_load %arg12[%get3A_714, %get3A_715] {strides = array<i32>} : memref<128x128xf32, #tpu.memory_space<vmem>>, vector<16xf32>,
          %mul3A_717 = vector.broadcast %squeeze3A_685 : f32 to vector<16xf32>
          %mul3A_718 = arith.mulf %get3A_716, %mul3A_717 : vector<16xf32>
          %swap3A_719 = arith.index_cast %add3A_689 : i32 to index
          %swap3A_720 = arith.constant 48 : index
          %swap3A_721 = tpu.vector_load %arg12[%swap3A_719, %swap3A_720] {strides = array<i32>} : memref<128x128xf32, #tpu.memory_space<vmem>>, vector<16xf32>,
          tpu.vector_store %arg12[%swap3A_719, %swap3A_720], %mul3A_718 {strides = array<i32>} : memref<128x128xf32, #tpu.memory_space<vmem>>, vector<16xf32>,
          %get3A_722 = arith.index_cast %add3A_689 : i32 to index
          %get3A_723 = arith.constant 64 : index
          %get3A_724 = tpu.vector_load %arg12[%get3A_722, %get3A_723] {strides = array<i32>} : memref<128x128xf32, #tpu.memory_space<vmem>>, vector<16xf32>,
          %mul3A_725 = vector.broadcast %squeeze3A_685 : f32 to vector<16xf32>
          %mul3A_726 = arith.mulf %get3A_724, %mul3A_725 : vector<16xf32>
          %swap3A_727 = arith.index_cast %add3A_689 : i32 to index
          %swap3A_728 = arith.constant 64 : index
          %swap3A_729 = tpu.vector_load %arg12[%swap3A_727, %swap3A_728] {strides = array<i32>} : memref<128x128xf32, #tpu.memory_space<vmem>>, vector<16xf32>,
          tpu.vector_store %arg12[%swap3A_727, %swap3A_728], %mul3A_726 {strides = array<i32>} : memref<128x128xf32, #tpu.memory_space<vmem>>, vector<16xf32>,
          %get3A_730 = arith.index_cast %add3A_689 : i32 to index
          %get3A_731 = arith.constant 80 : index
          %get3A_732 = tpu.vector_load %arg12[%get3A_730, %get3A_731] {strides = array<i32>} : memref<128x128xf32, #tpu.memory_space<vmem>>, vector<16xf32>,
          %mul3A_733 = vector.broadcast %squeeze3A_685 : f32 to vector<16xf32>
          %mul3A_734 = arith.mulf %get3A_732, %mul3A_733 : vector<16xf32>
          %swap3A_735 = arith.index_cast %add3A_689 : i32 to index
          %swap3A_736 = arith.constant 80 : index
          %swap3A_737 = tpu.vector_load %arg12[%swap3A_735, %swap3A_736] {strides = array<i32>} : memref<128x128xf32, #tpu.memory_space<vmem>>, vector<16xf32>,
          tpu.vector_store %arg12[%swap3A_735, %swap3A_736], %mul3A_734 {strides = array<i32>} : memref<128x128xf32, #tpu.memory_space<vmem>>, vector<16xf32>,
          %get3A_738 = arith.index_cast %add3A_689 : i32 to index
          %get3A_739 = arith.constant 96 : index
          %get3A_740 = tpu.vector_load %arg12[%get3A_738, %get3A_739] {strides = array<i32>} : memref<128x128xf32, #tpu.memory_space<vmem>>, vector<16xf32>,
          %mul3A_741 = vector.broadcast %squeeze3A_685 : f32 to vector<16xf32>
          %mul3A_742 = arith.mulf %get3A_740, %mul3A_741 : vector<16xf32>
          %swap3A_743 = arith.index_cast %add3A_689 : i32 to index
          %swap3A_744 = arith.constant 96 : index
          %swap3A_745 = tpu.vector_load %arg12[%swap3A_743, %swap3A_744] {strides = array<i32>} : memref<128x128xf32, #tpu.memory_space<vmem>>, vector<16xf32>,
          tpu.vector_store %arg12[%swap3A_743, %swap3A_744], %mul3A_742 {strides = array<i32>} : memref<128x128xf32, #tpu.memory_space<vmem>>, vector<16xf32>,
          %get3A_746 = arith.index_cast %add3A_689 : i32 to index
          %get3A_747 = arith.constant 112 : index
          %get3A_748 = tpu.vector_load %arg12[%get3A_746, %get3A_747] {strides = array<i32>} : memref<128x128xf32, #tpu.memory_space<vmem>>, vector<16xf32>,
          %mul3A_749 = vector.broadcast %squeeze3A_685 : f32 to vector<16xf32>
          %mul3A_750 = arith.mulf %get3A_748, %mul3A_749 : vector<16xf32>
          %swap3A_751 = arith.index_cast %add3A_689 : i32 to index
          %swap3A_752 = arith.constant 112 : index
          %swap3A_753 = tpu.vector_load %arg12[%swap3A_751, %swap3A_752] {strides = array<i32>} : memref<128x128xf32, #tpu.memory_space<vmem>>, vector<16xf32>,
          tpu.vector_store %arg12[%swap3A_751, %swap3A_752], %mul3A_750 {strides = array<i32>} : memref<128x128xf32, #tpu.memory_space<vmem>>, vector<16xf32>,
          %slice3A_754 = vector.extract_strided_slice %get3A_125 {offsets = [9], sizes = [1], strides = [1]} : vector<16xf32> to vector<1xf32>
          %squeeze3A_755 = vector.extract %slice3A_754[0] : f32 from vector<1xf32>
          %mul3A_756 = arith.constant 16 : i32
          %mul3A_757 = arith.muli %scan3A_122, %mul3A_756 : i32
          %add3A_758 = arith.constant 9 : i32
          %add3A_759 = arith.addi %mul3A_757, %add3A_758 : i32
          %get3A_760 = arith.index_cast %add3A_759 : i32 to index
          %get3A_761 = arith.constant 0 : index
          %get3A_762 = tpu.vector_load %arg12[%get3A_760, %get3A_761] {strides = array<i32>} : memref<128x128xf32, #tpu.memory_space<vmem>>, vector<16xf32>,
          %mul3A_763 = vector.broadcast %squeeze3A_755 : f32 to vector<16xf32>
          %mul3A_764 = arith.mulf %get3A_762, %mul3A_763 : vector<16xf32>
          %swap3A_765 = arith.index_cast %add3A_759 : i32 to index
          %swap3A_766 = arith.constant 0 : index
          %swap3A_767 = tpu.vector_load %arg12[%swap3A_765, %swap3A_766] {strides = array<i32>} : memref<128x128xf32, #tpu.memory_space<vmem>>, vector<16xf32>,
          tpu.vector_store %arg12[%swap3A_765, %swap3A_766], %mul3A_764 {strides = array<i32>} : memref<128x128xf32, #tpu.memory_space<vmem>>, vector<16xf32>,
          %get3A_768 = arith.index_cast %add3A_759 : i32 to index
          %get3A_769 = arith.constant 16 : index
          %get3A_770 = tpu.vector_load %arg12[%get3A_768, %get3A_769] {strides = array<i32>} : memref<128x128xf32, #tpu.memory_space<vmem>>, vector<16xf32>,
          %mul3A_771 = vector.broadcast %squeeze3A_755 : f32 to vector<16xf32>
          %mul3A_772 = arith.mulf %get3A_770, %mul3A_771 : vector<16xf32>
          %swap3A_773 = arith.index_cast %add3A_759 : i32 to index
          %swap3A_774 = arith.constant 16 : index
          %swap3A_775 = tpu.vector_load %arg12[%swap3A_773, %swap3A_774] {strides = array<i32>} : memref<128x128xf32, #tpu.memory_space<vmem>>, vector<16xf32>,
          tpu.vector_store %arg12[%swap3A_773, %swap3A_774], %mul3A_772 {strides = array<i32>} : memref<128x128xf32, #tpu.memory_space<vmem>>, vector<16xf32>,
          %get3A_776 = arith.index_cast %add3A_759 : i32 to index
          %get3A_777 = arith.constant 32 : index
          %get3A_778 = tpu.vector_load %arg12[%get3A_776, %get3A_777] {strides = array<i32>} : memref<128x128xf32, #tpu.memory_space<vmem>>, vector<16xf32>,
          %mul3A_779 = vector.broadcast %squeeze3A_755 : f32 to vector<16xf32>
          %mul3A_780 = arith.mulf %get3A_778, %mul3A_779 : vector<16xf32>
          %swap3A_781 = arith.index_cast %add3A_759 : i32 to index
          %swap3A_782 = arith.constant 32 : index
          %swap3A_783 = tpu.vector_load %arg12[%swap3A_781, %swap3A_782] {strides = array<i32>} : memref<128x128xf32, #tpu.memory_space<vmem>>, vector<16xf32>,
          tpu.vector_store %arg12[%swap3A_781, %swap3A_782], %mul3A_780 {strides = array<i32>} : memref<128x128xf32, #tpu.memory_space<vmem>>, vector<16xf32>,
          %get3A_784 = arith.index_cast %add3A_759 : i32 to index
          %get3A_785 = arith.constant 48 : index
          %get3A_786 = tpu.vector_load %arg12[%get3A_784, %get3A_785] {strides = array<i32>} : memref<128x128xf32, #tpu.memory_space<vmem>>, vector<16xf32>,
          %mul3A_787 = vector.broadcast %squeeze3A_755 : f32 to vector<16xf32>
          %mul3A_788 = arith.mulf %get3A_786, %mul3A_787 : vector<16xf32>
          %swap3A_789 = arith.index_cast %add3A_759 : i32 to index
          %swap3A_790 = arith.constant 48 : index
          %swap3A_791 = tpu.vector_load %arg12[%swap3A_789, %swap3A_790] {strides = array<i32>} : memref<128x128xf32, #tpu.memory_space<vmem>>, vector<16xf32>,
          tpu.vector_store %arg12[%swap3A_789, %swap3A_790], %mul3A_788 {strides = array<i32>} : memref<128x128xf32, #tpu.memory_space<vmem>>, vector<16xf32>,
          %get3A_792 = arith.index_cast %add3A_759 : i32 to index
          %get3A_793 = arith.constant 64 : index
          %get3A_794 = tpu.vector_load %arg12[%get3A_792, %get3A_793] {strides = array<i32>} : memref<128x128xf32, #tpu.memory_space<vmem>>, vector<16xf32>,
          %mul3A_795 = vector.broadcast %squeeze3A_755 : f32 to vector<16xf32>
          %mul3A_796 = arith.mulf %get3A_794, %mul3A_795 : vector<16xf32>
          %swap3A_797 = arith.index_cast %add3A_759 : i32 to index
          %swap3A_798 = arith.constant 64 : index
          %swap3A_799 = tpu.vector_load %arg12[%swap3A_797, %swap3A_798] {strides = array<i32>} : memref<128x128xf32, #tpu.memory_space<vmem>>, vector<16xf32>,
          tpu.vector_store %arg12[%swap3A_797, %swap3A_798], %mul3A_796 {strides = array<i32>} : memref<128x128xf32, #tpu.memory_space<vmem>>, vector<16xf32>,
          %get3A_800 = arith.index_cast %add3A_759 : i32 to index
          %get3A_801 = arith.constant 80 : index
          %get3A_802 = tpu.vector_load %arg12[%get3A_800, %get3A_801] {strides = array<i32>} : memref<128x128xf32, #tpu.memory_space<vmem>>, vector<16xf32>,
          %mul3A_803 = vector.broadcast %squeeze3A_755 : f32 to vector<16xf32>
          %mul3A_804 = arith.mulf %get3A_802, %mul3A_803 : vector<16xf32>
          %swap3A_805 = arith.index_cast %add3A_759 : i32 to index
          %swap3A_806 = arith.constant 80 : index
          %swap3A_807 = tpu.vector_load %arg12[%swap3A_805, %swap3A_806] {strides = array<i32>} : memref<128x128xf32, #tpu.memory_space<vmem>>, vector<16xf32>,
          tpu.vector_store %arg12[%swap3A_805, %swap3A_806], %mul3A_804 {strides = array<i32>} : memref<128x128xf32, #tpu.memory_space<vmem>>, vector<16xf32>,
          %get3A_808 = arith.index_cast %add3A_759 : i32 to index
          %get3A_809 = arith.constant 96 : index
          %get3A_810 = tpu.vector_load %arg12[%get3A_808, %get3A_809] {strides = array<i32>} : memref<128x128xf32, #tpu.memory_space<vmem>>, vector<16xf32>,
          %mul3A_811 = vector.broadcast %squeeze3A_755 : f32 to vector<16xf32>
          %mul3A_812 = arith.mulf %get3A_810, %mul3A_811 : vector<16xf32>
          %swap3A_813 = arith.index_cast %add3A_759 : i32 to index
          %swap3A_814 = arith.constant 96 : index
          %swap3A_815 = tpu.vector_load %arg12[%swap3A_813, %swap3A_814] {strides = array<i32>} : memref<128x128xf32, #tpu.memory_space<vmem>>, vector<16xf32>,
          tpu.vector_store %arg12[%swap3A_813, %swap3A_814], %mul3A_812 {strides = array<i32>} : memref<128x128xf32, #tpu.memory_space<vmem>>, vector<16xf32>,
          %get3A_816 = arith.index_cast %add3A_759 : i32 to index
          %get3A_817 = arith.constant 112 : index
          %get3A_818 = tpu.vector_load %arg12[%get3A_816, %get3A_817] {strides = array<i32>} : memref<128x128xf32, #tpu.memory_space<vmem>>, vector<16xf32>,
          %mul3A_819 = vector.broadcast %squeeze3A_755 : f32 to vector<16xf32>
          %mul3A_820 = arith.mulf %get3A_818, %mul3A_819 : vector<16xf32>
          %swap3A_821 = arith.index_cast %add3A_759 : i32 to index
          %swap3A_822 = arith.constant 112 : index
          %swap3A_823 = tpu.vector_load %arg12[%swap3A_821, %swap3A_822] {strides = array<i32>} : memref<128x128xf32, #tpu.memory_space<vmem>>, vector<16xf32>,
          tpu.vector_store %arg12[%swap3A_821, %swap3A_822], %mul3A_820 {strides = array<i32>} : memref<128x128xf32, #tpu.memory_space<vmem>>, vector<16xf32>,
          %slice3A_824 = vector.extract_strided_slice %get3A_125 {offsets = [10], sizes = [1], strides = [1]} : vector<16xf32> to vector<1xf32>
          %squeeze3A_825 = vector.extract %slice3A_824[0] : f32 from vector<1xf32>
          %mul3A_826 = arith.constant 16 : i32
          %mul3A_827 = arith.muli %scan3A_122, %mul3A_826 : i32
          %add3A_828 = arith.constant 10 : i32
          %add3A_829 = arith.addi %mul3A_827, %add3A_828 : i32
          %get3A_830 = arith.index_cast %add3A_829 : i32 to index
          %get3A_831 = arith.constant 0 : index
          %get3A_832 = tpu.vector_load %arg12[%get3A_830, %get3A_831] {strides = array<i32>} : memref<128x128xf32, #tpu.memory_space<vmem>>, vector<16xf32>,
          %mul3A_833 = vector.broadcast %squeeze3A_825 : f32 to vector<16xf32>
          %mul3A_834 = arith.mulf %get3A_832, %mul3A_833 : vector<16xf32>
          %swap3A_835 = arith.index_cast %add3A_829 : i32 to index
          %swap3A_836 = arith.constant 0 : index
          %swap3A_837 = tpu.vector_load %arg12[%swap3A_835, %swap3A_836] {strides = array<i32>} : memref<128x128xf32, #tpu.memory_space<vmem>>, vector<16xf32>,
          tpu.vector_store %arg12[%swap3A_835, %swap3A_836], %mul3A_834 {strides = array<i32>} : memref<128x128xf32, #tpu.memory_space<vmem>>, vector<16xf32>,
          %get3A_838 = arith.index_cast %add3A_829 : i32 to index
          %get3A_839 = arith.constant 16 : index
          %get3A_840 = tpu.vector_load %arg12[%get3A_838, %get3A_839] {strides = array<i32>} : memref<128x128xf32, #tpu.memory_space<vmem>>, vector<16xf32>,
          %mul3A_841 = vector.broadcast %squeeze3A_825 : f32 to vector<16xf32>
          %mul3A_842 = arith.mulf %get3A_840, %mul3A_841 : vector<16xf32>
          %swap3A_843 = arith.index_cast %add3A_829 : i32 to index
          %swap3A_844 = arith.constant 16 : index
          %swap3A_845 = tpu.vector_load %arg12[%swap3A_843, %swap3A_844] {strides = array<i32>} : memref<128x128xf32, #tpu.memory_space<vmem>>, vector<16xf32>,
          tpu.vector_store %arg12[%swap3A_843, %swap3A_844], %mul3A_842 {strides = array<i32>} : memref<128x128xf32, #tpu.memory_space<vmem>>, vector<16xf32>,
          %get3A_846 = arith.index_cast %add3A_829 : i32 to index
          %get3A_847 = arith.constant 32 : index
          %get3A_848 = tpu.vector_load %arg12[%get3A_846, %get3A_847] {strides = array<i32>} : memref<128x128xf32, #tpu.memory_space<vmem>>, vector<16xf32>,
          %mul3A_849 = vector.broadcast %squeeze3A_825 : f32 to vector<16xf32>
          %mul3A_850 = arith.mulf %get3A_848, %mul3A_849 : vector<16xf32>
          %swap3A_851 = arith.index_cast %add3A_829 : i32 to index
          %swap3A_852 = arith.constant 32 : index
          %swap3A_853 = tpu.vector_load %arg12[%swap3A_851, %swap3A_852] {strides = array<i32>} : memref<128x128xf32, #tpu.memory_space<vmem>>, vector<16xf32>,
          tpu.vector_store %arg12[%swap3A_851, %swap3A_852], %mul3A_850 {strides = array<i32>} : memref<128x128xf32, #tpu.memory_space<vmem>>, vector<16xf32>,
          %get3A_854 = arith.index_cast %add3A_829 : i32 to index
          %get3A_855 = arith.constant 48 : index
          %get3A_856 = tpu.vector_load %arg12[%get3A_854, %get3A_855] {strides = array<i32>} : memref<128x128xf32, #tpu.memory_space<vmem>>, vector<16xf32>,
          %mul3A_857 = vector.broadcast %squeeze3A_825 : f32 to vector<16xf32>
          %mul3A_858 = arith.mulf %get3A_856, %mul3A_857 : vector<16xf32>
          %swap3A_859 = arith.index_cast %add3A_829 : i32 to index
          %swap3A_860 = arith.constant 48 : index
          %swap3A_861 = tpu.vector_load %arg12[%swap3A_859, %swap3A_860] {strides = array<i32>} : memref<128x128xf32, #tpu.memory_space<vmem>>, vector<16xf32>,
          tpu.vector_store %arg12[%swap3A_859, %swap3A_860], %mul3A_858 {strides = array<i32>} : memref<128x128xf32, #tpu.memory_space<vmem>>, vector<16xf32>,
          %get3A_862 = arith.index_cast %add3A_829 : i32 to index
          %get3A_863 = arith.constant 64 : index
          %get3A_864 = tpu.vector_load %arg12[%get3A_862, %get3A_863] {strides = array<i32>} : memref<128x128xf32, #tpu.memory_space<vmem>>, vector<16xf32>,
          %mul3A_865 = vector.broadcast %squeeze3A_825 : f32 to vector<16xf32>
          %mul3A_866 = arith.mulf %get3A_864, %mul3A_865 : vector<16xf32>
          %swap3A_867 = arith.index_cast %add3A_829 : i32 to index
          %swap3A_868 = arith.constant 64 : index
          %swap3A_869 = tpu.vector_load %arg12[%swap3A_867, %swap3A_868] {strides = array<i32>} : memref<128x128xf32, #tpu.memory_space<vmem>>, vector<16xf32>,
          tpu.vector_store %arg12[%swap3A_867, %swap3A_868], %mul3A_866 {strides = array<i32>} : memref<128x128xf32, #tpu.memory_space<vmem>>, vector<16xf32>,
          %get3A_870 = arith.index_cast %add3A_829 : i32 to index
          %get3A_871 = arith.constant 80 : index
          %get3A_872 = tpu.vector_load %arg12[%get3A_870, %get3A_871] {strides = array<i32>} : memref<128x128xf32, #tpu.memory_space<vmem>>, vector<16xf32>,
          %mul3A_873 = vector.broadcast %squeeze3A_825 : f32 to vector<16xf32>
          %mul3A_874 = arith.mulf %get3A_872, %mul3A_873 : vector<16xf32>
          %swap3A_875 = arith.index_cast %add3A_829 : i32 to index
          %swap3A_876 = arith.constant 80 : index
          %swap3A_877 = tpu.vector_load %arg12[%swap3A_875, %swap3A_876] {strides = array<i32>} : memref<128x128xf32, #tpu.memory_space<vmem>>, vector<16xf32>,
          tpu.vector_store %arg12[%swap3A_875, %swap3A_876], %mul3A_874 {strides = array<i32>} : memref<128x128xf32, #tpu.memory_space<vmem>>, vector<16xf32>,
          %get3A_878 = arith.index_cast %add3A_829 : i32 to index
          %get3A_879 = arith.constant 96 : index
          %get3A_880 = tpu.vector_load %arg12[%get3A_878, %get3A_879] {strides = array<i32>} : memref<128x128xf32, #tpu.memory_space<vmem>>, vector<16xf32>,
          %mul3A_881 = vector.broadcast %squeeze3A_825 : f32 to vector<16xf32>
          %mul3A_882 = arith.mulf %get3A_880, %mul3A_881 : vector<16xf32>
          %swap3A_883 = arith.index_cast %add3A_829 : i32 to index
          %swap3A_884 = arith.constant 96 : index
          %swap3A_885 = tpu.vector_load %arg12[%swap3A_883, %swap3A_884] {strides = array<i32>} : memref<128x128xf32, #tpu.memory_space<vmem>>, vector<16xf32>,
          tpu.vector_store %arg12[%swap3A_883, %swap3A_884], %mul3A_882 {strides = array<i32>} : memref<128x128xf32, #tpu.memory_space<vmem>>, vector<16xf32>,
          %get3A_886 = arith.index_cast %add3A_829 : i32 to index
          %get3A_887 = arith.constant 112 : index
          %get3A_888 = tpu.vector_load %arg12[%get3A_886, %get3A_887] {strides = array<i32>} : memref<128x128xf32, #tpu.memory_space<vmem>>, vector<16xf32>,
          %mul3A_889 = vector.broadcast %squeeze3A_825 : f32 to vector<16xf32>
          %mul3A_890 = arith.mulf %get3A_888, %mul3A_889 : vector<16xf32>
          %swap3A_891 = arith.index_cast %add3A_829 : i32 to index
          %swap3A_892 = arith.constant 112 : index
          %swap3A_893 = tpu.vector_load %arg12[%swap3A_891, %swap3A_892] {strides = array<i32>} : memref<128x128xf32, #tpu.memory_space<vmem>>, vector<16xf32>,
          tpu.vector_store %arg12[%swap3A_891, %swap3A_892], %mul3A_890 {strides = array<i32>} : memref<128x128xf32, #tpu.memory_space<vmem>>, vector<16xf32>,
          %slice3A_894 = vector.extract_strided_slice %get3A_125 {offsets = [11], sizes = [1], strides = [1]} : vector<16xf32> to vector<1xf32>
          %squeeze3A_895 = vector.extract %slice3A_894[0] : f32 from vector<1xf32>
          %mul3A_896 = arith.constant 16 : i32
          %mul3A_897 = arith.muli %scan3A_122, %mul3A_896 : i32
          %add3A_898 = arith.constant 11 : i32
          %add3A_899 = arith.addi %mul3A_897, %add3A_898 : i32
          %get3A_900 = arith.index_cast %add3A_899 : i32 to index
          %get3A_901 = arith.constant 0 : index
          %get3A_902 = tpu.vector_load %arg12[%get3A_900, %get3A_901] {strides = array<i32>} : memref<128x128xf32, #tpu.memory_space<vmem>>, vector<16xf32>,
          %mul3A_903 = vector.broadcast %squeeze3A_895 : f32 to vector<16xf32>
          %mul3A_904 = arith.mulf %get3A_902, %mul3A_903 : vector<16xf32>
          %swap3A_905 = arith.index_cast %add3A_899 : i32 to index
          %swap3A_906 = arith.constant 0 : index
          %swap3A_907 = tpu.vector_load %arg12[%swap3A_905, %swap3A_906] {strides = array<i32>} : memref<128x128xf32, #tpu.memory_space<vmem>>, vector<16xf32>,
          tpu.vector_store %arg12[%swap3A_905, %swap3A_906], %mul3A_904 {strides = array<i32>} : memref<128x128xf32, #tpu.memory_space<vmem>>, vector<16xf32>,
          %get3A_908 = arith.index_cast %add3A_899 : i32 to index
          %get3A_909 = arith.constant 16 : index
          %get3A_910 = tpu.vector_load %arg12[%get3A_908, %get3A_909] {strides = array<i32>} : memref<128x128xf32, #tpu.memory_space<vmem>>, vector<16xf32>,
          %mul3A_911 = vector.broadcast %squeeze3A_895 : f32 to vector<16xf32>
          %mul3A_912 = arith.mulf %get3A_910, %mul3A_911 : vector<16xf32>
          %swap3A_913 = arith.index_cast %add3A_899 : i32 to index
          %swap3A_914 = arith.constant 16 : index
          %swap3A_915 = tpu.vector_load %arg12[%swap3A_913, %swap3A_914] {strides = array<i32>} : memref<128x128xf32, #tpu.memory_space<vmem>>, vector<16xf32>,
          tpu.vector_store %arg12[%swap3A_913, %swap3A_914], %mul3A_912 {strides = array<i32>} : memref<128x128xf32, #tpu.memory_space<vmem>>, vector<16xf32>,
          %get3A_916 = arith.index_cast %add3A_899 : i32 to index
          %get3A_917 = arith.constant 32 : index
          %get3A_918 = tpu.vector_load %arg12[%get3A_916, %get3A_917] {strides = array<i32>} : memref<128x128xf32, #tpu.memory_space<vmem>>, vector<16xf32>,
          %mul3A_919 = vector.broadcast %squeeze3A_895 : f32 to vector<16xf32>
          %mul3A_920 = arith.mulf %get3A_918, %mul3A_919 : vector<16xf32>
          %swap3A_921 = arith.index_cast %add3A_899 : i32 to index
          %swap3A_922 = arith.constant 32 : index
          %swap3A_923 = tpu.vector_load %arg12[%swap3A_921, %swap3A_922] {strides = array<i32>} : memref<128x128xf32, #tpu.memory_space<vmem>>, vector<16xf32>,
          tpu.vector_store %arg12[%swap3A_921, %swap3A_922], %mul3A_920 {strides = array<i32>} : memref<128x128xf32, #tpu.memory_space<vmem>>, vector<16xf32>,
          %get3A_924 = arith.index_cast %add3A_899 : i32 to index
          %get3A_925 = arith.constant 48 : index
          %get3A_926 = tpu.vector_load %arg12[%get3A_924, %get3A_925] {strides = array<i32>} : memref<128x128xf32, #tpu.memory_space<vmem>>, vector<16xf32>,
          %mul3A_927 = vector.broadcast %squeeze3A_895 : f32 to vector<16xf32>
          %mul3A_928 = arith.mulf %get3A_926, %mul3A_927 : vector<16xf32>
          %swap3A_929 = arith.index_cast %add3A_899 : i32 to index
          %swap3A_930 = arith.constant 48 : index
          %swap3A_931 = tpu.vector_load %arg12[%swap3A_929, %swap3A_930] {strides = array<i32>} : memref<128x128xf32, #tpu.memory_space<vmem>>, vector<16xf32>,
          tpu.vector_store %arg12[%swap3A_929, %swap3A_930], %mul3A_928 {strides = array<i32>} : memref<128x128xf32, #tpu.memory_space<vmem>>, vector<16xf32>,
          %get3A_932 = arith.index_cast %add3A_899 : i32 to index
          %get3A_933 = arith.constant 64 : index
          %get3A_934 = tpu.vector_load %arg12[%get3A_932, %get3A_933] {strides = array<i32>} : memref<128x128xf32, #tpu.memory_space<vmem>>, vector<16xf32>,
          %mul3A_935 = vector.broadcast %squeeze3A_895 : f32 to vector<16xf32>
          %mul3A_936 = arith.mulf %get3A_934, %mul3A_935 : vector<16xf32>
          %swap3A_937 = arith.index_cast %add3A_899 : i32 to index
          %swap3A_938 = arith.constant 64 : index
          %swap3A_939 = tpu.vector_load %arg12[%swap3A_937, %swap3A_938] {strides = array<i32>} : memref<128x128xf32, #tpu.memory_space<vmem>>, vector<16xf32>,
          tpu.vector_store %arg12[%swap3A_937, %swap3A_938], %mul3A_936 {strides = array<i32>} : memref<128x128xf32, #tpu.memory_space<vmem>>, vector<16xf32>,
          %get3A_940 = arith.index_cast %add3A_899 : i32 to index
          %get3A_941 = arith.constant 80 : index
          %get3A_942 = tpu.vector_load %arg12[%get3A_940, %get3A_941] {strides = array<i32>} : memref<128x128xf32, #tpu.memory_space<vmem>>, vector<16xf32>,
          %mul3A_943 = vector.broadcast %squeeze3A_895 : f32 to vector<16xf32>
          %mul3A_944 = arith.mulf %get3A_942, %mul3A_943 : vector<16xf32>
          %swap3A_945 = arith.index_cast %add3A_899 : i32 to index
          %swap3A_946 = arith.constant 80 : index
          %swap3A_947 = tpu.vector_load %arg12[%swap3A_945, %swap3A_946] {strides = array<i32>} : memref<128x128xf32, #tpu.memory_space<vmem>>, vector<16xf32>,
          tpu.vector_store %arg12[%swap3A_945, %swap3A_946], %mul3A_944 {strides = array<i32>} : memref<128x128xf32, #tpu.memory_space<vmem>>, vector<16xf32>,
          %get3A_948 = arith.index_cast %add3A_899 : i32 to index
          %get3A_949 = arith.constant 96 : index
          %get3A_950 = tpu.vector_load %arg12[%get3A_948, %get3A_949] {strides = array<i32>} : memref<128x128xf32, #tpu.memory_space<vmem>>, vector<16xf32>,
          %mul3A_951 = vector.broadcast %squeeze3A_895 : f32 to vector<16xf32>
          %mul3A_952 = arith.mulf %get3A_950, %mul3A_951 : vector<16xf32>
          %swap3A_953 = arith.index_cast %add3A_899 : i32 to index
          %swap3A_954 = arith.constant 96 : index
          %swap3A_955 = tpu.vector_load %arg12[%swap3A_953, %swap3A_954] {strides = array<i32>} : memref<128x128xf32, #tpu.memory_space<vmem>>, vector<16xf32>,
          tpu.vector_store %arg12[%swap3A_953, %swap3A_954], %mul3A_952 {strides = array<i32>} : memref<128x128xf32, #tpu.memory_space<vmem>>, vector<16xf32>,
          %get3A_956 = arith.index_cast %add3A_899 : i32 to index
          %get3A_957 = arith.constant 112 : index
          %get3A_958 = tpu.vector_load %arg12[%get3A_956, %get3A_957] {strides = array<i32>} : memref<128x128xf32, #tpu.memory_space<vmem>>, vector<16xf32>,
          %mul3A_959 = vector.broadcast %squeeze3A_895 : f32 to vector<16xf32>
          %mul3A_960 = arith.mulf %get3A_958, %mul3A_959 : vector<16xf32>
          %swap3A_961 = arith.index_cast %add3A_899 : i32 to index
          %swap3A_962 = arith.constant 112 : index
          %swap3A_963 = tpu.vector_load %arg12[%swap3A_961, %swap3A_962] {strides = array<i32>} : memref<128x128xf32, #tpu.memory_space<vmem>>, vector<16xf32>,
          tpu.vector_store %arg12[%swap3A_961, %swap3A_962], %mul3A_960 {strides = array<i32>} : memref<128x128xf32, #tpu.memory_space<vmem>>, vector<16xf32>,
          %slice3A_964 = vector.extract_strided_slice %get3A_125 {offsets = [12], sizes = [1], strides = [1]} : vector<16xf32> to vector<1xf32>
          %squeeze3A_965 = vector.extract %slice3A_964[0] : f32 from vector<1xf32>
          %mul3A_966 = arith.constant 16 : i32
          %mul3A_967 = arith.muli %scan3A_122, %mul3A_966 : i32
          %add3A_968 = arith.constant 12 : i32
          %add3A_969 = arith.addi %mul3A_967, %add3A_968 : i32
          %get3A_970 = arith.index_cast %add3A_969 : i32 to index
          %get3A_971 = arith.constant 0 : index
          %get3A_972 = tpu.vector_load %arg12[%get3A_970, %get3A_971] {strides = array<i32>} : memref<128x128xf32, #tpu.memory_space<vmem>>, vector<16xf32>,
          %mul3A_973 = vector.broadcast %squeeze3A_965 : f32 to vector<16xf32>
          %mul3A_974 = arith.mulf %get3A_972, %mul3A_973 : vector<16xf32>
          %swap3A_975 = arith.index_cast %add3A_969 : i32 to index
          %swap3A_976 = arith.constant 0 : index
          %swap3A_977 = tpu.vector_load %arg12[%swap3A_975, %swap3A_976] {strides = array<i32>} : memref<128x128xf32, #tpu.memory_space<vmem>>, vector<16xf32>,
          tpu.vector_store %arg12[%swap3A_975, %swap3A_976], %mul3A_974 {strides = array<i32>} : memref<128x128xf32, #tpu.memory_space<vmem>>, vector<16xf32>,
          %get3A_978 = arith.index_cast %add3A_969 : i32 to index
          %get3A_979 = arith.constant 16 : index
          %get3A_980 = tpu.vector_load %arg12[%get3A_978, %get3A_979] {strides = array<i32>} : memref<128x128xf32, #tpu.memory_space<vmem>>, vector<16xf32>,
          %mul3A_981 = vector.broadcast %squeeze3A_965 : f32 to vector<16xf32>
          %mul3A_982 = arith.mulf %get3A_980, %mul3A_981 : vector<16xf32>
          %swap3A_983 = arith.index_cast %add3A_969 : i32 to index
          %swap3A_984 = arith.constant 16 : index
          %swap3A_985 = tpu.vector_load %arg12[%swap3A_983, %swap3A_984] {strides = array<i32>} : memref<128x128xf32, #tpu.memory_space<vmem>>, vector<16xf32>,
          tpu.vector_store %arg12[%swap3A_983, %swap3A_984], %mul3A_982 {strides = array<i32>} : memref<128x128xf32, #tpu.memory_space<vmem>>, vector<16xf32>,
          %get3A_986 = arith.index_cast %add3A_969 : i32 to index
          %get3A_987 = arith.constant 32 : index
          %get3A_988 = tpu.vector_load %arg12[%get3A_986, %get3A_987] {strides = array<i32>} : memref<128x128xf32, #tpu.memory_space<vmem>>, vector<16xf32>,
          %mul3A_989 = vector.broadcast %squeeze3A_965 : f32 to vector<16xf32>
          %mul3A_990 = arith.mulf %get3A_988, %mul3A_989 : vector<16xf32>
          %swap3A_991 = arith.index_cast %add3A_969 : i32 to index
          %swap3A_992 = arith.constant 32 : index
          %swap3A_993 = tpu.vector_load %arg12[%swap3A_991, %swap3A_992] {strides = array<i32>} : memref<128x128xf32, #tpu.memory_space<vmem>>, vector<16xf32>,
          tpu.vector_store %arg12[%swap3A_991, %swap3A_992], %mul3A_990 {strides = array<i32>} : memref<128x128xf32, #tpu.memory_space<vmem>>, vector<16xf32>,
          %get3A_994 = arith.index_cast %add3A_969 : i32 to index
          %get3A_995 = arith.constant 48 : index
          %get3A_996 = tpu.vector_load %arg12[%get3A_994, %get3A_995] {strides = array<i32>} : memref<128x128xf32, #tpu.memory_space<vmem>>, vector<16xf32>,
          %mul3A_997 = vector.broadcast %squeeze3A_965 : f32 to vector<16xf32>
          %mul3A_998 = arith.mulf %get3A_996, %mul3A_997 : vector<16xf32>
          %swap3A_999 = arith.index_cast %add3A_969 : i32 to index
          %swap3A_1000 = arith.constant 48 : index
          %swap3A_1001 = tpu.vector_load %arg12[%swap3A_999, %swap3A_1000] {strides = array<i32>} : memref<128x128xf32, #tpu.memory_space<vmem>>, vector<16xf32>,
          tpu.vector_store %arg12[%swap3A_999, %swap3A_1000], %mul3A_998 {strides = array<i32>} : memref<128x128xf32, #tpu.memory_space<vmem>>, vector<16xf32>,
          %get3A_1002 = arith.index_cast %add3A_969 : i32 to index
          %get3A_1003 = arith.constant 64 : index
          %get3A_1004 = tpu.vector_load %arg12[%get3A_1002, %get3A_1003] {strides = array<i32>} : memref<128x128xf32, #tpu.memory_space<vmem>>, vector<16xf32>,
          %mul3A_1005 = vector.broadcast %squeeze3A_965 : f32 to vector<16xf32>
          %mul3A_1006 = arith.mulf %get3A_1004, %mul3A_1005 : vector<16xf32>
          %swap3A_1007 = arith.index_cast %add3A_969 : i32 to index
          %swap3A_1008 = arith.constant 64 : index
          %swap3A_1009 = tpu.vector_load %arg12[%swap3A_1007, %swap3A_1008] {strides = array<i32>} : memref<128x128xf32, #tpu.memory_space<vmem>>, vector<16xf32>,
          tpu.vector_store %arg12[%swap3A_1007, %swap3A_1008], %mul3A_1006 {strides = array<i32>} : memref<128x128xf32, #tpu.memory_space<vmem>>, vector<16xf32>,
          %get3A_1010 = arith.index_cast %add3A_969 : i32 to index
          %get3A_1011 = arith.constant 80 : index
          %get3A_1012 = tpu.vector_load %arg12[%get3A_1010, %get3A_1011] {strides = array<i32>} : memref<128x128xf32, #tpu.memory_space<vmem>>, vector<16xf32>,
          %mul3A_1013 = vector.broadcast %squeeze3A_965 : f32 to vector<16xf32>
          %mul3A_1014 = arith.mulf %get3A_1012, %mul3A_1013 : vector<16xf32>
          %swap3A_1015 = arith.index_cast %add3A_969 : i32 to index
          %swap3A_1016 = arith.constant 80 : index
          %swap3A_1017 = tpu.vector_load %arg12[%swap3A_1015, %swap3A_1016] {strides = array<i32>} : memref<128x128xf32, #tpu.memory_space<vmem>>, vector<16xf32>,
          tpu.vector_store %arg12[%swap3A_1015, %swap3A_1016], %mul3A_1014 {strides = array<i32>} : memref<128x128xf32, #tpu.memory_space<vmem>>, vector<16xf32>,
          %get3A_1018 = arith.index_cast %add3A_969 : i32 to index
          %get3A_1019 = arith.constant 96 : index
          %get3A_1020 = tpu.vector_load %arg12[%get3A_1018, %get3A_1019] {strides = array<i32>} : memref<128x128xf32, #tpu.memory_space<vmem>>, vector<16xf32>,
          %mul3A_1021 = vector.broadcast %squeeze3A_965 : f32 to vector<16xf32>
          %mul3A_1022 = arith.mulf %get3A_1020, %mul3A_1021 : vector<16xf32>
          %swap3A_1023 = arith.index_cast %add3A_969 : i32 to index
          %swap3A_1024 = arith.constant 96 : index
          %swap3A_1025 = tpu.vector_load %arg12[%swap3A_1023, %swap3A_1024] {strides = array<i32>} : memref<128x128xf32, #tpu.memory_space<vmem>>, vector<16xf32>,
          tpu.vector_store %arg12[%swap3A_1023, %swap3A_1024], %mul3A_1022 {strides = array<i32>} : memref<128x128xf32, #tpu.memory_space<vmem>>, vector<16xf32>,
          %get3A_1026 = arith.index_cast %add3A_969 : i32 to index
          %get3A_1027 = arith.constant 112 : index
          %get3A_1028 = tpu.vector_load %arg12[%get3A_1026, %get3A_1027] {strides = array<i32>} : memref<128x128xf32, #tpu.memory_space<vmem>>, vector<16xf32>,
          %mul3A_1029 = vector.broadcast %squeeze3A_965 : f32 to vector<16xf32>
          %mul3A_1030 = arith.mulf %get3A_1028, %mul3A_1029 : vector<16xf32>
          %swap3A_1031 = arith.index_cast %add3A_969 : i32 to index
          %swap3A_1032 = arith.constant 112 : index
          %swap3A_1033 = tpu.vector_load %arg12[%swap3A_1031, %swap3A_1032] {strides = array<i32>} : memref<128x128xf32, #tpu.memory_space<vmem>>, vector<16xf32>,
          tpu.vector_store %arg12[%swap3A_1031, %swap3A_1032], %mul3A_1030 {strides = array<i32>} : memref<128x128xf32, #tpu.memory_space<vmem>>, vector<16xf32>,
          %slice3A_1034 = vector.extract_strided_slice %get3A_125 {offsets = [13], sizes = [1], strides = [1]} : vector<16xf32> to vector<1xf32>
          %squeeze3A_1035 = vector.extract %slice3A_1034[0] : f32 from vector<1xf32>
          %mul3A_1036 = arith.constant 16 : i32
          %mul3A_1037 = arith.muli %scan3A_122, %mul3A_1036 : i32
          %add3A_1038 = arith.constant 13 : i32
          %add3A_1039 = arith.addi %mul3A_1037, %add3A_1038 : i32
          %get3A_1040 = arith.index_cast %add3A_1039 : i32 to index
          %get3A_1041 = arith.constant 0 : index
          %get3A_1042 = tpu.vector_load %arg12[%get3A_1040, %get3A_1041] {strides = array<i32>} : memref<128x128xf32, #tpu.memory_space<vmem>>, vector<16xf32>,
          %mul3A_1043 = vector.broadcast %squeeze3A_1035 : f32 to vector<16xf32>
          %mul3A_1044 = arith.mulf %get3A_1042, %mul3A_1043 : vector<16xf32>
          %swap3A_1045 = arith.index_cast %add3A_1039 : i32 to index
          %swap3A_1046 = arith.constant 0 : index
          %swap3A_1047 = tpu.vector_load %arg12[%swap3A_1045, %swap3A_1046] {strides = array<i32>} : memref<128x128xf32, #tpu.memory_space<vmem>>, vector<16xf32>,
          tpu.vector_store %arg12[%swap3A_1045, %swap3A_1046], %mul3A_1044 {strides = array<i32>} : memref<128x128xf32, #tpu.memory_space<vmem>>, vector<16xf32>,
          %get3A_1048 = arith.index_cast %add3A_1039 : i32 to index
          %get3A_1049 = arith.constant 16 : index
          %get3A_1050 = tpu.vector_load %arg12[%get3A_1048, %get3A_1049] {strides = array<i32>} : memref<128x128xf32, #tpu.memory_space<vmem>>, vector<16xf32>,
          %mul3A_1051 = vector.broadcast %squeeze3A_1035 : f32 to vector<16xf32>
          %mul3A_1052 = arith.mulf %get3A_1050, %mul3A_1051 : vector<16xf32>
          %swap3A_1053 = arith.index_cast %add3A_1039 : i32 to index
          %swap3A_1054 = arith.constant 16 : index
          %swap3A_1055 = tpu.vector_load %arg12[%swap3A_1053, %swap3A_1054] {strides = array<i32>} : memref<128x128xf32, #tpu.memory_space<vmem>>, vector<16xf32>,
          tpu.vector_store %arg12[%swap3A_1053, %swap3A_1054], %mul3A_1052 {strides = array<i32>} : memref<128x128xf32, #tpu.memory_space<vmem>>, vector<16xf32>,
          %get3A_1056 = arith.index_cast %add3A_1039 : i32 to index
          %get3A_1057 = arith.constant 32 : index
          %get3A_1058 = tpu.vector_load %arg12[%get3A_1056, %get3A_1057] {strides = array<i32>} : memref<128x128xf32, #tpu.memory_space<vmem>>, vector<16xf32>,
          %mul3A_1059 = vector.broadcast %squeeze3A_1035 : f32 to vector<16xf32>
          %mul3A_1060 = arith.mulf %get3A_1058, %mul3A_1059 : vector<16xf32>
          %swap3A_1061 = arith.index_cast %add3A_1039 : i32 to index
          %swap3A_1062 = arith.constant 32 : index
          %swap3A_1063 = tpu.vector_load %arg12[%swap3A_1061, %swap3A_1062] {strides = array<i32>} : memref<128x128xf32, #tpu.memory_space<vmem>>, vector<16xf32>,
          tpu.vector_store %arg12[%swap3A_1061, %swap3A_1062], %mul3A_1060 {strides = array<i32>} : memref<128x128xf32, #tpu.memory_space<vmem>>, vector<16xf32>,
          %get3A_1064 = arith.index_cast %add3A_1039 : i32 to index
          %get3A_1065 = arith.constant 48 : index
          %get3A_1066 = tpu.vector_load %arg12[%get3A_1064, %get3A_1065] {strides = array<i32>} : memref<128x128xf32, #tpu.memory_space<vmem>>, vector<16xf32>,
          %mul3A_1067 = vector.broadcast %squeeze3A_1035 : f32 to vector<16xf32>
          %mul3A_1068 = arith.mulf %get3A_1066, %mul3A_1067 : vector<16xf32>
          %swap3A_1069 = arith.index_cast %add3A_1039 : i32 to index
          %swap3A_1070 = arith.constant 48 : index
          %swap3A_1071 = tpu.vector_load %arg12[%swap3A_1069, %swap3A_1070] {strides = array<i32>} : memref<128x128xf32, #tpu.memory_space<vmem>>, vector<16xf32>,
          tpu.vector_store %arg12[%swap3A_1069, %swap3A_1070], %mul3A_1068 {strides = array<i32>} : memref<128x128xf32, #tpu.memory_space<vmem>>, vector<16xf32>,
          %get3A_1072 = arith.index_cast %add3A_1039 : i32 to index
          %get3A_1073 = arith.constant 64 : index
          %get3A_1074 = tpu.vector_load %arg12[%get3A_1072, %get3A_1073] {strides = array<i32>} : memref<128x128xf32, #tpu.memory_space<vmem>>, vector<16xf32>,
          %mul3A_1075 = vector.broadcast %squeeze3A_1035 : f32 to vector<16xf32>
          %mul3A_1076 = arith.mulf %get3A_1074, %mul3A_1075 : vector<16xf32>
          %swap3A_1077 = arith.index_cast %add3A_1039 : i32 to index
          %swap3A_1078 = arith.constant 64 : index
          %swap3A_1079 = tpu.vector_load %arg12[%swap3A_1077, %swap3A_1078] {strides = array<i32>} : memref<128x128xf32, #tpu.memory_space<vmem>>, vector<16xf32>,
          tpu.vector_store %arg12[%swap3A_1077, %swap3A_1078], %mul3A_1076 {strides = array<i32>} : memref<128x128xf32, #tpu.memory_space<vmem>>, vector<16xf32>,
          %get3A_1080 = arith.index_cast %add3A_1039 : i32 to index
          %get3A_1081 = arith.constant 80 : index
          %get3A_1082 = tpu.vector_load %arg12[%get3A_1080, %get3A_1081] {strides = array<i32>} : memref<128x128xf32, #tpu.memory_space<vmem>>, vector<16xf32>,
          %mul3A_1083 = vector.broadcast %squeeze3A_1035 : f32 to vector<16xf32>
          %mul3A_1084 = arith.mulf %get3A_1082, %mul3A_1083 : vector<16xf32>
          %swap3A_1085 = arith.index_cast %add3A_1039 : i32 to index
          %swap3A_1086 = arith.constant 80 : index
          %swap3A_1087 = tpu.vector_load %arg12[%swap3A_1085, %swap3A_1086] {strides = array<i32>} : memref<128x128xf32, #tpu.memory_space<vmem>>, vector<16xf32>,
          tpu.vector_store %arg12[%swap3A_1085, %swap3A_1086], %mul3A_1084 {strides = array<i32>} : memref<128x128xf32, #tpu.memory_space<vmem>>, vector<16xf32>,
          %get3A_1088 = arith.index_cast %add3A_1039 : i32 to index
          %get3A_1089 = arith.constant 96 : index
          %get3A_1090 = tpu.vector_load %arg12[%get3A_1088, %get3A_1089] {strides = array<i32>} : memref<128x128xf32, #tpu.memory_space<vmem>>, vector<16xf32>,
          %mul3A_1091 = vector.broadcast %squeeze3A_1035 : f32 to vector<16xf32>
          %mul3A_1092 = arith.mulf %get3A_1090, %mul3A_1091 : vector<16xf32>
          %swap3A_1093 = arith.index_cast %add3A_1039 : i32 to index
          %swap3A_1094 = arith.constant 96 : index
          %swap3A_1095 = tpu.vector_load %arg12[%swap3A_1093, %swap3A_1094] {strides = array<i32>} : memref<128x128xf32, #tpu.memory_space<vmem>>, vector<16xf32>,
          tpu.vector_store %arg12[%swap3A_1093, %swap3A_1094], %mul3A_1092 {strides = array<i32>} : memref<128x128xf32, #tpu.memory_space<vmem>>, vector<16xf32>,
          %get3A_1096 = arith.index_cast %add3A_1039 : i32 to index
          %get3A_1097 = arith.constant 112 : index
          %get3A_1098 = tpu.vector_load %arg12[%get3A_1096, %get3A_1097] {strides = array<i32>} : memref<128x128xf32, #tpu.memory_space<vmem>>, vector<16xf32>,
          %mul3A_1099 = vector.broadcast %squeeze3A_1035 : f32 to vector<16xf32>
          %mul3A_1100 = arith.mulf %get3A_1098, %mul3A_1099 : vector<16xf32>
          %swap3A_1101 = arith.index_cast %add3A_1039 : i32 to index
          %swap3A_1102 = arith.constant 112 : index
          %swap3A_1103 = tpu.vector_load %arg12[%swap3A_1101, %swap3A_1102] {strides = array<i32>} : memref<128x128xf32, #tpu.memory_space<vmem>>, vector<16xf32>,
          tpu.vector_store %arg12[%swap3A_1101, %swap3A_1102], %mul3A_1100 {strides = array<i32>} : memref<128x128xf32, #tpu.memory_space<vmem>>, vector<16xf32>,
          %slice3A_1104 = vector.extract_strided_slice %get3A_125 {offsets = [14], sizes = [1], strides = [1]} : vector<16xf32> to vector<1xf32>
          %squeeze3A_1105 = vector.extract %slice3A_1104[0] : f32 from vector<1xf32>
          %mul3A_1106 = arith.constant 16 : i32
          %mul3A_1107 = arith.muli %scan3A_122, %mul3A_1106 : i32
          %add3A_1108 = arith.constant 14 : i32
          %add3A_1109 = arith.addi %mul3A_1107, %add3A_1108 : i32
          %get3A_1110 = arith.index_cast %add3A_1109 : i32 to index
          %get3A_1111 = arith.constant 0 : index
          %get3A_1112 = tpu.vector_load %arg12[%get3A_1110, %get3A_1111] {strides = array<i32>} : memref<128x128xf32, #tpu.memory_space<vmem>>, vector<16xf32>,
          %mul3A_1113 = vector.broadcast %squeeze3A_1105 : f32 to vector<16xf32>
          %mul3A_1114 = arith.mulf %get3A_1112, %mul3A_1113 : vector<16xf32>
          %swap3A_1115 = arith.index_cast %add3A_1109 : i32 to index
          %swap3A_1116 = arith.constant 0 : index
          %swap3A_1117 = tpu.vector_load %arg12[%swap3A_1115, %swap3A_1116] {strides = array<i32>} : memref<128x128xf32, #tpu.memory_space<vmem>>, vector<16xf32>,
          tpu.vector_store %arg12[%swap3A_1115, %swap3A_1116], %mul3A_1114 {strides = array<i32>} : memref<128x128xf32, #tpu.memory_space<vmem>>, vector<16xf32>,
          %get3A_1118 = arith.index_cast %add3A_1109 : i32 to index
          %get3A_1119 = arith.constant 16 : index
          %get3A_1120 = tpu.vector_load %arg12[%get3A_1118, %get3A_1119] {strides = array<i32>} : memref<128x128xf32, #tpu.memory_space<vmem>>, vector<16xf32>,
          %mul3A_1121 = vector.broadcast %squeeze3A_1105 : f32 to vector<16xf32>
          %mul3A_1122 = arith.mulf %get3A_1120, %mul3A_1121 : vector<16xf32>
          %swap3A_1123 = arith.index_cast %add3A_1109 : i32 to index
          %swap3A_1124 = arith.constant 16 : index
          %swap3A_1125 = tpu.vector_load %arg12[%swap3A_1123, %swap3A_1124] {strides = array<i32>} : memref<128x128xf32, #tpu.memory_space<vmem>>, vector<16xf32>,
          tpu.vector_store %arg12[%swap3A_1123, %swap3A_1124], %mul3A_1122 {strides = array<i32>} : memref<128x128xf32, #tpu.memory_space<vmem>>, vector<16xf32>,
          %get3A_1126 = arith.index_cast %add3A_1109 : i32 to index
          %get3A_1127 = arith.constant 32 : index
          %get3A_1128 = tpu.vector_load %arg12[%get3A_1126, %get3A_1127] {strides = array<i32>} : memref<128x128xf32, #tpu.memory_space<vmem>>, vector<16xf32>,
          %mul3A_1129 = vector.broadcast %squeeze3A_1105 : f32 to vector<16xf32>
          %mul3A_1130 = arith.mulf %get3A_1128, %mul3A_1129 : vector<16xf32>
          %swap3A_1131 = arith.index_cast %add3A_1109 : i32 to index
          %swap3A_1132 = arith.constant 32 : index
          %swap3A_1133 = tpu.vector_load %arg12[%swap3A_1131, %swap3A_1132] {strides = array<i32>} : memref<128x128xf32, #tpu.memory_space<vmem>>, vector<16xf32>,
          tpu.vector_store %arg12[%swap3A_1131, %swap3A_1132], %mul3A_1130 {strides = array<i32>} : memref<128x128xf32, #tpu.memory_space<vmem>>, vector<16xf32>,
          %get3A_1134 = arith.index_cast %add3A_1109 : i32 to index
          %get3A_1135 = arith.constant 48 : index
          %get3A_1136 = tpu.vector_load %arg12[%get3A_1134, %get3A_1135] {strides = array<i32>} : memref<128x128xf32, #tpu.memory_space<vmem>>, vector<16xf32>,
          %mul3A_1137 = vector.broadcast %squeeze3A_1105 : f32 to vector<16xf32>
          %mul3A_1138 = arith.mulf %get3A_1136, %mul3A_1137 : vector<16xf32>
          %swap3A_1139 = arith.index_cast %add3A_1109 : i32 to index
          %swap3A_1140 = arith.constant 48 : index
          %swap3A_1141 = tpu.vector_load %arg12[%swap3A_1139, %swap3A_1140] {strides = array<i32>} : memref<128x128xf32, #tpu.memory_space<vmem>>, vector<16xf32>,
          tpu.vector_store %arg12[%swap3A_1139, %swap3A_1140], %mul3A_1138 {strides = array<i32>} : memref<128x128xf32, #tpu.memory_space<vmem>>, vector<16xf32>,
          %get3A_1142 = arith.index_cast %add3A_1109 : i32 to index
          %get3A_1143 = arith.constant 64 : index
          %get3A_1144 = tpu.vector_load %arg12[%get3A_1142, %get3A_1143] {strides = array<i32>} : memref<128x128xf32, #tpu.memory_space<vmem>>, vector<16xf32>,
          %mul3A_1145 = vector.broadcast %squeeze3A_1105 : f32 to vector<16xf32>
          %mul3A_1146 = arith.mulf %get3A_1144, %mul3A_1145 : vector<16xf32>
          %swap3A_1147 = arith.index_cast %add3A_1109 : i32 to index
          %swap3A_1148 = arith.constant 64 : index
          %swap3A_1149 = tpu.vector_load %arg12[%swap3A_1147, %swap3A_1148] {strides = array<i32>} : memref<128x128xf32, #tpu.memory_space<vmem>>, vector<16xf32>,
          tpu.vector_store %arg12[%swap3A_1147, %swap3A_1148], %mul3A_1146 {strides = array<i32>} : memref<128x128xf32, #tpu.memory_space<vmem>>, vector<16xf32>,
          %get3A_1150 = arith.index_cast %add3A_1109 : i32 to index
          %get3A_1151 = arith.constant 80 : index
          %get3A_1152 = tpu.vector_load %arg12[%get3A_1150, %get3A_1151] {strides = array<i32>} : memref<128x128xf32, #tpu.memory_space<vmem>>, vector<16xf32>,
          %mul3A_1153 = vector.broadcast %squeeze3A_1105 : f32 to vector<16xf32>
          %mul3A_1154 = arith.mulf %get3A_1152, %mul3A_1153 : vector<16xf32>
          %swap3A_1155 = arith.index_cast %add3A_1109 : i32 to index
          %swap3A_1156 = arith.constant 80 : index
          %swap3A_1157 = tpu.vector_load %arg12[%swap3A_1155, %swap3A_1156] {strides = array<i32>} : memref<128x128xf32, #tpu.memory_space<vmem>>, vector<16xf32>,
          tpu.vector_store %arg12[%swap3A_1155, %swap3A_1156], %mul3A_1154 {strides = array<i32>} : memref<128x128xf32, #tpu.memory_space<vmem>>, vector<16xf32>,
          %get3A_1158 = arith.index_cast %add3A_1109 : i32 to index
          %get3A_1159 = arith.constant 96 : index
          %get3A_1160 = tpu.vector_load %arg12[%get3A_1158, %get3A_1159] {strides = array<i32>} : memref<128x128xf32, #tpu.memory_space<vmem>>, vector<16xf32>,
          %mul3A_1161 = vector.broadcast %squeeze3A_1105 : f32 to vector<16xf32>
          %mul3A_1162 = arith.mulf %get3A_1160, %mul3A_1161 : vector<16xf32>
          %swap3A_1163 = arith.index_cast %add3A_1109 : i32 to index
          %swap3A_1164 = arith.constant 96 : index
          %swap3A_1165 = tpu.vector_load %arg12[%swap3A_1163, %swap3A_1164] {strides = array<i32>} : memref<128x128xf32, #tpu.memory_space<vmem>>, vector<16xf32>,
          tpu.vector_store %arg12[%swap3A_1163, %swap3A_1164], %mul3A_1162 {strides = array<i32>} : memref<128x128xf32, #tpu.memory_space<vmem>>, vector<16xf32>,
          %get3A_1166 = arith.index_cast %add3A_1109 : i32 to index
          %get3A_1167 = arith.constant 112 : index
          %get3A_1168 = tpu.vector_load %arg12[%get3A_1166, %get3A_1167] {strides = array<i32>} : memref<128x128xf32, #tpu.memory_space<vmem>>, vector<16xf32>,
          %mul3A_1169 = vector.broadcast %squeeze3A_1105 : f32 to vector<16xf32>
          %mul3A_1170 = arith.mulf %get3A_1168, %mul3A_1169 : vector<16xf32>
          %swap3A_1171 = arith.index_cast %add3A_1109 : i32 to index
          %swap3A_1172 = arith.constant 112 : index
          %swap3A_1173 = tpu.vector_load %arg12[%swap3A_1171, %swap3A_1172] {strides = array<i32>} : memref<128x128xf32, #tpu.memory_space<vmem>>, vector<16xf32>,
          tpu.vector_store %arg12[%swap3A_1171, %swap3A_1172], %mul3A_1170 {strides = array<i32>} : memref<128x128xf32, #tpu.memory_space<vmem>>, vector<16xf32>,
          %slice3A_1174 = vector.extract_strided_slice %get3A_125 {offsets = [15], sizes = [1], strides = [1]} : vector<16xf32> to vector<1xf32>
          %squeeze3A_1175 = vector.extract %slice3A_1174[0] : f32 from vector<1xf32>
          %mul3A_1176 = arith.constant 16 : i32
          %mul3A_1177 = arith.muli %scan3A_122, %mul3A_1176 : i32
          %add3A_1178 = arith.constant 15 : i32
          %add3A_1179 = arith.addi %mul3A_1177, %add3A_1178 : i32
          %get3A_1180 = arith.index_cast %add3A_1179 : i32 to index
          %get3A_1181 = arith.constant 0 : index
          %get3A_1182 = tpu.vector_load %arg12[%get3A_1180, %get3A_1181] {strides = array<i32>} : memref<128x128xf32, #tpu.memory_space<vmem>>, vector<16xf32>,
          %mul3A_1183 = vector.broadcast %squeeze3A_1175 : f32 to vector<16xf32>
          %mul3A_1184 = arith.mulf %get3A_1182, %mul3A_1183 : vector<16xf32>
          %swap3A_1185 = arith.index_cast %add3A_1179 : i32 to index
          %swap3A_1186 = arith.constant 0 : index
          %swap3A_1187 = tpu.vector_load %arg12[%swap3A_1185, %swap3A_1186] {strides = array<i32>} : memref<128x128xf32, #tpu.memory_space<vmem>>, vector<16xf32>,
          tpu.vector_store %arg12[%swap3A_1185, %swap3A_1186], %mul3A_1184 {strides = array<i32>} : memref<128x128xf32, #tpu.memory_space<vmem>>, vector<16xf32>,
          %get3A_1188 = arith.index_cast %add3A_1179 : i32 to index
          %get3A_1189 = arith.constant 16 : index
          %get3A_1190 = tpu.vector_load %arg12[%get3A_1188, %get3A_1189] {strides = array<i32>} : memref<128x128xf32, #tpu.memory_space<vmem>>, vector<16xf32>,
          %mul3A_1191 = vector.broadcast %squeeze3A_1175 : f32 to vector<16xf32>
          %mul3A_1192 = arith.mulf %get3A_1190, %mul3A_1191 : vector<16xf32>
          %swap3A_1193 = arith.index_cast %add3A_1179 : i32 to index
          %swap3A_1194 = arith.constant 16 : index
          %swap3A_1195 = tpu.vector_load %arg12[%swap3A_1193, %swap3A_1194] {strides = array<i32>} : memref<128x128xf32, #tpu.memory_space<vmem>>, vector<16xf32>,
          tpu.vector_store %arg12[%swap3A_1193, %swap3A_1194], %mul3A_1192 {strides = array<i32>} : memref<128x128xf32, #tpu.memory_space<vmem>>, vector<16xf32>,
          %get3A_1196 = arith.index_cast %add3A_1179 : i32 to index
          %get3A_1197 = arith.constant 32 : index
          %get3A_1198 = tpu.vector_load %arg12[%get3A_1196, %get3A_1197] {strides = array<i32>} : memref<128x128xf32, #tpu.memory_space<vmem>>, vector<16xf32>,
          %mul3A_1199 = vector.broadcast %squeeze3A_1175 : f32 to vector<16xf32>
          %mul3A_1200 = arith.mulf %get3A_1198, %mul3A_1199 : vector<16xf32>
          %swap3A_1201 = arith.index_cast %add3A_1179 : i32 to index
          %swap3A_1202 = arith.constant 32 : index
          %swap3A_1203 = tpu.vector_load %arg12[%swap3A_1201, %swap3A_1202] {strides = array<i32>} : memref<128x128xf32, #tpu.memory_space<vmem>>, vector<16xf32>,
          tpu.vector_store %arg12[%swap3A_1201, %swap3A_1202], %mul3A_1200 {strides = array<i32>} : memref<128x128xf32, #tpu.memory_space<vmem>>, vector<16xf32>,
          %get3A_1204 = arith.index_cast %add3A_1179 : i32 to index
          %get3A_1205 = arith.constant 48 : index
          %get3A_1206 = tpu.vector_load %arg12[%get3A_1204, %get3A_1205] {strides = array<i32>} : memref<128x128xf32, #tpu.memory_space<vmem>>, vector<16xf32>,
          %mul3A_1207 = vector.broadcast %squeeze3A_1175 : f32 to vector<16xf32>
          %mul3A_1208 = arith.mulf %get3A_1206, %mul3A_1207 : vector<16xf32>
          %swap3A_1209 = arith.index_cast %add3A_1179 : i32 to index
          %swap3A_1210 = arith.constant 48 : index
          %swap3A_1211 = tpu.vector_load %arg12[%swap3A_1209, %swap3A_1210] {strides = array<i32>} : memref<128x128xf32, #tpu.memory_space<vmem>>, vector<16xf32>,
          tpu.vector_store %arg12[%swap3A_1209, %swap3A_1210], %mul3A_1208 {strides = array<i32>} : memref<128x128xf32, #tpu.memory_space<vmem>>, vector<16xf32>,
          %get3A_1212 = arith.index_cast %add3A_1179 : i32 to index
          %get3A_1213 = arith.constant 64 : index
          %get3A_1214 = tpu.vector_load %arg12[%get3A_1212, %get3A_1213] {strides = array<i32>} : memref<128x128xf32, #tpu.memory_space<vmem>>, vector<16xf32>,
          %mul3A_1215 = vector.broadcast %squeeze3A_1175 : f32 to vector<16xf32>
          %mul3A_1216 = arith.mulf %get3A_1214, %mul3A_1215 : vector<16xf32>
          %swap3A_1217 = arith.index_cast %add3A_1179 : i32 to index
          %swap3A_1218 = arith.constant 64 : index
          %swap3A_1219 = tpu.vector_load %arg12[%swap3A_1217, %swap3A_1218] {strides = array<i32>} : memref<128x128xf32, #tpu.memory_space<vmem>>, vector<16xf32>,
          tpu.vector_store %arg12[%swap3A_1217, %swap3A_1218], %mul3A_1216 {strides = array<i32>} : memref<128x128xf32, #tpu.memory_space<vmem>>, vector<16xf32>,
          %get3A_1220 = arith.index_cast %add3A_1179 : i32 to index
          %get3A_1221 = arith.constant 80 : index
          %get3A_1222 = tpu.vector_load %arg12[%get3A_1220, %get3A_1221] {strides = array<i32>} : memref<128x128xf32, #tpu.memory_space<vmem>>, vector<16xf32>,
          %mul3A_1223 = vector.broadcast %squeeze3A_1175 : f32 to vector<16xf32>
          %mul3A_1224 = arith.mulf %get3A_1222, %mul3A_1223 : vector<16xf32>
          %swap3A_1225 = arith.index_cast %add3A_1179 : i32 to index
          %swap3A_1226 = arith.constant 80 : index
          %swap3A_1227 = tpu.vector_load %arg12[%swap3A_1225, %swap3A_1226] {strides = array<i32>} : memref<128x128xf32, #tpu.memory_space<vmem>>, vector<16xf32>,
          tpu.vector_store %arg12[%swap3A_1225, %swap3A_1226], %mul3A_1224 {strides = array<i32>} : memref<128x128xf32, #tpu.memory_space<vmem>>, vector<16xf32>,
          %get3A_1228 = arith.index_cast %add3A_1179 : i32 to index
          %get3A_1229 = arith.constant 96 : index
          %get3A_1230 = tpu.vector_load %arg12[%get3A_1228, %get3A_1229] {strides = array<i32>} : memref<128x128xf32, #tpu.memory_space<vmem>>, vector<16xf32>,
          %mul3A_1231 = vector.broadcast %squeeze3A_1175 : f32 to vector<16xf32>
          %mul3A_1232 = arith.mulf %get3A_1230, %mul3A_1231 : vector<16xf32>
          %swap3A_1233 = arith.index_cast %add3A_1179 : i32 to index
          %swap3A_1234 = arith.constant 96 : index
          %swap3A_1235 = tpu.vector_load %arg12[%swap3A_1233, %swap3A_1234] {strides = array<i32>} : memref<128x128xf32, #tpu.memory_space<vmem>>, vector<16xf32>,
          tpu.vector_store %arg12[%swap3A_1233, %swap3A_1234], %mul3A_1232 {strides = array<i32>} : memref<128x128xf32, #tpu.memory_space<vmem>>, vector<16xf32>,
          %get3A_1236 = arith.index_cast %add3A_1179 : i32 to index
          %get3A_1237 = arith.constant 112 : index
          %get3A_1238 = tpu.vector_load %arg12[%get3A_1236, %get3A_1237] {strides = array<i32>} : memref<128x128xf32, #tpu.memory_space<vmem>>, vector<16xf32>,
          %mul3A_1239 = vector.broadcast %squeeze3A_1175 : f32 to vector<16xf32>
          %mul3A_1240 = arith.mulf %get3A_1238, %mul3A_1239 : vector<16xf32>
          %swap3A_1241 = arith.index_cast %add3A_1179 : i32 to index
          %swap3A_1242 = arith.constant 112 : index
          %swap3A_1243 = tpu.vector_load %arg12[%swap3A_1241, %swap3A_1242] {strides = array<i32>} : memref<128x128xf32, #tpu.memory_space<vmem>>, vector<16xf32>,
          tpu.vector_store %arg12[%swap3A_1241, %swap3A_1242], %mul3A_1240 {strides = array<i32>} : memref<128x128xf32, #tpu.memory_space<vmem>>, vector<16xf32>,
        }
        %scan3A_121 = arith.constant 8 : i32
        "tpu.region"() ({
          %run_scoped3A = tpu.sem_alloc : memref<!tpu.dma_semaphore, #tpu.memory_space<semaphore_mem>>
          %dma_start3A_122 = arith.constant 0 : i32
          %dma_start3A_123 = tpu.memref_slice %arg7[%scan3A_99, %dma_start3A_122] : memref<16x128xi32, #tpu.memory_space<vmem>> -> memref<1x128xi32, #tpu.memory_space<vmem>>
          %dma_start3A_124 = tpu.memref_squeeze %dma_start3A_123 : memref<1x128xi32, #tpu.memory_space<vmem>> -> memref<128xi32, #tpu.memory_space<vmem>>
          %dma_start3A_125 = arith.constant 0 : i32
          %dma_start3A_126 = arith.constant 0 : i32
          %dma_start3A_127 = tpu.memref_slice %arg14[%dma_start3A_125, %dma_start3A_126] : memref<10240x128xf32, #tpu.memory_space<vmem_shared>> -> memref<10240x128xf32, #tpu.memory_space<vmem_shared>>
          tpu.enqueue_indirect_dma source(%arg12 : memref<128x128xf32, #tpu.memory_space<vmem>>) target(%dma_start3A_127 : memref<10240x128xf32, #tpu.memory_space<vmem_shared>>) offsets(%dma_start3A_124 : memref<128xi32, #tpu.memory_space<vmem>>) semaphore(%run_scoped3A : memref<!tpu.dma_semaphore, #tpu.memory_space<semaphore_mem>>) {add = true}
          %dma_wait3A_128 = arith.constant 0 : i32
          %dma_wait3A_129 = tpu.memref_slice %arg7[%scan3A_99, %dma_wait3A_128] : memref<16x128xi32, #tpu.memory_space<vmem>> -> memref<1x128xi32, #tpu.memory_space<vmem>>
          %dma_wait3A_130 = tpu.memref_squeeze %dma_wait3A_129 : memref<1x128xi32, #tpu.memory_space<vmem>> -> memref<128xi32, #tpu.memory_space<vmem>>
          %dma_wait3A_131 = arith.constant 0 : i32
          %dma_wait3A_132 = arith.constant 0 : i32
          %dma_wait3A_133 = tpu.memref_slice %arg14[%dma_wait3A_131, %dma_wait3A_132] : memref<10240x128xf32, #tpu.memory_space<vmem_shared>> -> memref<10240x128xf32, #tpu.memory_space<vmem_shared>>
          tpu.wait_indirect_dma semaphore(%run_scoped3A : memref<!tpu.dma_semaphore, #tpu.memory_space<semaphore_mem>>) src(%arg12 : memref<128x128xf32, #tpu.memory_space<vmem>>) dst(%dma_wait3A_133 : memref<10240x128xf32, #tpu.memory_space<vmem_shared>>)
          tpu.yield
        }) : () -> ()
      }
      %scan3A_98 = arith.constant 16 : i32
    }
    %scan3A_83 = arith.constant 5 : i32
    %barrier3A_84 = arith.constant 0 : index
    tpu.barrier barrier_id(%barrier3A_84)
    %mul3A_85 = arith.constant 640 : i32
    %mul3A_86 = arith.muli %arg1, %mul3A_85 : i32
    "tpu.region"() ({
      %run_scoped3A = tpu.sem_alloc : memref<!tpu.dma_semaphore, #tpu.memory_space<semaphore_mem>>
      %dma_start3A = arith.constant 0 : i32
      %dma_start3A_87 = tpu.memref_slice %arg6[%arg0, %mul3A_86, %dma_start3A] : memref<2x10240x128xf32, #tpu.memory_space<hbm>> -> memref<1x640x128xf32, #tpu.memory_space<hbm>>
      %dma_start3A_88 = tpu.memref_squeeze %dma_start3A_87 : memref<1x640x128xf32, #tpu.memory_space<hbm>> -> memref<640x128xf32, #tpu.memory_space<hbm>>
      %dma_start3A_89 = arith.constant 0 : i32
      %dma_start3A_90 = tpu.memref_slice %arg14[%mul3A_86, %dma_start3A_89] : memref<10240x128xf32, #tpu.memory_space<vmem_shared>> -> memref<640x128xf32, #tpu.memory_space<vmem_shared>>
      tpu.enqueue_dma source(%dma_start3A_90 : memref<640x128xf32, #tpu.memory_space<vmem_shared>>) target(%dma_start3A_88 : memref<640x128xf32, #tpu.memory_space<hbm>>) target_semaphore(%run_scoped3A : memref<!tpu.dma_semaphore, #tpu.memory_space<semaphore_mem>>)
      %dma_wait3A = arith.constant 0 : i32
      %dma_wait3A_91 = tpu.memref_slice %arg6[%arg0, %mul3A_86, %dma_wait3A] : memref<2x10240x128xf32, #tpu.memory_space<hbm>> -> memref<1x640x128xf32, #tpu.memory_space<hbm>>
      %dma_wait3A_92 = tpu.memref_squeeze %dma_wait3A_91 : memref<1x640x128xf32, #tpu.memory_space<hbm>> -> memref<640x128xf32, #tpu.memory_space<hbm>>
      %dma_wait3A_93 = arith.constant 0 : i32
      %dma_wait3A_94 = tpu.memref_slice %arg14[%mul3A_86, %dma_wait3A_93] : memref<10240x128xf32, #tpu.memory_space<vmem_shared>> -> memref<640x128xf32, #tpu.memory_space<vmem_shared>>
      tpu.wait_dma2 semaphore(%run_scoped3A : memref<!tpu.dma_semaphore, #tpu.memory_space<semaphore_mem>>) src(%dma_wait3A_94 : memref<640x128xf32, #tpu.memory_space<vmem_shared>>) dst(%dma_wait3A_92 : memref<640x128xf32, #tpu.memory_space<hbm>>)
      tpu.yield
    }) : () -> ()
    return
  }
}

module attributes {stable_mosaic.version = 14 : i64} {
  func.func @_dense_body(%arg0: i32, %arg1: memref<1x256x128xf32, #tpu.memory_space<vmem>>, %arg2: memref<1x256x128xf32, #tpu.memory_space<vmem>>, %arg3: memref<256x128xf32, #tpu.memory_space<vmem>>, %arg4: memref<128x128xf32, #tpu.memory_space<vmem>>, %arg5: memref<128x128xf32, #tpu.memory_space<vmem>>, %arg6: memref<128x128xf32, #tpu.memory_space<vmem>>, %arg7: memref<256x128xf32, #tpu.memory_space<vmem>>, %arg8: memref<256x128xf32, #tpu.memory_space<vmem>>, %arg9: memref<256x128xf32, #tpu.memory_space<vmem>>, %arg10: memref<128x128xf32, #tpu.memory_space<vmem>>, %arg11: memref<128x128xf32, #tpu.memory_space<vmem>>, %arg12: memref<1x128xf32, #tpu.memory_space<vmem>>, %arg13: memref<1x128xf32, #tpu.memory_space<vmem>>, %arg14: memref<1x128xf32, #tpu.memory_space<vmem>>, %arg15: memref<1x128xf32, #tpu.memory_space<vmem>>, %arg16: memref<1x128xf32, #tpu.memory_space<vmem>>, %arg17: memref<1x128xf32, #tpu.memory_space<vmem>>, %arg18: memref<1x128xf32, #tpu.memory_space<vmem>>, %arg19: memref<1x128xf32, #tpu.memory_space<vmem>>, %arg20: memref<256x128xf32, #tpu.memory_space<vmem>>, %arg21: memref<256x128xf32, #tpu.memory_space<vmem>>, %arg22: memref<256x128xf32, #tpu.memory_space<vmem>>) attributes {dimension_semantics = [#tpu.dimension_semantics<arbitrary>], iteration_bounds = array<i64: 40>, scalar_prefetch = 0 : i64, scratch_operands = 0 : i64, tpu.core_type = #tpu.core_type<tc>, window_params = [{transform_indices = @transform_0, window_bounds = array<i64: 1, 256, 128>}, {transform_indices = @transform_1, window_bounds = array<i64: 1, 256, 128>}, {transform_indices = @transform_2, window_bounds = array<i64: 256, 128>}, {pipeline_mode = #tpu.pipeline_mode<synchronous>, transform_indices = @transform_3, window_bounds = array<i64: 128, 128>}, {pipeline_mode = #tpu.pipeline_mode<synchronous>, transform_indices = @transform_4, window_bounds = array<i64: 128, 128>}, {pipeline_mode = #tpu.pipeline_mode<synchronous>, transform_indices = @transform_5, window_bounds = array<i64: 128, 128>}, {pipeline_mode = #tpu.pipeline_mode<synchronous>, transform_indices = @transform_6, window_bounds = array<i64: 256, 128>}, {pipeline_mode = #tpu.pipeline_mode<synchronous>, transform_indices = @transform_7, window_bounds = array<i64: 256, 128>}, {pipeline_mode = #tpu.pipeline_mode<synchronous>, transform_indices = @transform_8, window_bounds = array<i64: 256, 128>}, {pipeline_mode = #tpu.pipeline_mode<synchronous>, transform_indices = @transform_9, window_bounds = array<i64: 128, 128>}, {pipeline_mode = #tpu.pipeline_mode<synchronous>, transform_indices = @transform_10, window_bounds = array<i64: 128, 128>}, {pipeline_mode = #tpu.pipeline_mode<synchronous>, transform_indices = @transform_11, window_bounds = array<i64: 1, 128>}, {pipeline_mode = #tpu.pipeline_mode<synchronous>, transform_indices = @transform_12, window_bounds = array<i64: 1, 128>}, {pipeline_mode = #tpu.pipeline_mode<synchronous>, transform_indices = @transform_13, window_bounds = array<i64: 1, 128>}, {pipeline_mode = #tpu.pipeline_mode<synchronous>, transform_indices = @transform_14, window_bounds = array<i64: 1, 128>}, {pipeline_mode = #tpu.pipeline_mode<synchronous>, transform_indices = @transform_15, window_bounds = array<i64: 1, 128>}, {pipeline_mode = #tpu.pipeline_mode<synchronous>, transform_indices = @transform_16, window_bounds = array<i64: 1, 128>}, {pipeline_mode = #tpu.pipeline_mode<synchronous>, transform_indices = @transform_17, window_bounds = array<i64: 1, 128>}, {pipeline_mode = #tpu.pipeline_mode<synchronous>, transform_indices = @transform_18, window_bounds = array<i64: 1, 128>}, {transform_indices = @transform_19, window_bounds = array<i64: 256, 128>}, {transform_indices = @transform_20, window_bounds = array<i64: 256, 128>}, {transform_indices = @transform_21, window_bounds = array<i64: 256, 128>}]} {
    %get3A = arith.constant 0 : index
    %get3A_0 = arith.constant 0 : index
    %get3A_1 = arith.constant 0 : index
    %get3A_2 = vector.load %arg1[%get3A, %get3A_0, %get3A_1] : memref<1x256x128xf32, #tpu.memory_space<vmem>>, vector<1x256x128xf32>
    %get3A_3 = vector.shape_cast %get3A_2 : vector<1x256x128xf32> to vector<256x128xf32>
    %get3A_4 = arith.constant 0 : index
    %get3A_5 = arith.constant 0 : index
    %get3A_6 = arith.constant 0 : index
    %get3A_7 = vector.load %arg2[%get3A_4, %get3A_5, %get3A_6] : memref<1x256x128xf32, #tpu.memory_space<vmem>>, vector<1x256x128xf32>
    %get3A_8 = vector.shape_cast %get3A_7 : vector<1x256x128xf32> to vector<256x128xf32>
    %add3A = arith.addf %get3A_3, %get3A_8 : vector<256x128xf32>
    %get3A_9 = arith.constant 0 : index
    %get3A_10 = arith.constant 0 : index
    %get3A_11 = vector.load %arg3[%get3A_9, %get3A_10] : memref<256x128xf32, #tpu.memory_space<vmem>>, vector<256x128xf32>
    %get3A_12 = arith.constant 0 : index
    %get3A_13 = arith.constant 0 : index
    %get3A_14 = vector.load %arg4[%get3A_12, %get3A_13] : memref<128x128xf32, #tpu.memory_space<vmem>>, vector<128x128xf32>
    %dot_general3A = arith.constant dense<0.000000e+00> : vector<256x128xf32>
    %dot_general3A_15 = tpu.matmul %add3A, %get3A_14, %dot_general3A {dimension_numbers = #tpu.dot_dimension_numbers<[1], [0], [0], [1], [0, 0, 1, 1], [], []>, transpose_lhs_hint = false} : vector<256x128xf32>, vector<128x128xf32>, vector<256x128xf32> -> vector<256x128xf32>
    %get3A_16 = arith.constant 0 : index
    %get3A_17 = arith.constant 0 : index
    %get3A_18 = vector.load %arg12[%get3A_16, %get3A_17] : memref<1x128xf32, #tpu.memory_space<vmem>>, vector<1x128xf32>
    %add3A_19 = vector.broadcast %get3A_18 : vector<1x128xf32> to vector<256x128xf32>
    %add3A_20 = arith.addf %dot_general3A_15, %add3A_19 : vector<256x128xf32>
    %get3A_21 = arith.constant 0 : index
    %get3A_22 = arith.constant 0 : index
    %get3A_23 = vector.load %arg5[%get3A_21, %get3A_22] : memref<128x128xf32, #tpu.memory_space<vmem>>, vector<128x128xf32>
    %dot_general3A_24 = arith.constant dense<0.000000e+00> : vector<256x128xf32>
    %dot_general3A_25 = tpu.matmul %add3A, %get3A_23, %dot_general3A_24 {dimension_numbers = #tpu.dot_dimension_numbers<[1], [0], [0], [1], [0, 0, 1, 1], [], []>, transpose_lhs_hint = false} : vector<256x128xf32>, vector<128x128xf32>, vector<256x128xf32> -> vector<256x128xf32>
    %get3A_26 = arith.constant 0 : index
    %get3A_27 = arith.constant 0 : index
    %get3A_28 = vector.load %arg13[%get3A_26, %get3A_27] : memref<1x128xf32, #tpu.memory_space<vmem>>, vector<1x128xf32>
    %add3A_29 = vector.broadcast %get3A_28 : vector<1x128xf32> to vector<256x128xf32>
    %add3A_30 = arith.addf %dot_general3A_25, %add3A_29 : vector<256x128xf32>
    %get3A_31 = arith.constant 0 : index
    %get3A_32 = arith.constant 0 : index
    %get3A_33 = vector.load %arg6[%get3A_31, %get3A_32] : memref<128x128xf32, #tpu.memory_space<vmem>>, vector<128x128xf32>
    %dot_general3A_34 = arith.constant dense<0.000000e+00> : vector<256x128xf32>
    %dot_general3A_35 = tpu.matmul %add3A, %get3A_33, %dot_general3A_34 {dimension_numbers = #tpu.dot_dimension_numbers<[1], [0], [0], [1], [0, 0, 1, 1], [], []>, transpose_lhs_hint = false} : vector<256x128xf32>, vector<128x128xf32>, vector<256x128xf32> -> vector<256x128xf32>
    %get3A_36 = arith.constant 0 : index
    %get3A_37 = arith.constant 0 : index
    %get3A_38 = vector.load %arg14[%get3A_36, %get3A_37] : memref<1x128xf32, #tpu.memory_space<vmem>>, vector<1x128xf32>
    %add3A_39 = vector.broadcast %get3A_38 : vector<1x128xf32> to vector<256x128xf32>
    %add3A_40 = arith.addf %dot_general3A_35, %add3A_39 : vector<256x128xf32>
    %get3A_41 = arith.constant 0 : index
    %get3A_42 = arith.constant 0 : index
    %get3A_43 = vector.load %arg7[%get3A_41, %get3A_42] : memref<256x128xf32, #tpu.memory_space<vmem>>, vector<256x128xf32>
    %get3A_44 = arith.constant 0 : index
    %get3A_45 = arith.constant 0 : index
    %get3A_46 = vector.load %arg8[%get3A_44, %get3A_45] : memref<256x128xf32, #tpu.memory_space<vmem>>, vector<256x128xf32>
    %get3A_47 = arith.constant 0 : index
    %get3A_48 = arith.constant 0 : index
    %get3A_49 = vector.load %arg9[%get3A_47, %get3A_48] : memref<256x128xf32, #tpu.memory_space<vmem>>, vector<256x128xf32>
    %slice3A = vector.extract_strided_slice %get3A_43 {offsets = [0, 0], sizes = [128, 128], strides = [1, 1]} : vector<256x128xf32> to vector<128x128xf32>
    %dot_general3A_50 = arith.constant dense<0.000000e+00> : vector<256x128xf32>
    %dot_general3A_51 = tpu.matmul %add3A_20, %slice3A, %dot_general3A_50 {dimension_numbers = #tpu.dot_dimension_numbers<[1], [0], [0], [1], [0, 0, 1, 1], [], []>, transpose_lhs_hint = false} : vector<256x128xf32>, vector<128x128xf32>, vector<256x128xf32> -> vector<256x128xf32>
    %slice3A_52 = vector.extract_strided_slice %get3A_43 {offsets = [128, 0], sizes = [128, 128], strides = [1, 1]} : vector<256x128xf32> to vector<128x128xf32>
    %dot_general3A_53 = arith.constant dense<0.000000e+00> : vector<256x128xf32>
    %dot_general3A_54 = tpu.matmul %get3A_11, %slice3A_52, %dot_general3A_53 {dimension_numbers = #tpu.dot_dimension_numbers<[1], [0], [0], [1], [0, 0, 1, 1], [], []>, transpose_lhs_hint = false} : vector<256x128xf32>, vector<128x128xf32>, vector<256x128xf32> -> vector<256x128xf32>
    %add3A_55 = arith.addf %dot_general3A_51, %dot_general3A_54 : vector<256x128xf32>
    %get3A_56 = arith.constant 0 : index
    %get3A_57 = arith.constant 0 : index
    %get3A_58 = vector.load %arg15[%get3A_56, %get3A_57] : memref<1x128xf32, #tpu.memory_space<vmem>>, vector<1x128xf32>
    %add3A_59 = vector.broadcast %get3A_58 : vector<1x128xf32> to vector<256x128xf32>
    %add3A_60 = arith.addf %add3A_55, %add3A_59 : vector<256x128xf32>
    %logistic3A = arith.negf %add3A_60 : vector<256x128xf32>
    %logistic3A_61 = math.exp %logistic3A : vector<256x128xf32>
    %logistic3A_62 = arith.constant 1.000000e+00 : f32
    %logistic3A_63 = vector.broadcast %logistic3A_62 : f32 to vector<256x128xf32>
    %logistic3A_64 = arith.addf %logistic3A_63, %logistic3A_61 : vector<256x128xf32>
    %logistic3A_65 = arith.divf %logistic3A_63, %logistic3A_64 : vector<256x128xf32>
    %slice3A_66 = vector.extract_strided_slice %get3A_46 {offsets = [0, 0], sizes = [128, 128], strides = [1, 1]} : vector<256x128xf32> to vector<128x128xf32>
    %dot_general3A_67 = arith.constant dense<0.000000e+00> : vector<256x128xf32>
    %dot_general3A_68 = tpu.matmul %add3A_30, %slice3A_66, %dot_general3A_67 {dimension_numbers = #tpu.dot_dimension_numbers<[1], [0], [0], [1], [0, 0, 1, 1], [], []>, transpose_lhs_hint = false} : vector<256x128xf32>, vector<128x128xf32>, vector<256x128xf32> -> vector<256x128xf32>
    %slice3A_69 = vector.extract_strided_slice %get3A_46 {offsets = [128, 0], sizes = [128, 128], strides = [1, 1]} : vector<256x128xf32> to vector<128x128xf32>
    %dot_general3A_70 = arith.constant dense<0.000000e+00> : vector<256x128xf32>
    %dot_general3A_71 = tpu.matmul %get3A_11, %slice3A_69, %dot_general3A_70 {dimension_numbers = #tpu.dot_dimension_numbers<[1], [0], [0], [1], [0, 0, 1, 1], [], []>, transpose_lhs_hint = false} : vector<256x128xf32>, vector<128x128xf32>, vector<256x128xf32> -> vector<256x128xf32>
    %add3A_72 = arith.addf %dot_general3A_68, %dot_general3A_71 : vector<256x128xf32>
    %get3A_73 = arith.constant 0 : index
    %get3A_74 = arith.constant 0 : index
    %get3A_75 = vector.load %arg16[%get3A_73, %get3A_74] : memref<1x128xf32, #tpu.memory_space<vmem>>, vector<1x128xf32>
    %add3A_76 = vector.broadcast %get3A_75 : vector<1x128xf32> to vector<256x128xf32>
    %add3A_77 = arith.addf %add3A_72, %add3A_76 : vector<256x128xf32>
    %logistic3A_78 = arith.negf %add3A_77 : vector<256x128xf32>
    %logistic3A_79 = math.exp %logistic3A_78 : vector<256x128xf32>
    %logistic3A_80 = arith.constant 1.000000e+00 : f32
    %logistic3A_81 = vector.broadcast %logistic3A_80 : f32 to vector<256x128xf32>
    %logistic3A_82 = arith.addf %logistic3A_81, %logistic3A_79 : vector<256x128xf32>
    %logistic3A_83 = arith.divf %logistic3A_81, %logistic3A_82 : vector<256x128xf32>
    %slice3A_84 = vector.extract_strided_slice %get3A_49 {offsets = [0, 0], sizes = [128, 128], strides = [1, 1]} : vector<256x128xf32> to vector<128x128xf32>
    %dot_general3A_85 = arith.constant dense<0.000000e+00> : vector<256x128xf32>
    %dot_general3A_86 = tpu.matmul %add3A_40, %slice3A_84, %dot_general3A_85 {dimension_numbers = #tpu.dot_dimension_numbers<[1], [0], [0], [1], [0, 0, 1, 1], [], []>, transpose_lhs_hint = false} : vector<256x128xf32>, vector<128x128xf32>, vector<256x128xf32> -> vector<256x128xf32>
    %mul3A = arith.mulf %get3A_11, %logistic3A_83 : vector<256x128xf32>
    %slice3A_87 = vector.extract_strided_slice %get3A_49 {offsets = [128, 0], sizes = [128, 128], strides = [1, 1]} : vector<256x128xf32> to vector<128x128xf32>
    %dot_general3A_88 = arith.constant dense<0.000000e+00> : vector<256x128xf32>
    %dot_general3A_89 = tpu.matmul %mul3A, %slice3A_87, %dot_general3A_88 {dimension_numbers = #tpu.dot_dimension_numbers<[1], [0], [0], [1], [0, 0, 1, 1], [], []>, transpose_lhs_hint = false} : vector<256x128xf32>, vector<128x128xf32>, vector<256x128xf32> -> vector<256x128xf32>
    %add3A_90 = arith.addf %dot_general3A_86, %dot_general3A_89 : vector<256x128xf32>
    %get3A_91 = arith.constant 0 : index
    %get3A_92 = arith.constant 0 : index
    %get3A_93 = vector.load %arg17[%get3A_91, %get3A_92] : memref<1x128xf32, #tpu.memory_space<vmem>>, vector<1x128xf32>
    %add3A_94 = vector.broadcast %get3A_93 : vector<1x128xf32> to vector<256x128xf32>
    %add3A_95 = arith.addf %add3A_90, %add3A_94 : vector<256x128xf32>
    %tanh3A = math.tanh %add3A_95 : vector<256x128xf32>
    %mul3A_96 = arith.mulf %logistic3A_65, %get3A_11 : vector<256x128xf32>
    %sub3A = arith.constant 1.000000e+00 : f32
    %sub3A_97 = vector.broadcast %sub3A : f32 to vector<256x128xf32>
    %sub3A_98 = arith.subf %sub3A_97, %logistic3A_65 : vector<256x128xf32>
    %mul3A_99 = arith.mulf %sub3A_98, %tanh3A : vector<256x128xf32>
    %add3A_100 = arith.addf %mul3A_96, %mul3A_99 : vector<256x128xf32>
    %max3A = arith.constant 0.000000e+00 : f32
    %max3A_101 = vector.broadcast %max3A : f32 to vector<256x128xf32>
    %max3A_102 = arith.maximumf %add3A_100, %max3A_101 : vector<256x128xf32>
    %get3A_103 = arith.constant 0 : index
    %get3A_104 = arith.constant 0 : index
    %get3A_105 = vector.load %arg10[%get3A_103, %get3A_104] : memref<128x128xf32, #tpu.memory_space<vmem>>, vector<128x128xf32>
    %dot_general3A_106 = arith.constant dense<0.000000e+00> : vector<256x128xf32>
    %dot_general3A_107 = tpu.matmul %max3A_102, %get3A_105, %dot_general3A_106 {dimension_numbers = #tpu.dot_dimension_numbers<[1], [0], [0], [1], [0, 0, 1, 1], [], []>, transpose_lhs_hint = false} : vector<256x128xf32>, vector<128x128xf32>, vector<256x128xf32> -> vector<256x128xf32>
    %get3A_108 = arith.constant 0 : index
    %get3A_109 = arith.constant 0 : index
    %get3A_110 = vector.load %arg18[%get3A_108, %get3A_109] : memref<1x128xf32, #tpu.memory_space<vmem>>, vector<1x128xf32>
    %add3A_111 = vector.broadcast %get3A_110 : vector<1x128xf32> to vector<256x128xf32>
    %add3A_112 = arith.addf %dot_general3A_107, %add3A_111 : vector<256x128xf32>
    %get3A_113 = arith.constant 0 : index
    %get3A_114 = arith.constant 0 : index
    %get3A_115 = vector.load %arg11[%get3A_113, %get3A_114] : memref<128x128xf32, #tpu.memory_space<vmem>>, vector<128x128xf32>
    %dot_general3A_116 = arith.constant dense<0.000000e+00> : vector<256x128xf32>
    %dot_general3A_117 = tpu.matmul %add3A_112, %get3A_115, %dot_general3A_116 {dimension_numbers = #tpu.dot_dimension_numbers<[1], [0], [0], [1], [0, 0, 1, 1], [], []>, transpose_lhs_hint = false} : vector<256x128xf32>, vector<128x128xf32>, vector<256x128xf32> -> vector<256x128xf32>
    %get3A_118 = arith.constant 0 : index
    %get3A_119 = arith.constant 0 : index
    %get3A_120 = vector.load %arg19[%get3A_118, %get3A_119] : memref<1x128xf32, #tpu.memory_space<vmem>>, vector<1x128xf32>
    %add3A_121 = vector.broadcast %get3A_120 : vector<1x128xf32> to vector<256x128xf32>
    %add3A_122 = arith.addf %dot_general3A_117, %add3A_121 : vector<256x128xf32>
    %swap3A = arith.constant 0 : index
    %swap3A_123 = arith.constant 0 : index
    %swap3A_124 = vector.load %arg20[%swap3A, %swap3A_123] : memref<256x128xf32, #tpu.memory_space<vmem>>, vector<256x128xf32>
    tpu.vector_store %arg20[%swap3A, %swap3A_123], %add3A_122 {strides = array<i32>} : memref<256x128xf32, #tpu.memory_space<vmem>>, vector<256x128xf32>,
    %swap3A_125 = arith.constant 0 : index
    %swap3A_126 = arith.constant 0 : index
    %swap3A_127 = vector.load %arg21[%swap3A_125, %swap3A_126] : memref<256x128xf32, #tpu.memory_space<vmem>>, vector<256x128xf32>
    tpu.vector_store %arg21[%swap3A_125, %swap3A_126], %add3A_112 {strides = array<i32>} : memref<256x128xf32, #tpu.memory_space<vmem>>, vector<256x128xf32>,
    %swap3A_128 = arith.constant 0 : index
    %swap3A_129 = arith.constant 0 : index
    %swap3A_130 = vector.load %arg22[%swap3A_128, %swap3A_129] : memref<256x128xf32, #tpu.memory_space<vmem>>, vector<256x128xf32>
    tpu.vector_store %arg22[%swap3A_128, %swap3A_129], %add3A_100 {strides = array<i32>} : memref<256x128xf32, #tpu.memory_space<vmem>>, vector<256x128xf32>,
    return
  }
  func.func @transform_0(%arg0: i32) -> (i32, i32, i32) {
    %c0_i32 = arith.constant 0 : i32
    %c0_i32_0 = arith.constant 0 : i32
    %c0_i32_1 = arith.constant 0 : i32
    return %c0_i32, %arg0, %c0_i32_0 : i32, i32, i32
  }
  func.func @transform_1(%arg0: i32) -> (i32, i32, i32) {
    %c1_i32 = arith.constant 1 : i32
    %c0_i32 = arith.constant 0 : i32
    %c0_i32_0 = arith.constant 0 : i32
    return %c1_i32, %arg0, %c0_i32 : i32, i32, i32
  }
  func.func @transform_2(%arg0: i32) -> (i32, i32) {
    %c0_i32 = arith.constant 0 : i32
    %c0_i32_0 = arith.constant 0 : i32
    return %arg0, %c0_i32 : i32, i32
  }
  func.func @transform_3(%arg0: i32) -> (i32, i32) {
    %c0_i32 = arith.constant 0 : i32
    %c0_i32_0 = arith.constant 0 : i32
    %c0_i32_1 = arith.constant 0 : i32
    return %c0_i32, %c0_i32_0 : i32, i32
  }
  func.func @transform_4(%arg0: i32) -> (i32, i32) {
    %c0_i32 = arith.constant 0 : i32
    %c0_i32_0 = arith.constant 0 : i32
    %c0_i32_1 = arith.constant 0 : i32
    return %c0_i32, %c0_i32_0 : i32, i32
  }
  func.func @transform_5(%arg0: i32) -> (i32, i32) {
    %c0_i32 = arith.constant 0 : i32
    %c0_i32_0 = arith.constant 0 : i32
    %c0_i32_1 = arith.constant 0 : i32
    return %c0_i32, %c0_i32_0 : i32, i32
  }
  func.func @transform_6(%arg0: i32) -> (i32, i32) {
    %c0_i32 = arith.constant 0 : i32
    %c0_i32_0 = arith.constant 0 : i32
    %c0_i32_1 = arith.constant 0 : i32
    return %c0_i32, %c0_i32_0 : i32, i32
  }
  func.func @transform_7(%arg0: i32) -> (i32, i32) {
    %c0_i32 = arith.constant 0 : i32
    %c0_i32_0 = arith.constant 0 : i32
    %c0_i32_1 = arith.constant 0 : i32
    return %c0_i32, %c0_i32_0 : i32, i32
  }
  func.func @transform_8(%arg0: i32) -> (i32, i32) {
    %c0_i32 = arith.constant 0 : i32
    %c0_i32_0 = arith.constant 0 : i32
    %c0_i32_1 = arith.constant 0 : i32
    return %c0_i32, %c0_i32_0 : i32, i32
  }
  func.func @transform_9(%arg0: i32) -> (i32, i32) {
    %c0_i32 = arith.constant 0 : i32
    %c0_i32_0 = arith.constant 0 : i32
    %c0_i32_1 = arith.constant 0 : i32
    return %c0_i32, %c0_i32_0 : i32, i32
  }
  func.func @transform_10(%arg0: i32) -> (i32, i32) {
    %c0_i32 = arith.constant 0 : i32
    %c0_i32_0 = arith.constant 0 : i32
    %c0_i32_1 = arith.constant 0 : i32
    return %c0_i32, %c0_i32_0 : i32, i32
  }
  func.func @transform_11(%arg0: i32) -> (i32, i32) {
    %c0_i32 = arith.constant 0 : i32
    %c0_i32_0 = arith.constant 0 : i32
    %c0_i32_1 = arith.constant 0 : i32
    return %c0_i32, %c0_i32_0 : i32, i32
  }
  func.func @transform_12(%arg0: i32) -> (i32, i32) {
    %c0_i32 = arith.constant 0 : i32
    %c0_i32_0 = arith.constant 0 : i32
    %c0_i32_1 = arith.constant 0 : i32
    return %c0_i32, %c0_i32_0 : i32, i32
  }
  func.func @transform_13(%arg0: i32) -> (i32, i32) {
    %c0_i32 = arith.constant 0 : i32
    %c0_i32_0 = arith.constant 0 : i32
    %c0_i32_1 = arith.constant 0 : i32
    return %c0_i32, %c0_i32_0 : i32, i32
  }
  func.func @transform_14(%arg0: i32) -> (i32, i32) {
    %c0_i32 = arith.constant 0 : i32
    %c0_i32_0 = arith.constant 0 : i32
    %c0_i32_1 = arith.constant 0 : i32
    return %c0_i32, %c0_i32_0 : i32, i32
  }
  func.func @transform_15(%arg0: i32) -> (i32, i32) {
    %c0_i32 = arith.constant 0 : i32
    %c0_i32_0 = arith.constant 0 : i32
    %c0_i32_1 = arith.constant 0 : i32
    return %c0_i32, %c0_i32_0 : i32, i32
  }
  func.func @transform_16(%arg0: i32) -> (i32, i32) {
    %c0_i32 = arith.constant 0 : i32
    %c0_i32_0 = arith.constant 0 : i32
    %c0_i32_1 = arith.constant 0 : i32
    return %c0_i32, %c0_i32_0 : i32, i32
  }
  func.func @transform_17(%arg0: i32) -> (i32, i32) {
    %c0_i32 = arith.constant 0 : i32
    %c0_i32_0 = arith.constant 0 : i32
    %c0_i32_1 = arith.constant 0 : i32
    return %c0_i32, %c0_i32_0 : i32, i32
  }
  func.func @transform_18(%arg0: i32) -> (i32, i32) {
    %c0_i32 = arith.constant 0 : i32
    %c0_i32_0 = arith.constant 0 : i32
    %c0_i32_1 = arith.constant 0 : i32
    return %c0_i32, %c0_i32_0 : i32, i32
  }
  func.func @transform_19(%arg0: i32) -> (i32, i32) {
    %c0_i32 = arith.constant 0 : i32
    %c0_i32_0 = arith.constant 0 : i32
    return %arg0, %c0_i32 : i32, i32
  }
  func.func @transform_20(%arg0: i32) -> (i32, i32) {
    %c0_i32 = arith.constant 0 : i32
    %c0_i32_0 = arith.constant 0 : i32
    return %arg0, %c0_i32 : i32, i32
  }
  func.func @transform_21(%arg0: i32) -> (i32, i32) {
    %c0_i32 = arith.constant 0 : i32
    %c0_i32_0 = arith.constant 0 : i32
    return %arg0, %c0_i32 : i32, i32
  }
}

</mosaic_0001>

<sc_bundles>
// kernel: kernel.4.cloned.1.call-start
scs
__scs_entry_jumppad:
0x0: {  	(pc) =	sbr.rel $0x88, $3  }
0x1: {  	(tag) =	ssettag $0x0;
	lr =	simm.s32 $0x1  }
0x2: {  	[smem:$0x3F8D] =	sst lr;
	_ =	strace $0xD0000000  }
0x3: {  	_ = 	snop  }
0x4: {  	_ = 	snop  }
0x5: {  	_ = 	snop  }
0x6: {  	_ = 	snop  }
0x7: {  	_ = 	snop  }
__scs_overlays_trampoline_lowered:
0x8: {  	[smem:$0x3F9C] =	sst s0  }
0x9: {  	[smem:$0x3F9D] =	sst s1  }
0xa: {  	[smem:$0x3F9E] =	sst s2  }
0xb: {  	[smem:$0x3F9F] =	sst s3  }
0xc: {  	[smem:$0x3FA0] =	sst s4  }
0xd: {  	[smem:$0x3FA1] =	sst s5  }
0xe: {  	[smem:$0x3FA2] =	sst s6  }
0xf: {  	[smem:$0x3FA3] =	sst s7  }
0x10: {  	[smem:$0x3FA4] =	sst s8  }
0x11: {  	[smem:$0x3FA5] =	sst s9;
	s0 =	simm.s32 @!p0 $0x0  }
0x12: {  	s1 =	sld [smem:$0x3F8B];
	s0 =	simm.s32 @p0 $0x1  }
0x13: {  	[smem:$0x3FA6] =	sst s0;
	s0 =	simm.s32 @!p1 $0x0  }
0x14: {  	s2 =	sld [smem:$0x3F8A];
	s0 =	simm.s32 @p1 $0x1  }
0x15: {  	[smem:$0x3FA7] =	sst s0;
	s0 =	simm.s32 @!p2 $0x0  }
0x16: {  	s3 =	sld [smem:$0x3FDB];
	s0 =	simm.s32 @p2 $0x1  }
0x17: {  	s4 =	simm.s32 $0x1BF5;
	[smem:$0x3FA9] =	sst s0  }
0x18: {  	s0 =	sld [smem:$0x3F8C];
	_ =	swait.ge [sflag:s4], $0x0  }
0x19: {  	s7 =	sld [smem:$0x3F8D]  }
0x1a: {  	s8 =	sadd.s32 $0xFFFFE003, lr  }
0x1b: {  	s9 =	sadd.s32 $0xFFFFFEF7, lr;
	s5 =	simm.s32 $0xFFFFFFFF;
	p2 =	slt.u32 s8, $0xFFFFF086  }
0x1c: {  	p1 =	slt.u32 s9, $0xF7A;
	s5 =	simm.s32 @!p2 $0x0  }
0x1d: {  	s5 =	simm.s32 @p1 $0x1;
	p0 =	seq.s32 s7, s2  }
0x1e: {  	s7 =	smul.u32 @!p0 $0xF7A, s2;
	p2 =	seq.s32 @!p0 s5, $0x0  }
0x1f: {  	s9 =	smul.u32 $0xF7A, s1;
	s8 =	simm.s32 @!p0 $0x1BF5;
	p2 =	por !p2, p0  }
0x20: {  	[sflag:s8] =	ssyncset.s32 @!p0 $0xFFFFF086;
	s6 =	sadd.s32 @!p0 s3, s7;
	s7 =	simm.s32 @!p0 $0x108  }
0x21: {  	s3 =	sadd.s32 s3, s9;
	s6 =	sadd.s32 @!p0 $0x88, s6;
	s7 =	simm.s32 @p2 $0x1082  }
0x22: {  	[simem:s7], [sflag:s8] =	dma.local @!p0 [hbm:s6], $0xF7A  }
0x23: {  	s9 =	sor.u32 $0xD0000000, s2;
	s6 =	simm.s32 $0x108;
	_ =	swait.ge @!p0 [sflag:s8], $0x0  }
0x24: {  	s3 =	sadd.s32 $0x88, s3;
	s6 =	simm.s32 @!p1 $0x1082;
	[sflag:s4] =	ssyncset.s32 $0xFFFFF086  }
0x25: {  	[simem:s6], [sflag:s4] =	dma.local [hbm:s3], $0xF7A  }
0x26: {  	[smem:$0x3F8D] =	sst s1;
	(tag) =	ssettag s2;
	_ =	strace s9  }
0x27: {  	s1 =	sld [smem:$0x3F9D]  }
0x28: {  	s2 =	sld [smem:$0x3F9E]  }
0x29: {  	s4 =	sld [smem:$0x3FA0]  }
0x2a: {  	p0 =	seq.s32 s5, $0x0;
	s5 =	sld [smem:$0x3FA1]  }
0x2b: {  	s6 =	sld [smem:$0x3FA2]  }
0x2c: {  	s7 =	sld [smem:$0x3FA3]  }
0x2d: {  	s3 =	simm.s32 $0x108;
	s8 =	sld [smem:$0x3FA4]  }
0x2e: {  	s3 =	simm.s32 @!p0 $0x1082;
	s9 =	sld [smem:$0x3FA5]  }
0x2f: {  	lr =	sadd.s32 s0, s3;
	s0 =	sld [smem:$0x3F9C]  }
0x30: {  	s3 =	sld [smem:$0x3F9F]  }
0x31: {  	[smem:$0x3FA8] =	sst s10  }
0x32: {  	s10 =	sld [smem:$0x3FA6];
	_ =	sdelay $0x3  }
0x33: {  	p0 =	seq.s32 s10, $0x1;
	s10 =	sld [smem:$0x3FA8];
	_ =	sdelay $0x3  }
0x34: {  	[smem:$0x3FA8] =	sst s10  }
0x35: {  	s10 =	sld [smem:$0x3FA7];
	_ =	sdelay $0x3  }
0x36: {  	p1 =	seq.s32 s10, $0x1;
	s10 =	sld [smem:$0x3FA8];
	_ =	sdelay $0x3  }
0x37: {  	[smem:$0x3FA8] =	sst s10  }
0x38: {  	s10 =	sld [smem:$0x3FA9]  }
0x39: {  	_ = 	snop;
	(pc) =	sbr.ind lr, $3  }
0x3a: {  	_ = 	snop  }
0x3b: {  	_ = 	snop  }
0x3c: {  	p2 =	seq.s32 s10, $0x1;
	s10 =	sld [smem:$0x3FA8]  }
0x3d: {  	_ =	shalt  }
0x3e: {  	_ =	shalt  }
0x3f: {  	_ =	shalt  }
0x40: {  	_ =	shalt  }
0x41: {  	_ =	shalt  }
0x42: {  	_ =	shalt  }
0x43: {  	_ =	shalt  }
0x44: {  	_ =	shalt  }
0x45: {  	_ =	shalt  }
0x46: {  	_ =	shalt  }
0x47: {  	_ =	shalt  }
0x48: {  	_ =	shalt  }
0x49: {  	_ =	shalt  }
0x4a: {  	_ =	shalt  }
0x4b: {  	_ =	shalt  }
0x4c: {  	_ =	shalt  }
0x4d: {  	_ =	shalt  }
0x4e: {  	_ =	shalt  }
0x4f: {  	_ =	shalt  }
0x50: {  	_ =	shalt  }
0x51: {  	_ =	shalt  }
0x52: {  	_ =	shalt  }
0x53: {  	_ =	shalt  }
0x54: {  	_ =	shalt  }
0x55: {  	_ =	shalt  }
0x56: {  	_ =	shalt  }
0x57: {  	_ =	shalt  }
0x58: {  	_ =	shalt  }
0x59: {  	_ =	shalt  }
0x5a: {  	_ =	shalt  }
0x5b: {  	_ =	shalt  }
0x5c: {  	_ =	shalt  }
0x5d: {  	_ =	shalt  }
0x5e: {  	_ =	shalt  }
0x5f: {  	_ =	shalt  }
0x60: {  	_ =	shalt  }
0x61: {  	_ =	shalt  }
0x62: {  	_ =	shalt  }
0x63: {  	_ =	shalt  }
0x64: {  	_ =	shalt  }
0x65: {  	_ =	shalt  }
0x66: {  	_ =	shalt  }
0x67: {  	_ =	shalt  }
0x68: {  	_ =	shalt  }
0x69: {  	_ =	shalt  }
0x6a: {  	_ =	shalt  }
0x6b: {  	_ =	shalt  }
0x6c: {  	_ =	shalt  }
0x6d: {  	_ =	shalt  }
0x6e: {  	_ =	shalt  }
0x6f: {  	_ =	shalt  }
0x70: {  	_ =	shalt  }
0x71: {  	_ =	shalt  }
0x72: {  	_ =	shalt  }
0x73: {  	_ =	shalt  }
0x74: {  	_ =	shalt  }
0x75: {  	_ =	shalt  }
0x76: {  	_ =	shalt  }
0x77: {  	_ =	shalt  }
0x78: {  	_ =	shalt  }
0x79: {  	_ =	shalt  }
0x7a: {  	_ =	shalt  }
0x7b: {  	_ =	shalt  }
0x7c: {  	_ =	shalt  }
0x7d: {  	_ =	shalt  }
0x7e: {  	_ =	shalt  }
0x7f: {  	_ =	shalt  }
0x80: {  	_ =	shalt  }
0x81: {  	_ =	shalt  }
0x82: {  	_ =	shalt  }
0x83: {  	_ =	shalt  }
0x84: {  	_ =	shalt  }
0x85: {  	_ =	shalt  }
0x86: {  	_ =	shalt  }
0x87: {  	_ =	shalt  }
.Lfunc_end0:
.L_simem_size_0:
called_computation_lowered:
.L_overlay_start_0:
0x88: {  	s2 =	sld [smem:$0x3FD9]  }
0x89: {  	s3 =	sld [smem:$0x3FFE];
	_ =	sdelay $0x1  }
0x8a: {  	s1 =	srdreg.scid  }
0x8b: {  	s0 =	sand.u32 $0x1, s1  }
0x8c: {  	s14 =	sshll.u32 s0, $0xA;
	s2 =	sadd.s32 s3, s2  }
0x8d: {  	s2 =	sadd.s32 s2, s14  }
0x8e: {  	[smem:$0x3FB4] =	sst s2  }
0x8f: {  	_ = 	snop  }
0x90: {  	s2 =	sld [smem:$0x3FD0];
	_ =	sdelay $0x2  }
0x91: {  	s4 =	simm.s32 $0xA;
	s5 =	simm.s32 $0x10;
	s15 =	sld [smem:$0x3FC9]  }
0x92: {  	[smem:s5], [sflag:s4] =	dma.local [hbm:s2], $0x1  }
0x93: {  	_ =	swait.eq [sflag:s4], $0x1  }
0x94: {  	s16 =	sld [smem:$0x10];
	[sflag:s4] =	ssyncset.done $0x0  }
0x95: {  	s17 =	sld [smem:$0x11];
	[sflag:s4] =	ssyncadd.s32 $0xFFFFFFFF  }
0x96: {  	s18 =	sld [smem:$0x12];
	(tm) =	ssettm $0x1  }
0x97: {  	s6 =	sld [smem:$0x3FFB];
	_ =	sdelay $0x3  }
0x98: {  	_ =	strace s6  }
0x99: {  	s6 =	sld [smem:$0x3FFC];
	_ =	sdelay $0x3  }
0x9a: {  	_ =	strace s6  }
0x9b: {  	s6 =	sld [smem:$0x3FFD];
	_ =	sdelay $0x3  }
0x9c: {  	_ =	strace s6  }
0x9d: {  	_ =	strace $0x8FFFFFFF  }
0x9e: {  	s19 =	sld [smem:$0x3FDB];
	_ =	sdelay $0x1  }
0x9f: {  	s7 =	simm.s32 $_scs_section_size  }
0xa0: {  	s8 =	simm.s32 $_size__tile_overlayer_lowered;
	s9 =	simm.s32 $_tile_overlayer_lowered  }
0xa1: {  	s22 =	simm.s32 $0x1BFF;
	s21 =	sshll.u32 s9, $0x1;
	s6 =	sadd.s32 s7, s19  }
0xa2: {  	s10 =	simm.s32 $0x0;
	s20 =	sshll.u32 s8, $0x1;
	s8 =	sadd.s32 s21, s6  }
0xa3: {  	[timem:s10], [sflag:s22] =	dma.local [hbm:s8], s20  }
0xa4: {  	_ =	swait.ge [sflag:s22], s20  }
0xa5: {  	s7 =	ssub.s32 $0x0, s20;
	[sflag:s22] =	ssyncset.done $0x0  }
0xa6: {  	[sflag:s22] =	ssyncadd.s32 s7;
	_ =	sdelay $0x1  }
0xa7: {  	s23 =	simm.s32 $0x1B8B  }
0xa8: {  	_ =	swait.ge [sflag:s23], $0x1  }
0xa9: {  	[sflag:s23] =	ssyncset.done $0x0  }
0xaa: {  	s25 =	simm.s32 $0x1B8E;
	s24 =	sld [smem:$0x3FFE];
	[sflag:s23] =	ssyncadd.s32 $0xFFFFFFFF  }
0xab: {  	s26 =	simm.s32 $execute0_lowered;
	[smem:$0x3FD2] =	sst s25  }
0xac: {  	s8 =	sshll.u32 s26, $0x1;
	_ =	strace $0x80000046;
	[dreg:$0x1] =	wrdreg $0xFFFFFFFF  }
0xad: {  	s28 =	simm.s32 $_size_execute0_lowered;
	s6 =	sadd.s32 s6, s8;
	[dreg:$0x0] =	wrdreg $0x0  }
0xae: {  	s8 =	sshll.u32 s28, $0x1;
	[dreg:$0x2] =	wrdreg s6  }
0xaf: {  	[dreg:$0x3] =	wrdreg s8  }
0xb0: {  	[dreg:$0x4] =	wrdreg $0xC0  }
0xb1: {  	_ =	task [dreg:s10], $0x5FFFF  }
0xb2: {  	[dreg:$0x1] =	wrdreg $0xFFFFFFFF  }
0xb3: {  	[dreg:$0x0] =	wrdreg $0x60  }
0xb4: {  	[dreg:$0x2] =	wrdreg s18  }
0xb5: {  	[dreg:$0x3] =	wrdreg s17  }
0xb6: {  	[dreg:$0x4] =	wrdreg s16  }
0xb7: {  	[dreg:$0x5] =	wrdreg s15  }
0xb8: {  	[dreg:$0x6] =	wrdreg s24  }
0xb9: {  	[dreg:$0x7] =	wrdreg $0x83000  }
0xba: {  	[dreg:$0x8] =	wrdreg $0x80800  }
0xbb: {  	[dreg:$0x9] =	wrdreg $0x9  }
0xbc: {  	_ =	task.clear_ibuf [dreg:s10], $0xAFFFF;
	_ =	strace $0x90000046  }
0xbd: {  	s29 =	simm.s32 $0x9;
	_ =	strace $0x80000048  }
0xbe: {  	_ =	swait.ge [sflag:s29], $0x1  }
0xbf: {  	[sflag:s29] =	ssyncadd.s32 $0xFFFFFFFF  }
0xc0: {  	_ =	strace $0x90000048  }
0xc1: {  	_ =	sfence  }
0xc2: {  	s30 =	sld [smem:$0x0];
	_ =	sdelay $0x2  }
0xc3: {  	s31 =	sshll.u32 s1, $0xD;
	s1 =	sshrl.u32 s1, $0x2  }
0xc4: {  	s3 =	sand.u32 $0x4000, s31;
	s1 =	sadd.s32 s1, s30  }
0xc5: {  	s0 =	sor.u32 s3, s0;
	s1 =	sshll.u32 s1, $0x11  }
0xc6: {  	s0 =	sor.u32 s1, s0  }
0xc7: {  	s0 =	sadd.s32 $0x8F2B, s0  }
0xc8: {  	[sflag:s0] =	ssyncadd.remote.s32 $0x1  }
0xc9: {  	_ =	sfence.sel $0xFFFF  }
0xca: {  	[dreg:$0x0] =	wrdreg $0xFFFFFFFF;
	(pc) =	sbr.abs _section_cstart, $3  }
0xcb: {  	[dreg:$0x1] =	wrdreg $0xFFFFFFFF  }
0xcc: {  	_ =	task.clear_ibuf [dreg:s10], $0x2FFFF;
	_ =	strace $0x9FFFFFFF  }
0xcd: {  	(tm) =	ssettm $0x7FFFFFFF  }
tec
execute0_lowered:
.L_overlay_start_1:
0x0: {  	(tag) =	ssettag $0x1  }
0x1: {  	s11 =	rddreg [dreg:$0x1]  }
0x2: {  	s12 =	rddreg [dreg:$0x2]  }
0x3: {  	s0 =	rddreg [dreg:$0x4]  }
0x4: {  	s13 =	rddreg [dreg:$0x5];
	s1 =	srdreg.scid  }
0x5: {  	s7 =	rddreg [dreg:$0x6];
	s10 =	stileid.u32;
	s8 =	simm.s32 $0x0  }
0x6: {  	s19 =	simm.s32 $0x880;
	s31 =	simm.s32 $0x280;
	s3 =	smul.u32 $0x14000, s10  }
0x7: {  	s30 =	simm.s32 $0x380;
	s28 =	simm.s32 $0x0;
	s4 =	smul.u32 $0x280, s10  }
0x8: {  	s1 =	sand.u32 $0x1, s1;
	[smem:$0x7FF] =	sst s8;
	s9 =	smul.u32 $0x50000, s10  }
0x9: {  	s2 =	smul.u32 $0x140000, s1;
	_ =	strace $0x80000047;
	s20 =	ssub.s32 $0x2, s1  }
0xa: {  	s1 =	sshll.u32 s1, $0x4;
	[dreg:$0xa] =	wrdreg s19;
	s19 =	simm.s32 $0x1800  }
0xb: {  	s21 =	sshrl.u32 s20, $0x1;
	s1 =	sor.u32 s10, s1;
	s22 =	sadd.s32 $0x80, s4  }
0xc: {  	s5 =	sadd.s32 s4, s7;
	s24 =	sadd.s32 $0x100, s4;
	s6 =	sadd.s32 $0x180, s4  }
0xd: {  	s4 =	sadd.s32 $0x200, s4;
	s9 =	sshrl.u32 s9, $0x2;
	s10 =	smul.u32 $0xA00, s10  }
0xe: {  	s2 =	sadd.s32 s3, s2;
	[dreg:$0x11] =	wrdreg s5;
	s23 =	sadd.s32 s22, s7  }
0xf: {  	s14 =	sadd.s32 s24, s7;
	s25 =	sadd.s32 s6, s7;
	s26 =	sadd.s32 s4, s7  }
0x10: {  	s3 =	sshll.u32 s22, $0x7;
	s29 =	sadd.s32 s9, s13;
	[dreg:$0x12] =	wrdreg s23  }
0x11: {  	s15 =	sshll.u32 s6, $0x7;
	s18 =	sshll.u32 s4, $0x7;
	[dreg:$0x13] =	wrdreg s14  }
0x12: {  	s4 =	smov.u32 s13;
	s1 =	smul.u32 $0x2800, s1;
	[dreg:$0x14] =	wrdreg s25  }
0x13: {  	s22 =	simm.s32 $0x180;
	s9 =	simm.s32 $0x700;
	[dreg:$0x15] =	wrdreg s26  }
0x14: {  	s2 =	sshrl.u32 s2, $0x3;
	s3 =	sadd.s32 s3, s13;
	[dreg:$0xd] =	wrdreg s22  }
0x15: {  	s14 =	sshll.u32 s24, $0x7;
	s16 =	sadd.s32 s10, s12;
	[dreg:$0x16] =	wrdreg s29  }
0x16: {  	s17 =	sadd.s32 s10, s11;
	s5 =	sadd.s32 s18, s13;
	[dreg:$0x17] =	wrdreg s3  }
0x17: {  	s24 =	simm.s32 $0x980;
	s25 =	simm.s32 $0x200;
	[dreg:$0x8] =	wrdreg s16  }
0x18: {  	s26 =	simm.s32 $0xA00;
	s10 =	simm.s32 $0x400;
	[dreg:$0x9] =	wrdreg s17  }
0x19: {  	s11 =	simm.s32 $0xC00;
	s12 =	simm.s32 $0x480;
	[dreg:$0x1a] =	wrdreg s5  }
0x1a: {  	s18 =	simm.s32 $0xD80;
	s22 =	simm.s32 $0xE80;
	[dreg:$0x1b] =	wrdreg s1  }
0x1b: {  	s0 =	sadd.s32 s2, s0;
	s2 =	ssub.s32 s20, s21;
	[dreg:$0xe] =	wrdreg s24  }
0x1c: {  	s3 =	sadd.s32 s14, s13;
	s20 =	simm.s32 $0x100;
	[dreg:$0xf] =	wrdreg s25  }
0x1d: {  	s21 =	simm.s32 $0x900;
	s24 =	simm.s32 $0x4080;
	[dreg:$0x10] =	wrdreg s26  }
0x1e: {  	s25 =	simm.s32 $0x800;
	s26 =	simm.s32 $0x80;
	s5 =	simm.s32 $0xB80  }
0x1f: {  	s16 =	simm.s32 $0xD00;
	s17 =	simm.s32 $0x580;
	[dreg:$0x18] =	wrdreg s3  }
0x20: {  	s14 =	simm.s32 $0x680;
	s1 =	simm.s32 $0x780;
	[dreg:$0xb] =	wrdreg s20  }
0x21: {  	s3 =	sadd.s32 s15, s13;
	s0 =	sadd.s32 $0x2C00, s0;
	[dreg:$0xc] =	wrdreg s21  }
0x22: {  	s23 =	smax.u32 s2, $0x1;
	s13 =	simm.s32 $0xC80;
	[dreg:$0x19] =	wrdreg s3  }
0x23: {  	s15 =	simm.s32 $0x500;
	s20 =	simm.s32 $0x600;
	[dreg:$0x1c] =	wrdreg s0  }
0x24: {  	s21 =	simm.s32 $0xE00;
	s2 =	simm.s32 $0xF80;
	[dreg:$0x1d] =	wrdreg s23  }
0x25: {  	v0 =	vimm.f32 $0.0e+00;
	s23 =	simm.s32 $0x2;
	s0 =	simm.s32 $0xF00;
	s3 =	simm.s32 $0x1  }
.LBB2_1:
0x26: {  	[dreg:$0x1e] =	wrdreg s28;
	s6 =	simm.s32 $0x0;
	s28 =	simm.s32 $0x200  }
.LBB2_2:
0x27: {  	p0 =	sne.s32 s28, $0xFE00;
	[tilespmem:s6+$0x40F0] =	vst v0  }
0x28: {  	[tilespmem:s6+$0x4080] =	vst v0  }
0x29: {  	[tilespmem:s6+$0x4090] =	vst v0  }
.Ltmp0:
0x2a: {  	[tilespmem:s6+$0x40A0] =	vst v0;
	(pc) =	sbr.rel @p0 .LBB2_2-.Ltmp0, $4  }
0x2b: {  	[tilespmem:s6+$0x40B0] =	vst v0  }
0x2c: {  	[tilespmem:s6+$0x40C0] =	vst v0  }
0x2d: {  	[tilespmem:s6+$0x40D0] =	vst v0  }
0x2e: {  	[tilespmem:s6+$0x40E0] =	vst v0;
	s6 =	sshra.s32 s28, $0x2;
	s28 =	sadd.s32 $0x200, s28  }
0x2f: {  	[tilespmem:s6+$0x40F0] =	vst v0  }
0x30: {  	[tilespmem:s6+$0x4080] =	vst v0  }
0x31: {  	[tilespmem:s6+$0x4090] =	vst v0  }
0x32: {  	[tilespmem:s6+$0x40A0] =	vst v0  }
0x33: {  	[tilespmem:s6+$0x40B0] =	vst v0  }
0x34: {  	[tilespmem:s6+$0x40C0] =	vst v0  }
0x35: {  	[tilespmem:s6+$0x40D0] =	vst v0  }
0x36: {  	[tilespmem:s6+$0x40E0] =	vst v0  }
0x37: {  	[tilespmem:$0x4000] =	vst v0  }
0x38: {  	[tilespmem:$0x4010] =	vst v0  }
0x39: {  	[tilespmem:$0x4020] =	vst v0  }
0x3a: {  	[tilespmem:$0x4030] =	vst v0  }
0x3b: {  	[tilespmem:$0x4040] =	vst v0  }
0x3c: {  	[tilespmem:$0x4050] =	vst v0  }
0x3d: {  	[tilespmem:$0x4060] =	vst v0  }
0x3e: {  	s28 =	simm.s32 $0x4000;
	s6 =	rddreg [dreg:$0x11];
	[tilespmem:$0x4070] =	vst v0  }
0x3f: {  	[spmem:s6] =	stream.linear.scatter [tilespmem:s28], [sflag:$0x2], $0x80, $0x38;
	[tilespmem:$0x1C300] =	vst v63  }
0x40: {  	_ =	swait.ge [sflag:s23], $0x80  }
0x41: {  	[sflag:s23] =	ssyncset.done $0x0  }
0x42: {  	s6 =	rddreg [dreg:$0x12];
	[sflag:s23] =	ssyncadd.s32 $0xFFFFFF80  }
0x43: {  	[spmem:s6] =	stream.linear.scatter [tilespmem:s28], [sflag:$0x2], $0x80, $0x38;
	[tilespmem:$0x1C300] =	vst v63  }
0x44: {  	_ =	swait.ge [sflag:s23], $0x80  }
0x45: {  	[sflag:s23] =	ssyncset.done $0x0  }
0x46: {  	s6 =	rddreg [dreg:$0x13];
	[sflag:s23] =	ssyncadd.s32 $0xFFFFFF80  }
0x47: {  	[spmem:s6] =	stream.linear.scatter [tilespmem:s28], [sflag:$0x2], $0x80, $0x38;
	[tilespmem:$0x1C300] =	vst v63  }
0x48: {  	_ =	swait.ge [sflag:s23], $0x80  }
0x49: {  	[sflag:s23] =	ssyncset.done $0x0  }
0x4a: {  	s6 =	rddreg [dreg:$0x14];
	[sflag:s23] =	ssyncadd.s32 $0xFFFFFF80  }
0x4b: {  	[spmem:s6] =	stream.linear.scatter [tilespmem:s28], [sflag:$0x2], $0x80, $0x38;
	[tilespmem:$0x1C300] =	vst v63  }
0x4c: {  	_ =	swait.ge [sflag:s23], $0x80  }
0x4d: {  	[sflag:s23] =	ssyncset.done $0x0  }
0x4e: {  	s6 =	rddreg [dreg:$0x15];
	[sflag:s23] =	ssyncadd.s32 $0xFFFFFF80  }
0x4f: {  	[spmem:s6] =	stream.linear.scatter [tilespmem:s28], [sflag:$0x2], $0x80, $0x38;
	[tilespmem:$0x1C300] =	vst v63  }
0x50: {  	_ =	swait.ge [sflag:s23], $0x80  }
0x51: {  	[sflag:s23] =	ssyncset.done $0x0  }
0x52: {  	[sflag:s23] =	ssyncadd.s32 $0xFFFFFF80  }
0x53: {  	[spmem:s29] =	stream.linear.scatter [tilespmem:s24], [sflag:$0x2], $0x4000, $0x38;
	[tilespmem:$0x1C300] =	vst v63  }
0x54: {  	_ =	swait.ge [sflag:s23], $0x4000  }
0x55: {  	[sflag:s23] =	ssyncset.done $0x0  }
0x56: {  	s28 =	rddreg [dreg:$0x17];
	[sflag:s23] =	ssyncadd.s32 $0xFFFFC000  }
0x57: {  	[spmem:s28] =	stream.linear.scatter [tilespmem:s24], [sflag:$0x2], $0x4000, $0x38;
	[tilespmem:$0x1C300] =	vst v63  }
0x58: {  	_ =	swait.ge [sflag:s23], $0x4000  }
0x59: {  	[sflag:s23] =	ssyncset.done $0x0  }
0x5a: {  	s29 =	rddreg [dreg:$0x18];
	[sflag:s23] =	ssyncadd.s32 $0xFFFFC000  }
0x5b: {  	[spmem:s29] =	stream.linear.scatter [tilespmem:s24], [sflag:$0x2], $0x4000, $0x38;
	[tilespmem:$0x1C300] =	vst v63  }
0x5c: {  	_ =	swait.ge [sflag:s23], $0x4000  }
0x5d: {  	[sflag:s23] =	ssyncset.done $0x0  }
0x5e: {  	s28 =	rddreg [dreg:$0x19];
	[sflag:s23] =	ssyncadd.s32 $0xFFFFC000  }
0x5f: {  	[spmem:s28] =	stream.linear.scatter [tilespmem:s24], [sflag:$0x2], $0x4000, $0x38;
	[tilespmem:$0x1C300] =	vst v63  }
0x60: {  	_ =	swait.ge [sflag:s23], $0x4000  }
0x61: {  	[sflag:s23] =	ssyncset.done $0x0  }
0x62: {  	s29 =	rddreg [dreg:$0x1a];
	[sflag:s23] =	ssyncadd.s32 $0xFFFFC000  }
0x63: {  	[spmem:s29] =	stream.linear.scatter [tilespmem:s24], [sflag:$0x2], $0x4000, $0x38;
	[tilespmem:$0x1C300] =	vst v63  }
0x64: {  	_ =	swait.ge [sflag:s23], $0x4000  }
0x65: {  	[sflag:s23] =	ssyncset.done $0x0  }
0x66: {  	[sflag:s23] =	ssyncadd.s32 $0xFFFFC000  }
0x67: {  	[bflag:$0x0] =	sbarrier.arrive $0xFFFF  }
0x68: {  	s28 =	rddreg [dreg:$0x9]  }
0x69: {  	s6 =	sadd.s32 $0x0, s28  }
0x6a: {  	[tilespmem:s8], [sflag:$0x2] =	stream.linear.gather [hbm4b:s6+s8], $0x800, $0x38;
	[tilespmem:$0x1C300] =	vst v63  }
0x6b: {  	_ =	swait.ge [sflag:s23], $0x800  }
0x6c: {  	s29 =	rddreg [dreg:$0x8];
	[sflag:s23] =	ssyncset.done $0x0  }
0x6d: {  	[sflag:s23] =	ssyncadd.s32 $0xFFFFF800;
	s6 =	sadd.s32 $0x0, s29  }
0x6e: {  	[tilespmem:s25], [sflag:$0x2] =	stream.linear.gather [hbm4b:s6+s8], $0x800, $0x38;
	[tilespmem:$0x1C300] =	vst v63  }
0x6f: {  	_ =	swait.ge [sflag:s23], $0x800  }
0x70: {  	[sflag:s23] =	ssyncset.done $0x0  }
0x71: {  	[sflag:s23] =	ssyncadd.s32 $0xFFFFF800  }
0x72: {  	[spmem:s7] =	stream.indirect.scatter.add.f32 [tilespmem:s25], [sflag:$0x2], $0x1, s8, s26, $0xb8;
	[tilespmem:$0x1C300] =	vst v63  }
0x73: {  	_ =	swait.ge [sflag:s23], $0x80  }
0x74: {  	[sflag:s23] =	ssyncset.done $0x0  }
0x75: {  	s28 =	rddreg [dreg:$0xa];
	[sflag:s23] =	ssyncadd.s32 $0xFFFFFF80  }
0x76: {  	[spmem:s7] =	stream.indirect.scatter.add.f32 [tilespmem:s28], [sflag:$0x2], $0x1, s26, s26, $0xb8;
	[tilespmem:$0x1C300] =	vst v63  }
0x77: {  	_ =	swait.ge [sflag:s23], $0x80  }
0x78: {  	s6 =	rddreg [dreg:$0xb];
	[sflag:s23] =	ssyncset.done $0x0  }
0x79: {  	s29 =	rddreg [dreg:$0xc];
	[sflag:s23] =	ssyncadd.s32 $0xFFFFFF80  }
0x7a: {  	[spmem:s7] =	stream.indirect.scatter.add.f32 [tilespmem:s29], [sflag:$0x2], $0x1, s6, s26, $0xb8;
	[tilespmem:$0x1C300] =	vst v63  }
0x7b: {  	_ =	swait.ge [sflag:s23], $0x80  }
0x7c: {  	s6 =	rddreg [dreg:$0xd];
	[sflag:s23] =	ssyncset.done $0x0  }
0x7d: {  	s29 =	rddreg [dreg:$0xe];
	[sflag:s23] =	ssyncadd.s32 $0xFFFFFF80  }
0x7e: {  	[spmem:s7] =	stream.indirect.scatter.add.f32 [tilespmem:s29], [sflag:$0x2], $0x1, s6, s26, $0xb8;
	[tilespmem:$0x1C300] =	vst v63  }
0x7f: {  	_ =	swait.ge [sflag:s23], $0x80  }
0x80: {  	s6 =	rddreg [dreg:$0xf];
	[sflag:s23] =	ssyncset.done $0x0  }
0x81: {  	s29 =	rddreg [dreg:$0x10];
	[sflag:s23] =	ssyncadd.s32 $0xFFFFFF80  }
0x82: {  	[spmem:s7] =	stream.indirect.scatter.add.f32 [tilespmem:s29], [sflag:$0x2], $0x1, s6, s26, $0xb8;
	[tilespmem:$0x1C300] =	vst v63  }
0x83: {  	_ =	swait.ge [sflag:s23], $0x80  }
0x84: {  	[sflag:s23] =	ssyncset.done $0x0  }
0x85: {  	s28 =	simm.s32 $0xA80;
	[sflag:s23] =	ssyncadd.s32 $0xFFFFFF80  }
0x86: {  	[spmem:s7] =	stream.indirect.scatter.add.f32 [tilespmem:s28], [sflag:$0x2], $0x1, s31, s26, $0xb8;
	[tilespmem:$0x1C300] =	vst v63  }
0x87: {  	_ =	swait.ge [sflag:s23], $0x80  }
0x88: {  	[sflag:s23] =	ssyncset.done $0x0  }
0x89: {  	s6 =	simm.s32 $0x300;
	s29 =	simm.s32 $0xB00;
	[sflag:s23] =	ssyncadd.s32 $0xFFFFFF80  }
0x8a: {  	[spmem:s7] =	stream.indirect.scatter.add.f32 [tilespmem:s29], [sflag:$0x2], $0x1, s6, s26, $0xb8;
	[tilespmem:$0x1C300] =	vst v63  }
0x8b: {  	_ =	swait.ge [sflag:s23], $0x80  }
0x8c: {  	[sflag:s23] =	ssyncset.done $0x0  }
0x8d: {  	[sflag:s23] =	ssyncadd.s32 $0xFFFFFF80  }
0x8e: {  	[spmem:s7] =	stream.indirect.scatter.add.f32 [tilespmem:s5], [sflag:$0x2], $0x1, s30, s26, $0xb8;
	[tilespmem:$0x1C300] =	vst v63  }
0x8f: {  	_ =	swait.ge [sflag:s23], $0x80  }
0x90: {  	[sflag:s23] =	ssyncset.done $0x0  }
0x91: {  	[sflag:s23] =	ssyncadd.s32 $0xFFFFFF80  }
0x92: {  	[spmem:s7] =	stream.indirect.scatter.add.f32 [tilespmem:s11], [sflag:$0x2], $0x1, s10, s26, $0xb8;
	[tilespmem:$0x1C300] =	vst v63  }
0x93: {  	_ =	swait.ge [sflag:s23], $0x80  }
0x94: {  	[sflag:s23] =	ssyncset.done $0x0  }
0x95: {  	[sflag:s23] =	ssyncadd.s32 $0xFFFFFF80  }
0x96: {  	[spmem:s7] =	stream.indirect.scatter.add.f32 [tilespmem:s13], [sflag:$0x2], $0x1, s12, s26, $0xb8;
	[tilespmem:$0x1C300] =	vst v63  }
0x97: {  	_ =	swait.ge [sflag:s23], $0x80  }
0x98: {  	[sflag:s23] =	ssyncset.done $0x0  }
0x99: {  	[sflag:s23] =	ssyncadd.s32 $0xFFFFFF80  }
0x9a: {  	[spmem:s7] =	stream.indirect.scatter.add.f32 [tilespmem:s16], [sflag:$0x2], $0x1, s15, s26, $0xb8;
	[tilespmem:$0x1C300] =	vst v63  }
0x9b: {  	_ =	swait.ge [sflag:s23], $0x80  }
0x9c: {  	[sflag:s23] =	ssyncset.done $0x0  }
0x9d: {  	[sflag:s23] =	ssyncadd.s32 $0xFFFFFF80  }
0x9e: {  	[spmem:s7] =	stream.indirect.scatter.add.f32 [tilespmem:s18], [sflag:$0x2], $0x1, s17, s26, $0xb8;
	[tilespmem:$0x1C300] =	vst v63  }
0x9f: {  	_ =	swait.ge [sflag:s23], $0x80  }
0xa0: {  	[sflag:s23] =	ssyncset.done $0x0  }
0xa1: {  	[sflag:s23] =	ssyncadd.s32 $0xFFFFFF80  }
0xa2: {  	[spmem:s7] =	stream.indirect.scatter.add.f32 [tilespmem:s21], [sflag:$0x2], $0x1, s20, s26, $0xb8;
	[tilespmem:$0x1C300] =	vst v63  }
0xa3: {  	_ =	swait.ge [sflag:s23], $0x80  }
0xa4: {  	[sflag:s23] =	ssyncset.done $0x0  }
0xa5: {  	[sflag:s23] =	ssyncadd.s32 $0xFFFFFF80  }
0xa6: {  	[spmem:s7] =	stream.indirect.scatter.add.f32 [tilespmem:s22], [sflag:$0x2], $0x1, s14, s26, $0xb8;
	[tilespmem:$0x1C300] =	vst v63  }
0xa7: {  	_ =	swait.ge [sflag:s23], $0x80  }
0xa8: {  	[sflag:s23] =	ssyncset.done $0x0  }
0xa9: {  	[sflag:s23] =	ssyncadd.s32 $0xFFFFFF80  }
0xaa: {  	[spmem:s7] =	stream.indirect.scatter.add.f32 [tilespmem:s0], [sflag:$0x2], $0x1, s9, s26, $0xb8;
	[tilespmem:$0x1C300] =	vst v63  }
0xab: {  	_ =	swait.ge [sflag:s23], $0x80  }
0xac: {  	[sflag:s23] =	ssyncset.done $0x0  }
0xad: {  	s6 =	simm.s32 $0x100;
	[sflag:s23] =	ssyncadd.s32 $0xFFFFFF80  }
.LBB2_4:
0xae: {  	[spmem:s7] =	stream.indirect.scatter.add.f32 [tilespmem:s2], [sflag:$0x2], $0x1, s1, s26, $0xb8;
	[tilespmem:$0x1C300] =	vst v63  }
0xaf: {  	_ =	swait.ge [sflag:s23], $0x80  }
0xb0: {  	s28 =	smov.u32 s6;
	s29 =	rddreg [dreg:$0x9];
	[sflag:s23] =	ssyncset.done $0x0  }
0xb1: {  	[sflag:s23] =	ssyncadd.s32 $0xFFFFFF80;
	s29 =	sadd.s32 s28, s29  }
0xb2: {  	[tilespmem:s8], [sflag:$0x2] =	stream.linear.gather [hbm4b:s29+s8], $0x800, $0x38;
	[tilespmem:$0x1C300] =	vst v63  }
0xb3: {  	_ =	swait.ge [sflag:s23], $0x800  }
0xb4: {  	s29 =	rddreg [dreg:$0x8];
	[sflag:s23] =	ssyncset.done $0x0  }
0xb5: {  	[sflag:s23] =	ssyncadd.s32 $0xFFFFF800;
	s28 =	sadd.s32 s28, s29  }
0xb6: {  	[tilespmem:s25], [sflag:$0x2] =	stream.linear.gather [hbm4b:s28+s8], $0x800, $0x38;
	[tilespmem:$0x1C300] =	vst v63  }
0xb7: {  	_ =	swait.ge [sflag:s23], $0x800  }
0xb8: {  	[sflag:s23] =	ssyncset.done $0x0  }
0xb9: {  	[sflag:s23] =	ssyncadd.s32 $0xFFFFF800  }
0xba: {  	[spmem:s7] =	stream.indirect.scatter.add.f32 [tilespmem:s25], [sflag:$0x2], $0x1, s8, s26, $0xb8;
	[tilespmem:$0x1C300] =	vst v63  }
0xbb: {  	_ =	swait.ge [sflag:s23], $0x80  }
0xbc: {  	[sflag:s23] =	ssyncset.done $0x0  }
0xbd: {  	s29 =	rddreg [dreg:$0xa];
	[sflag:s23] =	ssyncadd.s32 $0xFFFFFF80  }
0xbe: {  	[spmem:s7] =	stream.indirect.scatter.add.f32 [tilespmem:s29], [sflag:$0x2], $0x1, s26, s26, $0xb8;
	[tilespmem:$0x1C300] =	vst v63  }
0xbf: {  	_ =	swait.ge [sflag:s23], $0x80  }
0xc0: {  	s28 =	rddreg [dreg:$0xb];
	[sflag:s23] =	ssyncset.done $0x0  }
0xc1: {  	s29 =	rddreg [dreg:$0xc];
	[sflag:s23] =	ssyncadd.s32 $0xFFFFFF80  }
0xc2: {  	[spmem:s7] =	stream.indirect.scatter.add.f32 [tilespmem:s29], [sflag:$0x2], $0x1, s28, s26, $0xb8;
	[tilespmem:$0x1C300] =	vst v63  }
0xc3: {  	_ =	swait.ge [sflag:s23], $0x80  }
0xc4: {  	[sflag:s23] =	ssyncset.done $0x0;
	s28 =	rddreg [dreg:$0xd]  }
0xc5: {  	s29 =	rddreg [dreg:$0xe];
	[sflag:s23] =	ssyncadd.s32 $0xFFFFFF80  }
0xc6: {  	[spmem:s7] =	stream.indirect.scatter.add.f32 [tilespmem:s29], [sflag:$0x2], $0x1, s28, s26, $0xb8;
	[tilespmem:$0x1C300] =	vst v63  }
0xc7: {  	_ =	swait.ge [sflag:s23], $0x80  }
0xc8: {  	[sflag:s23] =	ssyncset.done $0x0;
	s28 =	rddreg [dreg:$0xf]  }
0xc9: {  	s29 =	rddreg [dreg:$0x10];
	[sflag:s23] =	ssyncadd.s32 $0xFFFFFF80  }
0xca: {  	[spmem:s7] =	stream.indirect.scatter.add.f32 [tilespmem:s29], [sflag:$0x2], $0x1, s28, s26, $0xb8;
	[tilespmem:$0x1C300] =	vst v63  }
0xcb: {  	_ =	swait.ge [sflag:s23], $0x80  }
0xcc: {  	[sflag:s23] =	ssyncset.done $0x0  }
0xcd: {  	s28 =	simm.s32 $0xA80;
	[sflag:s23] =	ssyncadd.s32 $0xFFFFFF80  }
0xce: {  	[spmem:s7] =	stream.indirect.scatter.add.f32 [tilespmem:s28], [sflag:$0x2], $0x1, s31, s26, $0xb8;
	[tilespmem:$0x1C300] =	vst v63  }
0xcf: {  	_ =	swait.ge [sflag:s23], $0x80  }
0xd0: {  	[sflag:s23] =	ssyncset.done $0x0  }
0xd1: {  	s30 =	simm.s32 $0xB00;
	s29 =	simm.s32 $0x300;
	[sflag:s23] =	ssyncadd.s32 $0xFFFFFF80  }
0xd2: {  	[spmem:s7] =	stream.indirect.scatter.add.f32 [tilespmem:s30], [sflag:$0x2], $0x1, s29, s26, $0xb8;
	[tilespmem:$0x1C300] =	vst v63  }
0xd3: {  	_ =	swait.ge [sflag:s23], $0x80  }
0xd4: {  	[sflag:s23] =	ssyncset.done $0x0  }
0xd5: {  	s30 =	simm.s32 $0x380;
	[sflag:s23] =	ssyncadd.s32 $0xFFFFFF80  }
0xd6: {  	[spmem:s7] =	stream.indirect.scatter.add.f32 [tilespmem:s5], [sflag:$0x2], $0x1, s30, s26, $0xb8;
	[tilespmem:$0x1C300] =	vst v63  }
0xd7: {  	_ =	swait.ge [sflag:s23], $0x80  }
0xd8: {  	[sflag:s23] =	ssyncset.done $0x0  }
0xd9: {  	[sflag:s23] =	ssyncadd.s32 $0xFFFFFF80  }
0xda: {  	[spmem:s7] =	stream.indirect.scatter.add.f32 [tilespmem:s11], [sflag:$0x2], $0x1, s10, s26, $0xb8;
	[tilespmem:$0x1C300] =	vst v63  }
0xdb: {  	_ =	swait.ge [sflag:s23], $0x80  }
0xdc: {  	[sflag:s23] =	ssyncset.done $0x0  }
0xdd: {  	[sflag:s23] =	ssyncadd.s32 $0xFFFFFF80  }
0xde: {  	[spmem:s7] =	stream.indirect.scatter.add.f32 [tilespmem:s13], [sflag:$0x2], $0x1, s12, s26, $0xb8;
	[tilespmem:$0x1C300] =	vst v63  }
0xdf: {  	_ =	swait.ge [sflag:s23], $0x80  }
0xe0: {  	[sflag:s23] =	ssyncset.done $0x0  }
0xe1: {  	[sflag:s23] =	ssyncadd.s32 $0xFFFFFF80  }
0xe2: {  	[spmem:s7] =	stream.indirect.scatter.add.f32 [tilespmem:s16], [sflag:$0x2], $0x1, s15, s26, $0xb8;
	[tilespmem:$0x1C300] =	vst v63  }
0xe3: {  	_ =	swait.ge [sflag:s23], $0x80  }
0xe4: {  	[sflag:s23] =	ssyncset.done $0x0  }
0xe5: {  	[sflag:s23] =	ssyncadd.s32 $0xFFFFFF80  }
0xe6: {  	[spmem:s7] =	stream.indirect.scatter.add.f32 [tilespmem:s18], [sflag:$0x2], $0x1, s17, s26, $0xb8;
	[tilespmem:$0x1C300] =	vst v63  }
0xe7: {  	_ =	swait.ge [sflag:s23], $0x80  }
0xe8: {  	[sflag:s23] =	ssyncset.done $0x0  }
0xe9: {  	[sflag:s23] =	ssyncadd.s32 $0xFFFFFF80  }
0xea: {  	[spmem:s7] =	stream.indirect.scatter.add.f32 [tilespmem:s21], [sflag:$0x2], $0x1, s20, s26, $0xb8;
	[tilespmem:$0x1C300] =	vst v63  }
0xeb: {  	_ =	swait.ge [sflag:s23], $0x80  }
0xec: {  	[sflag:s23] =	ssyncset.done $0x0  }
0xed: {  	[sflag:s23] =	ssyncadd.s32 $0xFFFFFF80  }
0xee: {  	[spmem:s7] =	stream.indirect.scatter.add.f32 [tilespmem:s22], [sflag:$0x2], $0x1, s14, s26, $0xb8;
	[tilespmem:$0x1C300] =	vst v63  }
0xef: {  	_ =	swait.ge [sflag:s23], $0x80  }
0xf0: {  	p0 =	sne.s32 s6, $0x900;
	[sflag:s23] =	ssyncset.done $0x0  }
.Ltmp1:
0xf1: {  	[sflag:s23] =	ssyncadd.s32 $0xFFFFFF80;
	(pc) =	sbr.rel @p0 .LBB2_4-.Ltmp1, $4  }
0xf2: {  	[spmem:s7] =	stream.indirect.scatter.add.f32 [tilespmem:s0], [sflag:$0x2], $0x1, s9, s26, $0xb8;
	[tilespmem:$0x1C300] =	vst v63  }
0xf3: {  	_ =	swait.ge [sflag:s23], $0x80  }
0xf4: {  	[sflag:s23] =	ssyncset.done $0x0  }
0xf5: {  	s6 =	sadd.s32 $0x100, s6;
	[sflag:s23] =	ssyncadd.s32 $0xFFFFFF80  }
0xf6: {  	[spmem:s7] =	stream.indirect.scatter.add.f32 [tilespmem:s2], [sflag:$0x2], $0x1, s1, s26, $0xb8;
	[tilespmem:$0x1C300] =	vst v63  }
0xf7: {  	_ =	swait.ge [sflag:s23], $0x80  }
0xf8: {  	[sflag:s23] =	ssyncset.done $0x0  }
0xf9: {  	[sflag:s23] =	ssyncadd.s32 $0xFFFFFF80  }
0xfa: {  	[bflag:$0x0] =	sbarrier.arrive $0xFFFF  }
0xfb: {  	s6 =	rddreg [dreg:$0x11]  }
0xfc: {  	[tilespmem:s19], [sflag:$0x2] =	stream.linear.gather [spmem:s6], $0x280, $0x38;
	[tilespmem:$0x1C300] =	vst v63  }
0xfd: {  	_ =	swait.ge [sflag:s23], $0x280  }
0xfe: {  	[sflag:s23] =	ssyncset.done $0x0  }
0xff: {  	s28 =	simm.s32 $0x40;
	s6 =	simm.s32 $0x0;
	[sflag:s23] =	ssyncadd.s32 $0xFFFFFD80  }
.LBB2_6:
0x100: {  	p0 =	sne.s32 s28, $0x9C0;
	v1 =	vld [tilespmem:s6+$0x1800];
	_ =	sdelay $0x4  }
0x101: {  	vm0 =	vgt.f32 v1, $0.0e+00;
	v1 =	vmax.f32 v1, $9.999999710e-10  }
0x102: {  	v1 =	vnsel vm0, $0x3F800000, v1  }
0x103: {  	(erf) = vrcp.f32 v1;
	_ =	sdelay $0x8  }
0x104: {  	v1 =	vpop (erf)  }
0x105: {  	v2 =	vadd.f32 $1.000000000e+00, v1;
	_ =	sdelay $0x1  }
0x106: {  	v2 =	vmul.f32 $5.000000000e-01, v2;
	_ =	sdelay $0x1  }
0x107: {  	(erf) = vrcp.f32 v2;
	_ =	sdelay $0x8  }
0x108: {  	v3 =	vpop (erf)  }
0x109: {  	v3 =	vmul.f32 v3, v1;
	_ =	sdelay $0x1  }
0x10a: {  	v2 =	vadd.f32 v3, v2;
	_ =	sdelay $0x1  }
0x10b: {  	v2 =	vmul.f32 $5.000000000e-01, v2;
	_ =	sdelay $0x1  }
0x10c: {  	(erf) = vrcp.f32 v2;
	_ =	sdelay $0x8  }
0x10d: {  	v3 =	vpop (erf)  }
0x10e: {  	v3 =	vmul.f32 v3, v1;
	_ =	sdelay $0x1  }
0x10f: {  	v2 =	vadd.f32 v3, v2;
	_ =	sdelay $0x1  }
0x110: {  	v2 =	vmul.f32 $5.000000000e-01, v2;
	_ =	sdelay $0x1  }
0x111: {  	(erf) = vrcp.f32 v2;
	_ =	sdelay $0x8  }
0x112: {  	v3 =	vpop (erf)  }
0x113: {  	v3 =	vmul.f32 v3, v1;
	_ =	sdelay $0x1  }
0x114: {  	v2 =	vadd.f32 v3, v2;
	_ =	sdelay $0x1  }
0x115: {  	v2 =	vmul.f32 $5.000000000e-01, v2;
	_ =	sdelay $0x1  }
0x116: {  	(erf) = vrcp.f32 v2;
	_ =	sdelay $0x8  }
0x117: {  	v3 =	vpop (erf)  }
0x118: {  	v3 =	vmul.f32 v3, v1;
	_ =	sdelay $0x1  }
0x119: {  	v2 =	vadd.f32 v3, v2;
	_ =	sdelay $0x1  }
0x11a: {  	v2 =	vmul.f32 $5.000000000e-01, v2;
	_ =	sdelay $0x1  }
0x11b: {  	(erf) = vrcp.f32 v2;
	_ =	sdelay $0x8  }
0x11c: {  	v3 =	vpop (erf)  }
0x11d: {  	v3 =	vmul.f32 v3, v1;
	_ =	sdelay $0x1  }
0x11e: {  	v2 =	vadd.f32 v3, v2;
	_ =	sdelay $0x1  }
0x11f: {  	v2 =	vmul.f32 $5.000000000e-01, v2;
	_ =	sdelay $0x1  }
0x120: {  	(erf) = vrcp.f32 v2;
	_ =	sdelay $0x8  }
0x121: {  	v3 =	vpop (erf)  }
0x122: {  	v3 =	vmul.f32 v3, v1;
	_ =	sdelay $0x1  }
0x123: {  	v2 =	vadd.f32 v3, v2;
	_ =	sdelay $0x1  }
0x124: {  	v2 =	vmul.f32 $5.000000000e-01, v2;
	_ =	sdelay $0x1  }
0x125: {  	(erf) = vrcp.f32 v2;
	_ =	sdelay $0x8  }
0x126: {  	v3 =	vpop (erf)  }
0x127: {  	v3 =	vmul.f32 v3, v1;
	_ =	sdelay $0x1  }
0x128: {  	v2 =	vadd.f32 v3, v2;
	_ =	sdelay $0x1  }
0x129: {  	v2 =	vmul.f32 $5.000000000e-01, v2;
	_ =	sdelay $0x1  }
0x12a: {  	(erf) = vrcp.f32 v2;
	_ =	sdelay $0x8  }
0x12b: {  	v3 =	vpop (erf)  }
0x12c: {  	v3 =	vmul.f32 v3, v1;
	_ =	sdelay $0x1  }
0x12d: {  	v2 =	vadd.f32 v3, v2;
	_ =	sdelay $0x1  }
0x12e: {  	v2 =	vmul.f32 $5.000000000e-01, v2;
	_ =	sdelay $0x1  }
0x12f: {  	(erf) = vrcp.f32 v2;
	_ =	sdelay $0x8  }
0x130: {  	v3 =	vpop (erf)  }
0x131: {  	v3 =	vmul.f32 v3, v1;
	_ =	sdelay $0x1  }
0x132: {  	v2 =	vadd.f32 v3, v2;
	_ =	sdelay $0x1  }
0x133: {  	v2 =	vmul.f32 $5.000000000e-01, v2;
	_ =	sdelay $0x1  }
0x134: {  	(erf) = vrcp.f32 v2;
	_ =	sdelay $0x8  }
0x135: {  	v3 =	vpop (erf)  }
0x136: {  	v3 =	vmul.f32 v3, v1;
	_ =	sdelay $0x1  }
0x137: {  	v2 =	vadd.f32 v3, v2;
	_ =	sdelay $0x1  }
0x138: {  	v2 =	vmul.f32 $5.000000000e-01, v2;
	_ =	sdelay $0x1  }
0x139: {  	(erf) = vrcp.f32 v2;
	_ =	sdelay $0x8  }
0x13a: {  	v3 =	vpop (erf)  }
0x13b: {  	v3 =	vmul.f32 v3, v1;
	_ =	sdelay $0x1  }
0x13c: {  	v2 =	vadd.f32 v3, v2;
	_ =	sdelay $0x1  }
0x13d: {  	v2 =	vmul.f32 $5.000000000e-01, v2;
	_ =	sdelay $0x1  }
0x13e: {  	(erf) = vrcp.f32 v2;
	_ =	sdelay $0x8  }
0x13f: {  	v3 =	vpop (erf)  }
0x140: {  	v3 =	vmul.f32 v3, v1;
	_ =	sdelay $0x1  }
0x141: {  	v2 =	vadd.f32 v3, v2;
	_ =	sdelay $0x1  }
0x142: {  	v2 =	vmul.f32 $5.000000000e-01, v2;
	_ =	sdelay $0x1  }
0x143: {  	(erf) = vrcp.f32 v2;
	_ =	sdelay $0x8  }
0x144: {  	v3 =	vpop (erf)  }
0x145: {  	v3 =	vmul.f32 v3, v1;
	_ =	sdelay $0x1  }
0x146: {  	v2 =	vadd.f32 v3, v2;
	_ =	sdelay $0x1  }
0x147: {  	v2 =	vmul.f32 $5.000000000e-01, v2;
	_ =	sdelay $0x1  }
0x148: {  	(erf) = vrcp.f32 v2;
	_ =	sdelay $0x8  }
0x149: {  	v3 =	vpop (erf)  }
0x14a: {  	v3 =	vmul.f32 v3, v1;
	_ =	sdelay $0x1  }
0x14b: {  	v2 =	vadd.f32 v3, v2;
	_ =	sdelay $0x1  }
0x14c: {  	v2 =	vmul.f32 $5.000000000e-01, v2;
	_ =	sdelay $0x1  }
0x14d: {  	(erf) = vrcp.f32 v2;
	_ =	sdelay $0x8  }
0x14e: {  	v3 =	vpop (erf)  }
0x14f: {  	v3 =	vmul.f32 v3, v1;
	_ =	sdelay $0x1  }
0x150: {  	v2 =	vadd.f32 v3, v2;
	_ =	sdelay $0x1  }
0x151: {  	v2 =	vmul.f32 $5.000000000e-01, v2;
	_ =	sdelay $0x1  }
0x152: {  	(erf) = vrcp.f32 v2;
	_ =	sdelay $0x8  }
0x153: {  	v3 =	vpop (erf)  }
0x154: {  	v3 =	vmul.f32 v3, v1;
	_ =	sdelay $0x1  }
0x155: {  	v2 =	vadd.f32 v3, v2;
	_ =	sdelay $0x1  }
0x156: {  	v2 =	vmul.f32 $5.000000000e-01, v2;
	_ =	sdelay $0x1  }
0x157: {  	(erf) = vrcp.f32 v2;
	_ =	sdelay $0x8  }
0x158: {  	v3 =	vpop (erf)  }
0x159: {  	v3 =	vmul.f32 v3, v1;
	_ =	sdelay $0x1  }
0x15a: {  	v2 =	vadd.f32 v3, v2;
	_ =	sdelay $0x1  }
0x15b: {  	v2 =	vmul.f32 $5.000000000e-01, v2;
	_ =	sdelay $0x1  }
0x15c: {  	(erf) = vrcp.f32 v2;
	_ =	sdelay $0x8  }
0x15d: {  	v3 =	vpop (erf)  }
0x15e: {  	v3 =	vmul.f32 v3, v1;
	_ =	sdelay $0x1  }
0x15f: {  	v2 =	vadd.f32 v3, v2;
	_ =	sdelay $0x1  }
0x160: {  	v2 =	vmul.f32 $5.000000000e-01, v2;
	_ =	sdelay $0x1  }
0x161: {  	(erf) = vrcp.f32 v2;
	_ =	sdelay $0x8  }
0x162: {  	v3 =	vpop (erf)  }
0x163: {  	v3 =	vmul.f32 v3, v1;
	_ =	sdelay $0x1  }
0x164: {  	v2 =	vadd.f32 v3, v2;
	_ =	sdelay $0x1  }
0x165: {  	v2 =	vmul.f32 $5.000000000e-01, v2;
	_ =	sdelay $0x1  }
0x166: {  	(erf) = vrcp.f32 v2;
	_ =	sdelay $0x8  }
0x167: {  	v3 =	vpop (erf)  }
0x168: {  	v1 =	vmul.f32 v3, v1;
	_ =	sdelay $0x1  }
0x169: {  	v1 =	vadd.f32 v1, v2  }
.Ltmp2:
0x16a: {  	(pc) =	sbr.rel @p0 .LBB2_6-.Ltmp2, $3  }
0x16b: {  	v1 =	vmul.f32 $5.000000000e-01, v1;
	_ =	sdelay $0x1  }
0x16c: {  	v1 =	vnsel vm0, $0x0, v1  }
0x16d: {  	[tilespmem:s6+$0x1800] =	vst v1;
	s6 =	sshra.s32 s28, $0x2;
	s28 =	sadd.s32 $0x40, s28  }
0x16e: {  	v1 =	vld [tilespmem:s6+$0x1800];
	_ =	sdelay $0x4  }
0x16f: {  	vm0 =	vgt.f32 v1, $0.0e+00;
	v1 =	vmax.f32 v1, $9.999999710e-10  }
0x170: {  	v1 =	vnsel vm0, $0x3F800000, v1  }
0x171: {  	(erf) = vrcp.f32 v1;
	_ =	sdelay $0x8  }
0x172: {  	v1 =	vpop (erf)  }
0x173: {  	v2 =	vadd.f32 $1.000000000e+00, v1;
	_ =	sdelay $0x1  }
0x174: {  	v2 =	vmul.f32 $5.000000000e-01, v2;
	_ =	sdelay $0x1  }
0x175: {  	(erf) = vrcp.f32 v2;
	_ =	sdelay $0x8  }
0x176: {  	v3 =	vpop (erf)  }
0x177: {  	v3 =	vmul.f32 v3, v1;
	_ =	sdelay $0x1  }
0x178: {  	v2 =	vadd.f32 v3, v2;
	_ =	sdelay $0x1  }
0x179: {  	v2 =	vmul.f32 $5.000000000e-01, v2;
	_ =	sdelay $0x1  }
0x17a: {  	(erf) = vrcp.f32 v2;
	_ =	sdelay $0x8  }
0x17b: {  	v3 =	vpop (erf)  }
0x17c: {  	v3 =	vmul.f32 v3, v1;
	_ =	sdelay $0x1  }
0x17d: {  	v2 =	vadd.f32 v3, v2;
	_ =	sdelay $0x1  }
0x17e: {  	v2 =	vmul.f32 $5.000000000e-01, v2;
	_ =	sdelay $0x1  }
0x17f: {  	(erf) = vrcp.f32 v2;
	_ =	sdelay $0x8  }
0x180: {  	v3 =	vpop (erf)  }
0x181: {  	v3 =	vmul.f32 v3, v1;
	_ =	sdelay $0x1  }
0x182: {  	v2 =	vadd.f32 v3, v2;
	_ =	sdelay $0x1  }
0x183: {  	v2 =	vmul.f32 $5.000000000e-01, v2;
	_ =	sdelay $0x1  }
0x184: {  	(erf) = vrcp.f32 v2;
	_ =	sdelay $0x8  }
0x185: {  	v3 =	vpop (erf)  }
0x186: {  	v3 =	vmul.f32 v3, v1;
	_ =	sdelay $0x1  }
0x187: {  	v2 =	vadd.f32 v3, v2;
	_ =	sdelay $0x1  }
0x188: {  	v2 =	vmul.f32 $5.000000000e-01, v2;
	_ =	sdelay $0x1  }
0x189: {  	(erf) = vrcp.f32 v2;
	_ =	sdelay $0x8  }
0x18a: {  	v3 =	vpop (erf)  }
0x18b: {  	v3 =	vmul.f32 v3, v1;
	_ =	sdelay $0x1  }
0x18c: {  	v2 =	vadd.f32 v3, v2;
	_ =	sdelay $0x1  }
0x18d: {  	v2 =	vmul.f32 $5.000000000e-01, v2;
	_ =	sdelay $0x1  }
0x18e: {  	(erf) = vrcp.f32 v2;
	_ =	sdelay $0x8  }
0x18f: {  	v3 =	vpop (erf)  }
0x190: {  	v3 =	vmul.f32 v3, v1;
	_ =	sdelay $0x1  }
0x191: {  	v2 =	vadd.f32 v3, v2;
	_ =	sdelay $0x1  }
0x192: {  	v2 =	vmul.f32 $5.000000000e-01, v2;
	_ =	sdelay $0x1  }
0x193: {  	(erf) = vrcp.f32 v2;
	_ =	sdelay $0x8  }
0x194: {  	v3 =	vpop (erf)  }
0x195: {  	v3 =	vmul.f32 v3, v1;
	_ =	sdelay $0x1  }
0x196: {  	v2 =	vadd.f32 v3, v2;
	_ =	sdelay $0x1  }
0x197: {  	v2 =	vmul.f32 $5.000000000e-01, v2;
	_ =	sdelay $0x1  }
0x198: {  	(erf) = vrcp.f32 v2;
	_ =	sdelay $0x8  }
0x199: {  	v3 =	vpop (erf)  }
0x19a: {  	v3 =	vmul.f32 v3, v1;
	_ =	sdelay $0x1  }
0x19b: {  	v2 =	vadd.f32 v3, v2;
	_ =	sdelay $0x1  }
0x19c: {  	v2 =	vmul.f32 $5.000000000e-01, v2;
	_ =	sdelay $0x1  }
0x19d: {  	(erf) = vrcp.f32 v2;
	_ =	sdelay $0x8  }
0x19e: {  	v3 =	vpop (erf)  }
0x19f: {  	v3 =	vmul.f32 v3, v1;
	_ =	sdelay $0x1  }
0x1a0: {  	v2 =	vadd.f32 v3, v2;
	_ =	sdelay $0x1  }
0x1a1: {  	v2 =	vmul.f32 $5.000000000e-01, v2;
	_ =	sdelay $0x1  }
0x1a2: {  	(erf) = vrcp.f32 v2;
	_ =	sdelay $0x8  }
0x1a3: {  	v3 =	vpop (erf)  }
0x1a4: {  	v3 =	vmul.f32 v3, v1;
	_ =	sdelay $0x1  }
0x1a5: {  	v2 =	vadd.f32 v3, v2;
	_ =	sdelay $0x1  }
0x1a6: {  	v2 =	vmul.f32 $5.000000000e-01, v2;
	_ =	sdelay $0x1  }
0x1a7: {  	(erf) = vrcp.f32 v2;
	_ =	sdelay $0x8  }
0x1a8: {  	v3 =	vpop (erf)  }
0x1a9: {  	v3 =	vmul.f32 v3, v1;
	_ =	sdelay $0x1  }
0x1aa: {  	v2 =	vadd.f32 v3, v2;
	_ =	sdelay $0x1  }
0x1ab: {  	v2 =	vmul.f32 $5.000000000e-01, v2;
	_ =	sdelay $0x1  }
0x1ac: {  	(erf) = vrcp.f32 v2;
	_ =	sdelay $0x8  }
0x1ad: {  	v3 =	vpop (erf)  }
0x1ae: {  	v3 =	vmul.f32 v3, v1;
	_ =	sdelay $0x1  }
0x1af: {  	v2 =	vadd.f32 v3, v2;
	_ =	sdelay $0x1  }
0x1b0: {  	v2 =	vmul.f32 $5.000000000e-01, v2;
	_ =	sdelay $0x1  }
0x1b1: {  	(erf) = vrcp.f32 v2;
	_ =	sdelay $0x8  }
0x1b2: {  	v3 =	vpop (erf)  }
0x1b3: {  	v3 =	vmul.f32 v3, v1;
	_ =	sdelay $0x1  }
0x1b4: {  	v2 =	vadd.f32 v3, v2;
	_ =	sdelay $0x1  }
0x1b5: {  	v2 =	vmul.f32 $5.000000000e-01, v2;
	_ =	sdelay $0x1  }
0x1b6: {  	(erf) = vrcp.f32 v2;
	_ =	sdelay $0x8  }
0x1b7: {  	v3 =	vpop (erf)  }
0x1b8: {  	v3 =	vmul.f32 v3, v1;
	_ =	sdelay $0x1  }
0x1b9: {  	v2 =	vadd.f32 v3, v2;
	_ =	sdelay $0x1  }
0x1ba: {  	v2 =	vmul.f32 $5.000000000e-01, v2;
	_ =	sdelay $0x1  }
0x1bb: {  	(erf) = vrcp.f32 v2;
	_ =	sdelay $0x8  }
0x1bc: {  	v3 =	vpop (erf)  }
0x1bd: {  	v3 =	vmul.f32 v3, v1;
	_ =	sdelay $0x1  }
0x1be: {  	v2 =	vadd.f32 v3, v2;
	_ =	sdelay $0x1  }
0x1bf: {  	v2 =	vmul.f32 $5.000000000e-01, v2;
	_ =	sdelay $0x1  }
0x1c0: {  	(erf) = vrcp.f32 v2;
	_ =	sdelay $0x8  }
0x1c1: {  	v3 =	vpop (erf)  }
0x1c2: {  	v3 =	vmul.f32 v3, v1;
	_ =	sdelay $0x1  }
0x1c3: {  	v2 =	vadd.f32 v3, v2;
	_ =	sdelay $0x1  }
0x1c4: {  	v2 =	vmul.f32 $5.000000000e-01, v2;
	_ =	sdelay $0x1  }
0x1c5: {  	(erf) = vrcp.f32 v2;
	_ =	sdelay $0x8  }
0x1c6: {  	v3 =	vpop (erf)  }
0x1c7: {  	v3 =	vmul.f32 v3, v1;
	_ =	sdelay $0x1  }
0x1c8: {  	v2 =	vadd.f32 v3, v2;
	_ =	sdelay $0x1  }
0x1c9: {  	v2 =	vmul.f32 $5.000000000e-01, v2;
	_ =	sdelay $0x1  }
0x1ca: {  	(erf) = vrcp.f32 v2;
	_ =	sdelay $0x8  }
0x1cb: {  	v3 =	vpop (erf)  }
0x1cc: {  	v3 =	vmul.f32 v3, v1;
	_ =	sdelay $0x1  }
0x1cd: {  	v2 =	vadd.f32 v3, v2;
	_ =	sdelay $0x1  }
0x1ce: {  	v2 =	vmul.f32 $5.000000000e-01, v2;
	_ =	sdelay $0x1  }
0x1cf: {  	(erf) = vrcp.f32 v2;
	_ =	sdelay $0x8  }
0x1d0: {  	v3 =	vpop (erf)  }
0x1d1: {  	v3 =	vmul.f32 v3, v1;
	_ =	sdelay $0x1  }
0x1d2: {  	v2 =	vadd.f32 v3, v2;
	_ =	sdelay $0x1  }
0x1d3: {  	v2 =	vmul.f32 $5.000000000e-01, v2;
	_ =	sdelay $0x1  }
0x1d4: {  	(erf) = vrcp.f32 v2;
	_ =	sdelay $0x8  }
0x1d5: {  	v3 =	vpop (erf)  }
0x1d6: {  	v1 =	vmul.f32 v3, v1;
	_ =	sdelay $0x1  }
0x1d7: {  	v1 =	vadd.f32 v1, v2;
	_ =	sdelay $0x1  }
0x1d8: {  	v1 =	vmul.f32 $5.000000000e-01, v1;
	_ =	sdelay $0x1  }
0x1d9: {  	v1 =	vnsel vm0, $0x0, v1  }
0x1da: {  	s31 =	rddreg [dreg:$0x11];
	[tilespmem:s6+$0x1800] =	vst v1  }
0x1db: {  	[spmem:s31] =	stream.linear.scatter [tilespmem:s19], [sflag:$0x2], $0x280, $0x38;
	[tilespmem:$0x1C300] =	vst v63  }
0x1dc: {  	_ =	swait.ge [sflag:s23], $0x280  }
0x1dd: {  	[sflag:s23] =	ssyncset.done $0x0  }
0x1de: {  	[sflag:s23] =	ssyncadd.s32 $0xFFFFFD80  }
0x1df: {  	[bflag:$0x0] =	sbarrier.arrive $0xFFFF  }
0x1e0: {  	[tilespmem:s19], [sflag:$0x2] =	stream.linear.gather [spmem:s7], $0x2800, $0x38;
	[tilespmem:$0x1C300] =	vst v63  }
0x1e1: {  	_ =	swait.ge [sflag:s23], $0x2800  }
0x1e2: {  	[sflag:s23] =	ssyncset.done $0x0  }
0x1e3: {  	s6 =	simm.s32 $0x0;
	[sflag:s23] =	ssyncadd.s32 $0xFFFFD800  }
.LBB2_8:
0x1e4: {  	s30 =	sshll.u32 s6, $0xB;
	s28 =	rddreg [dreg:$0x1b]  }
0x1e5: {  	[dreg:$0x1f] =	wrdreg s6;
	s6 =	sadd.s32 s28, s30  }
0x1e6: {  	s31 =	rddreg [dreg:$0x0];
	s6 =	sshrl.u32 s6, $0x3  }
0x1e7: {  	s29 =	simm.s32 $0x1000;
	s30 =	simm.s32 $0x0;
	s28 =	sadd.s32 s31, s6  }
0x1e8: {  	[tilespmem:s29], [sflag:$0x2] =	stream.linear.gather [hbm4b:s28+s30], $0x800, $0x38;
	[tilespmem:$0x1C300] =	vst v63  }
0x1e9: {  	_ =	swait.ge [sflag:s23], $0x800  }
0x1ea: {  	[sflag:s23] =	ssyncset.done $0x0  }
0x1eb: {  	[sflag:s23] =	ssyncadd.s32 $0xFFFFF800  }
0x1ec: {  	s29 =	rddreg [dreg:$0x1]  }
0x1ed: {  	s28 =	sadd.s32 s29, s6  }
0x1ee: {  	[tilespmem:s30], [sflag:$0x2] =	stream.linear.gather [hbm4b:s28+s30], $0x800, $0x38;
	[tilespmem:$0x1C300] =	vst v63  }
0x1ef: {  	_ =	swait.ge [sflag:s23], $0x800  }
0x1f0: {  	[sflag:s23] =	ssyncset.done $0x0  }
0x1f1: {  	[sflag:s23] =	ssyncadd.s32 $0xFFFFF800  }
0x1f2: {  	s31 =	rddreg [dreg:$0x2]  }
0x1f3: {  	s6 =	sadd.s32 s31, s6  }
0x1f4: {  	[tilespmem:s25], [sflag:$0x2] =	stream.linear.gather [hbm4b:s6+s30], $0x800, $0x38;
	[tilespmem:$0x1C300] =	vst v63  }
0x1f5: {  	_ =	swait.ge [sflag:s23], $0x800  }
0x1f6: {  	[sflag:s23] =	ssyncset.done $0x0  }
0x1f7: {  	s6 =	simm.s32 $0x0;
	[sflag:s23] =	ssyncadd.s32 $0xFFFFF800  }
.LBB2_9:
0x1f8: {  	s28 =	sshll.u32 s6, $0x7  }
0x1f9: {  	s30 =	rddreg [dreg:$0x3];
	s29 =	sadd.s32 $0x1000, s28  }
0x1fa: {  	[tilespmem:s24], [sflag:$0x1] =	stream.indirect.gather [hbm4b:s30+s26], $0x80, s29, s26, $0xb8;
	[tilespmem:$0x1C300] =	vst v63  }
0x1fb: {  	v1 =	vld [tilespmem:s28+$0x1000];
	_ =	sdelay $0x1  }
0x1fc: {  	v2 =	vld [tilespmem:s28+$0x0];
	_ =	sdelay $0x4  }
0x1fd: {  	v3 =	vld [tilespmem:s28+$0x800]  }
0x1fe: {  	v1 =	vld.idx.msk [tilespmem:v1+s19+$0x0], $0xffff;
	_ =	sdelay $0x1  }
0x1ff: {  	v2 =	vld.idx.msk [tilespmem:v2+s19+$0x0], $0xffff;
	_ =	sdelay $0x2  }
0x200: {  	v1 =	vmul.f32 v1, v3;
	_ =	sdelay $0x1  }
0x201: {  	v1 =	vmul.f32 v2, v1;
	_ =	sdelay $0x1  }
0x202: {  	[tilespmem:$0x4000] =	vst v1  }
0x203: {  	v1 =	vld [tilespmem:s28+$0x1010];
	_ =	sdelay $0x1  }
0x204: {  	v2 =	vld [tilespmem:s28+$0x10];
	_ =	sdelay $0x4  }
0x205: {  	v3 =	vld [tilespmem:s28+$0x810]  }
0x206: {  	v1 =	vld.idx.msk [tilespmem:v1+s19+$0x0], $0xffff;
	_ =	sdelay $0x1  }
0x207: {  	v2 =	vld.idx.msk [tilespmem:v2+s19+$0x0], $0xffff;
	_ =	sdelay $0x2  }
0x208: {  	v1 =	vmul.f32 v1, v3;
	_ =	sdelay $0x1  }
0x209: {  	v1 =	vmul.f32 v2, v1;
	_ =	sdelay $0x1  }
0x20a: {  	[tilespmem:$0x4010] =	vst v1  }
0x20b: {  	v1 =	vld [tilespmem:s28+$0x1020];
	_ =	sdelay $0x1  }
0x20c: {  	v2 =	vld [tilespmem:s28+$0x20];
	_ =	sdelay $0x4  }
0x20d: {  	v3 =	vld [tilespmem:s28+$0x820]  }
0x20e: {  	v1 =	vld.idx.msk [tilespmem:v1+s19+$0x0], $0xffff;
	_ =	sdelay $0x1  }
0x20f: {  	v2 =	vld.idx.msk [tilespmem:v2+s19+$0x0], $0xffff;
	_ =	sdelay $0x2  }
0x210: {  	v1 =	vmul.f32 v1, v3;
	_ =	sdelay $0x1  }
0x211: {  	v1 =	vmul.f32 v2, v1;
	_ =	sdelay $0x1  }
0x212: {  	[tilespmem:$0x4020] =	vst v1  }
0x213: {  	v1 =	vld [tilespmem:s28+$0x1030];
	_ =	sdelay $0x1  }
0x214: {  	v2 =	vld [tilespmem:s28+$0x30];
	_ =	sdelay $0x4  }
0x215: {  	v3 =	vld [tilespmem:s28+$0x830]  }
0x216: {  	v1 =	vld.idx.msk [tilespmem:v1+s19+$0x0], $0xffff;
	_ =	sdelay $0x1  }
0x217: {  	v2 =	vld.idx.msk [tilespmem:v2+s19+$0x0], $0xffff;
	_ =	sdelay $0x2  }
0x218: {  	v1 =	vmul.f32 v1, v3;
	_ =	sdelay $0x1  }
0x219: {  	v1 =	vmul.f32 v2, v1;
	_ =	sdelay $0x1  }
0x21a: {  	[tilespmem:$0x4030] =	vst v1  }
0x21b: {  	v1 =	vld [tilespmem:s28+$0x1040];
	_ =	sdelay $0x1  }
0x21c: {  	v2 =	vld [tilespmem:s28+$0x40];
	_ =	sdelay $0x4  }
0x21d: {  	v3 =	vld [tilespmem:s28+$0x840]  }
0x21e: {  	v1 =	vld.idx.msk [tilespmem:v1+s19+$0x0], $0xffff;
	_ =	sdelay $0x1  }
0x21f: {  	v2 =	vld.idx.msk [tilespmem:v2+s19+$0x0], $0xffff;
	_ =	sdelay $0x2  }
0x220: {  	v1 =	vmul.f32 v1, v3;
	_ =	sdelay $0x1  }
0x221: {  	v1 =	vmul.f32 v2, v1;
	_ =	sdelay $0x1  }
0x222: {  	[tilespmem:$0x4040] =	vst v1  }
0x223: {  	v1 =	vld [tilespmem:s28+$0x1050];
	_ =	sdelay $0x1  }
0x224: {  	v2 =	vld [tilespmem:s28+$0x50];
	_ =	sdelay $0x4  }
0x225: {  	v3 =	vld [tilespmem:s28+$0x850]  }
0x226: {  	v1 =	vld.idx.msk [tilespmem:v1+s19+$0x0], $0xffff;
	_ =	sdelay $0x1  }
0x227: {  	v2 =	vld.idx.msk [tilespmem:v2+s19+$0x0], $0xffff;
	_ =	sdelay $0x2  }
0x228: {  	v1 =	vmul.f32 v1, v3;
	_ =	sdelay $0x1  }
0x229: {  	v1 =	vmul.f32 v2, v1;
	_ =	sdelay $0x1  }
0x22a: {  	[tilespmem:$0x4050] =	vst v1  }
0x22b: {  	v1 =	vld [tilespmem:s28+$0x1060];
	_ =	sdelay $0x1  }
0x22c: {  	v2 =	vld [tilespmem:s28+$0x60];
	_ =	sdelay $0x4  }
0x22d: {  	v3 =	vld [tilespmem:s28+$0x860]  }
0x22e: {  	v1 =	vld.idx.msk [tilespmem:v1+s19+$0x0], $0xffff;
	_ =	sdelay $0x1  }
0x22f: {  	v2 =	vld.idx.msk [tilespmem:v2+s19+$0x0], $0xffff;
	_ =	sdelay $0x2  }
0x230: {  	v1 =	vmul.f32 v1, v3;
	_ =	sdelay $0x1  }
0x231: {  	v1 =	vmul.f32 v2, v1;
	_ =	sdelay $0x1  }
0x232: {  	[tilespmem:$0x4060] =	vst v1  }
0x233: {  	v1 =	vld [tilespmem:s28+$0x1070];
	_ =	sdelay $0x1  }
0x234: {  	v2 =	vld [tilespmem:s28+$0x70];
	_ =	sdelay $0x4  }
0x235: {  	v3 =	vld [tilespmem:s28+$0x870]  }
0x236: {  	v1 =	vld.idx.msk [tilespmem:v1+s19+$0x0], $0xffff;
	_ =	sdelay $0x1  }
0x237: {  	v2 =	vld.idx.msk [tilespmem:v2+s19+$0x0], $0xffff;
	_ =	sdelay $0x2  }
0x238: {  	v1 =	vmul.f32 v1, v3;
	_ =	sdelay $0x1  }
0x239: {  	v1 =	vmul.f32 v2, v1;
	_ =	sdelay $0x1  }
0x23a: {  	[tilespmem:$0x4070] =	vst v1  }
0x23b: {  	_ =	swait.ge [sflag:s3], $0x4000  }
0x23c: {  	s29 =	simm.s32 $0x0;
	[sflag:s3] =	ssyncset.done $0x0  }
0x23d: {  	s29 =	sand.u32 $0x3FFFFFF0, s29;
	[sflag:s3] =	ssyncadd.s32 $0xFFFFC000  }
0x23e: {  	s30 =	simm.s32 $0x0;
	v1 =	vld [tilespmem:s29+$0x4000]  }
0x23f: {  	s29 =	sand.u32 $0x3FFFF800, s30  }
0x240: {  	v3 =	vld [tilespmem:s29+$0x40A0]  }
0x241: {  	v4 =	vld [tilespmem:s29+$0x40B0]  }
0x242: {  	v10 =	vld [tilespmem:s29+$0x40E0]  }
0x243: {  	v11 =	vld [tilespmem:s29+$0x40F0];
	v2 =	vbroadcast v1, $0x0  }
0x244: {  	v12 =	vld [tilespmem:s29+$0x4100]  }
0x245: {  	v13 =	vld [tilespmem:s29+$0x4110];
	v3 =	vmul.f32 v3, v2  }
0x246: {  	v14 =	vld [tilespmem:s29+$0x4120];
	v4 =	vmul.f32 v4, v2  }
0x247: {  	v9 =	vld [tilespmem:s29+$0x4130];
	v23 =	vbroadcast v1, $0x1;
	v22 =	vmul.f32 v10, v2;
	[tilespmem:s29+$0x40A0] =	vst v3  }
0x248: {  	v7 =	vld [tilespmem:s29+$0x4140];
	v11 =	vmul.f32 v11, v2;
	[tilespmem:s29+$0x40B0] =	vst v4  }
0x249: {  	v8 =	vld [tilespmem:s29+$0x4150];
	v12 =	vmul.f32 v12, v23;
	[tilespmem:s29+$0x40E0] =	vst v22  }
0x24a: {  	v25 =	vld [tilespmem:s29+$0x4170];
	v13 =	vmul.f32 v13, v23;
	[tilespmem:s29+$0x40F0] =	vst v11  }
0x24b: {  	v26 =	vld [tilespmem:s29+$0x4180];
	v14 =	vmul.f32 v14, v23;
	[tilespmem:s29+$0x4100] =	vst v12  }
0x24c: {  	v27 =	vld [tilespmem:s29+$0x4190];
	v9 =	vmul.f32 v9, v23;
	[tilespmem:s29+$0x4110] =	vst v13  }
0x24d: {  	v6 =	vld [tilespmem:s29+$0x45F0];
	v7 =	vmul.f32 v7, v23;
	[tilespmem:s29+$0x4120] =	vst v14  }
0x24e: {  	v24 =	vld [tilespmem:s29+$0x4160];
	v15 =	vbroadcast v1, $0x2;
	v8 =	vmul.f32 v8, v23;
	[tilespmem:s29+$0x4130] =	vst v9  }
0x24f: {  	v28 =	vld [tilespmem:s29+$0x41A0];
	v10 =	vmul.f32 v25, v23;
	[tilespmem:s29+$0x4140] =	vst v7  }
0x250: {  	v29 =	vld [tilespmem:s29+$0x41B0];
	v5 =	vbroadcast v1, $0xA;
	v32 =	vmul.f32 v26, v15;
	[tilespmem:s29+$0x4150] =	vst v8  }
0x251: {  	v30 =	vld [tilespmem:s29+$0x41C0];
	v34 =	vmul.f32 v27, v15;
	[tilespmem:s29+$0x4170] =	vst v10  }
0x252: {  	v33 =	vld [tilespmem:s29+$0x41E0];
	v3 =	vmul.f32 v6, v5;
	[tilespmem:s29+$0x4180] =	vst v32  }
0x253: {  	v35 =	vld [tilespmem:s29+$0x41F0];
	v11 =	vmul.f32 v24, v23;
	[tilespmem:s29+$0x4190] =	vst v34  }
0x254: {  	v36 =	vld [tilespmem:s29+$0x4200];
	v9 =	vmul.f32 v28, v15;
	[tilespmem:s29+$0x45F0] =	vst v3  }
0x255: {  	v31 =	vld [tilespmem:s29+$0x41D0];
	v7 =	vmul.f32 v29, v15;
	[tilespmem:s29+$0x4160] =	vst v11  }
0x256: {  	v37 =	vld [tilespmem:s29+$0x4210];
	v8 =	vmul.f32 v30, v15;
	[tilespmem:s29+$0x41A0] =	vst v9  }
0x257: {  	v38 =	vld [tilespmem:s29+$0x4220];
	v41 =	vbroadcast v1, $0x3;
	v10 =	vmul.f32 v33, v15;
	[tilespmem:s29+$0x41B0] =	vst v7  }
0x258: {  	v39 =	vld [tilespmem:s29+$0x4230];
	v12 =	vmul.f32 v35, v15;
	[tilespmem:s29+$0x41C0] =	vst v8  }
0x259: {  	v42 =	vld [tilespmem:s29+$0x4250];
	v13 =	vmul.f32 v36, v41;
	[tilespmem:s29+$0x41E0] =	vst v10  }
0x25a: {  	v43 =	vld [tilespmem:s29+$0x4260];
	v11 =	vmul.f32 v31, v15;
	[tilespmem:s29+$0x41F0] =	vst v12  }
0x25b: {  	v44 =	vld [tilespmem:s29+$0x4270];
	v9 =	vmul.f32 v37, v41;
	[tilespmem:s29+$0x4200] =	vst v13  }
0x25c: {  	v40 =	vld [tilespmem:s29+$0x4240];
	v7 =	vmul.f32 v38, v41;
	[tilespmem:s29+$0x41D0] =	vst v11  }
0x25d: {  	v45 =	vld [tilespmem:s29+$0x4280];
	v8 =	vmul.f32 v39, v41;
	[tilespmem:s29+$0x4210] =	vst v9  }
0x25e: {  	v46 =	vld [tilespmem:s29+$0x4290];
	v10 =	vmul.f32 v42, v41;
	[tilespmem:s29+$0x4220] =	vst v7  }
0x25f: {  	v47 =	vld [tilespmem:s29+$0x42A0];
	v12 =	vmul.f32 v43, v41;
	[tilespmem:s29+$0x4230] =	vst v8  }
0x260: {  	v49 =	vld [tilespmem:s29+$0x42C0];
	v50 =	vbroadcast v1, $0x4;
	v13 =	vmul.f32 v44, v41;
	[tilespmem:s29+$0x4250] =	vst v10  }
0x261: {  	v51 =	vld [tilespmem:s29+$0x42D0];
	v11 =	vmul.f32 v40, v41;
	[tilespmem:s29+$0x4260] =	vst v12  }
0x262: {  	v52 =	vld [tilespmem:s29+$0x42E0];
	v9 =	vmul.f32 v45, v50;
	[tilespmem:s29+$0x4270] =	vst v13  }
0x263: {  	v48 =	vld [tilespmem:s29+$0x42B0];
	v7 =	vmul.f32 v46, v50;
	[tilespmem:s29+$0x4240] =	vst v11  }
0x264: {  	v53 =	vld [tilespmem:s29+$0x42F0];
	v8 =	vmul.f32 v47, v50;
	[tilespmem:s29+$0x4280] =	vst v9  }
0x265: {  	v54 =	vld [tilespmem:s29+$0x4300];
	v10 =	vmul.f32 v49, v50;
	[tilespmem:s29+$0x4290] =	vst v7  }
0x266: {  	v55 =	vld [tilespmem:s29+$0x4310];
	v12 =	vmul.f32 v51, v50;
	[tilespmem:s29+$0x42A0] =	vst v8  }
0x267: {  	v57 =	vld [tilespmem:s29+$0x4330];
	v13 =	vmul.f32 v52, v50;
	[tilespmem:s29+$0x42C0] =	vst v10  }
0x268: {  	v58 =	vld [tilespmem:s29+$0x4340];
	v59 =	vbroadcast v1, $0x5;
	v11 =	vmul.f32 v48, v50;
	[tilespmem:s29+$0x42D0] =	vst v12  }
0x269: {  	v60 =	vld [tilespmem:s29+$0x4350];
	v9 =	vmul.f32 v53, v50;
	[tilespmem:s29+$0x42E0] =	vst v13  }
0x26a: {  	v56 =	vld [tilespmem:s29+$0x4320];
	v7 =	vmul.f32 v54, v59;
	[tilespmem:s29+$0x42B0] =	vst v11  }
0x26b: {  	v61 =	vld [tilespmem:s29+$0x4360];
	v8 =	vmul.f32 v55, v59;
	[tilespmem:s29+$0x42F0] =	vst v9  }
0x26c: {  	v62 =	vld [tilespmem:s29+$0x4370];
	v10 =	vmul.f32 v57, v59;
	[tilespmem:s29+$0x4300] =	vst v7  }
0x26d: {  	v63 =	vld [tilespmem:s29+$0x4380];
	v12 =	vmul.f32 v58, v59;
	[tilespmem:s29+$0x4310] =	vst v8  }
0x26e: {  	v19 =	vld [tilespmem:s29+$0x43A0];
	v13 =	vmul.f32 v60, v59;
	[tilespmem:s29+$0x4330] =	vst v10  }
0x26f: {  	v20 =	vld [tilespmem:s29+$0x43B0];
	v11 =	vmul.f32 v56, v59;
	[tilespmem:s29+$0x4340] =	vst v12  }
0x270: {  	v21 =	vld [tilespmem:s29+$0x43C0];
	v22 =	vbroadcast v1, $0x6;
	v9 =	vmul.f32 v61, v59;
	[tilespmem:s29+$0x4350] =	vst v13  }
0x271: {  	v18 =	vld [tilespmem:s29+$0x4390];
	v7 =	vmul.f32 v62, v59;
	[tilespmem:s29+$0x4320] =	vst v11  }
0x272: {  	v23 =	vld [tilespmem:s29+$0x43D0];
	v8 =	vmul.f32 v63, v22;
	[tilespmem:s29+$0x4360] =	vst v9  }
0x273: {  	v24 =	vld [tilespmem:s29+$0x43E0];
	v10 =	vmul.f32 v19, v22;
	[tilespmem:s29+$0x4370] =	vst v7  }
0x274: {  	v25 =	vld [tilespmem:s29+$0x43F0];
	v12 =	vmul.f32 v20, v22;
	[tilespmem:s29+$0x4380] =	vst v8  }
0x275: {  	v27 =	vld [tilespmem:s29+$0x4410];
	v13 =	vmul.f32 v21, v22;
	[tilespmem:s29+$0x43A0] =	vst v10  }
0x276: {  	v28 =	vld [tilespmem:s29+$0x4420];
	v11 =	vmul.f32 v18, v22;
	[tilespmem:s29+$0x43B0] =	vst v12  }
0x277: {  	v29 =	vld [tilespmem:s29+$0x4430];
	v9 =	vmul.f32 v23, v22;
	[tilespmem:s29+$0x43C0] =	vst v13  }
0x278: {  	v31 =	vbroadcast v1, $0x7;
	v53 =	vld [tilespmem:s29+$0x4580];
	v7 =	vmul.f32 v24, v22;
	[tilespmem:s29+$0x4390] =	vst v11  }
0x279: {  	v57 =	vld [tilespmem:s29+$0x45C0];
	v8 =	vmul.f32 v25, v22;
	[tilespmem:s29+$0x43D0] =	vst v9  }
0x27a: {  	v58 =	vld [tilespmem:s29+$0x45D0];
	v10 =	vmul.f32 v27, v31;
	[tilespmem:s29+$0x43E0] =	vst v7  }
0x27b: {  	v26 =	vld [tilespmem:s29+$0x4400];
	v12 =	vmul.f32 v28, v31;
	[tilespmem:s29+$0x43F0] =	vst v8  }
0x27c: {  	v30 =	vld [tilespmem:s29+$0x4440];
	v13 =	vmul.f32 v29, v31;
	[tilespmem:s29+$0x4410] =	vst v10  }
0x27d: {  	v32 =	vld [tilespmem:s29+$0x4450];
	v59 =	vmul.f32 v53, v5;
	[tilespmem:s29+$0x4420] =	vst v12  }
0x27e: {  	v33 =	vld [tilespmem:s29+$0x4460];
	v18 =	vmul.f32 v57, v5;
	[tilespmem:s29+$0x4430] =	vst v13  }
0x27f: {  	v35 =	vld [tilespmem:s29+$0x4480];
	v20 =	vmul.f32 v58, v5;
	[tilespmem:s29+$0x4580] =	vst v59  }
0x280: {  	v36 =	vld [tilespmem:s29+$0x4490];
	v11 =	vmul.f32 v26, v31;
	[tilespmem:s29+$0x45C0] =	vst v18  }
0x281: {  	v37 =	vld [tilespmem:s29+$0x44A0];
	v9 =	vmul.f32 v30, v31;
	[tilespmem:s29+$0x45D0] =	vst v20  }
0x282: {  	v4 =	vld [tilespmem:s29+$0x4600];
	v40 =	vbroadcast v1, $0x8;
	v7 =	vmul.f32 v32, v31;
	[tilespmem:s29+$0x4400] =	vst v11  }
0x283: {  	v6 =	vld [tilespmem:s29+$0x4610];
	v8 =	vmul.f32 v33, v31;
	[tilespmem:s29+$0x4440] =	vst v9  }
0x284: {  	v3 =	vld [tilespmem:s29+$0x4850];
	v10 =	vmul.f32 v35, v40;
	[tilespmem:s29+$0x4450] =	vst v7  }
0x285: {  	v61 =	vld [tilespmem:s29+$0x4080];
	v23 =	vbroadcast v1, $0xB;
	v12 =	vmul.f32 v36, v40;
	[tilespmem:s29+$0x4460] =	vst v8  }
0x286: {  	v34 =	vld [tilespmem:s29+$0x4470];
	v13 =	vmul.f32 v37, v40;
	[tilespmem:s29+$0x4480] =	vst v10  }
0x287: {  	v38 =	vld [tilespmem:s29+$0x44B0];
	v27 =	vbroadcast v1, $0xF;
	v4 =	vmul.f32 v4, v23;
	[tilespmem:s29+$0x4490] =	vst v12  }
0x288: {  	v39 =	vld [tilespmem:s29+$0x44C0];
	v6 =	vmul.f32 v6, v23;
	[tilespmem:s29+$0x44A0] =	vst v13  }
0x289: {  	v41 =	vld [tilespmem:s29+$0x44D0];
	v3 =	vmul.f32 v3, v27;
	[tilespmem:s29+$0x4600] =	vst v4  }
0x28a: {  	v43 =	vld [tilespmem:s29+$0x44F0];
	v24 =	vmul.f32 v2, v61;
	[tilespmem:s29+$0x4610] =	vst v6  }
0x28b: {  	v44 =	vld [tilespmem:s29+$0x4500];
	v11 =	vmul.f32 v34, v31;
	[tilespmem:s29+$0x4850] =	vst v3  }
0x28c: {  	v45 =	vld [tilespmem:s29+$0x4510];
	v9 =	vmul.f32 v38, v40;
	[tilespmem:s29+$0x4080] =	vst v24  }
0x28d: {  	v63 =	vld [tilespmem:s29+$0x40C0];
	v7 =	vmul.f32 v39, v40;
	[tilespmem:s29+$0x4470] =	vst v11  }
0x28e: {  	v49 =	vbroadcast v1, $0x9;
	v29 =	vld [tilespmem:s29+$0x4670];
	v8 =	vmul.f32 v41, v40;
	[tilespmem:s29+$0x44B0] =	vst v9  }
0x28f: {  	v42 =	vld [tilespmem:s29+$0x44E0];
	v10 =	vmul.f32 v43, v40;
	[tilespmem:s29+$0x44C0] =	vst v7  }
0x290: {  	v46 =	vld [tilespmem:s29+$0x4520];
	v12 =	vmul.f32 v44, v49;
	[tilespmem:s29+$0x44D0] =	vst v8  }
0x291: {  	v47 =	vld [tilespmem:s29+$0x4530];
	v13 =	vmul.f32 v45, v49;
	[tilespmem:s29+$0x44F0] =	vst v10  }
0x292: {  	v48 =	vld [tilespmem:s29+$0x4540];
	v3 =	vmul.f32 v63, v2;
	[tilespmem:s29+$0x4500] =	vst v12  }
0x293: {  	v51 =	vld [tilespmem:s29+$0x4560];
	v6 =	vmul.f32 v29, v23;
	[tilespmem:s29+$0x4510] =	vst v13  }
0x294: {  	v52 =	vld [tilespmem:s29+$0x4570];
	v11 =	vmul.f32 v42, v40;
	[tilespmem:s29+$0x40C0] =	vst v3  }
0x295: {  	v28 =	vld [tilespmem:s29+$0x4660];
	v9 =	vmul.f32 v46, v49;
	[tilespmem:s29+$0x4670] =	vst v6  }
0x296: {  	v26 =	vld [tilespmem:s29+$0x4650];
	v7 =	vmul.f32 v47, v49;
	[tilespmem:s29+$0x44E0] =	vst v11  }
0x297: {  	v30 =	vld [tilespmem:s29+$0x4680];
	v8 =	vmul.f32 v48, v49;
	[tilespmem:s29+$0x4520] =	vst v9  }
0x298: {  	v50 =	vld [tilespmem:s29+$0x4550];
	v10 =	vmul.f32 v51, v49;
	[tilespmem:s29+$0x4530] =	vst v7  }
0x299: {  	v54 =	vld [tilespmem:s29+$0x4590];
	v12 =	vmul.f32 v52, v49;
	[tilespmem:s29+$0x4540] =	vst v8  }
0x29a: {  	v55 =	vld [tilespmem:s29+$0x45A0];
	v35 =	vbroadcast v1, $0xC;
	v40 =	vmul.f32 v28, v23;
	[tilespmem:s29+$0x4560] =	vst v10  }
0x29b: {  	v56 =	vld [tilespmem:s29+$0x45B0];
	v32 =	vmul.f32 v26, v23;
	[tilespmem:s29+$0x4570] =	vst v12  }
0x29c: {  	v60 =	vld [tilespmem:s29+$0x45E0];
	v15 =	vmul.f32 v30, v35;
	[tilespmem:s29+$0x4660] =	vst v40  }
0x29d: {  	v62 =	vld [tilespmem:s29+$0x4090];
	v11 =	vmul.f32 v50, v49;
	[tilespmem:s29+$0x4650] =	vst v32  }
0x29e: {  	v19 =	vld [tilespmem:s29+$0x40D0];
	v9 =	vmul.f32 v54, v5;
	[tilespmem:s29+$0x4680] =	vst v15  }
0x29f: {  	v33 =	vld [tilespmem:s29+$0x46B0];
	v7 =	vmul.f32 v55, v5;
	[tilespmem:s29+$0x4550] =	vst v11  }
0x2a0: {  	v61 =	vld [tilespmem:s29+$0x4870];
	v8 =	vmul.f32 v56, v5;
	[tilespmem:s29+$0x4590] =	vst v9  }
0x2a1: {  	v38 =	vld [tilespmem:s29+$0x46F0];
	v5 =	vmul.f32 v60, v5;
	[tilespmem:s29+$0x45A0] =	vst v7  }
0x2a2: {  	v21 =	vld [tilespmem:s29+$0x4620];
	v12 =	vmul.f32 v62, v2;
	[tilespmem:s29+$0x45B0] =	vst v8  }
0x2a3: {  	v22 =	vld [tilespmem:s29+$0x4630];
	v2 =	vmul.f32 v19, v2;
	[tilespmem:s29+$0x45E0] =	vst v5  }
0x2a4: {  	v25 =	vld [tilespmem:s29+$0x4640];
	v62 =	vmul.f32 v33, v35;
	[tilespmem:s29+$0x4090] =	vst v12  }
0x2a5: {  	v31 =	vld [tilespmem:s29+$0x4690];
	v63 =	vmul.f32 v61, v27;
	[tilespmem:s29+$0x40D0] =	vst v2  }
0x2a6: {  	v34 =	vld [tilespmem:s29+$0x46C0];
	v15 =	vmul.f32 v38, v35;
	[tilespmem:s29+$0x46B0] =	vst v62  }
0x2a7: {  	v41 =	vld [tilespmem:s29+$0x4720];
	v7 =	vmul.f32 v21, v23;
	[tilespmem:s29+$0x4870] =	vst v63  }
0x2a8: {  	v46 =	vld [tilespmem:s29+$0x4760];
	v8 =	vmul.f32 v22, v23;
	[tilespmem:s29+$0x46F0] =	vst v15  }
0x2a9: {  	v36 =	vld [tilespmem:s29+$0x46D0];
	v5 =	vmul.f32 v25, v23;
	[tilespmem:s29+$0x4620] =	vst v7  }
0x2aa: {  	v44 =	vbroadcast v1, $0xD;
	v9 =	vmul.f32 v31, v35;
	v2 =	vld [tilespmem:s29+$0x4710];
	[tilespmem:s29+$0x4630] =	vst v8  }
0x2ab: {  	v37 =	vld [tilespmem:s29+$0x46E0];
	v12 =	vmul.f32 v34, v35;
	[tilespmem:s29+$0x4640] =	vst v5  }
0x2ac: {  	v39 =	vld [tilespmem:s29+$0x4700];
	v11 =	vmul.f32 v41, v44;
	[tilespmem:s29+$0x4690] =	vst v9  }
0x2ad: {  	v42 =	vld [tilespmem:s29+$0x4730];
	v51 =	vmul.f32 v46, v44;
	[tilespmem:s29+$0x46C0] =	vst v12  }
0x2ae: {  	v48 =	vld [tilespmem:s29+$0x4790];
	v8 =	vmul.f32 v36, v35;
	[tilespmem:s29+$0x4720] =	vst v11  }
0x2af: {  	v49 =	vld [tilespmem:s29+$0x47A0];
	[tilespmem:s29+$0x4760] =	vst v51;
	v2 =	vmul.f32 v2, v44  }
0x2b0: {  	v50 =	vld [tilespmem:s29+$0x47B0];
	v5 =	vmul.f32 v37, v35;
	[tilespmem:s29+$0x46D0] =	vst v8  }
0x2b1: {  	v1 =	vbroadcast v1, $0xE;
	v9 =	vmul.f32 v39, v44;
	[tilespmem:s29+$0x4710] =	vst v2;
	v2 =	vld [tilespmem:s29+$0x4780]  }
0x2b2: {  	v60 =	vld [tilespmem:s29+$0x4860];
	v12 =	vmul.f32 v42, v44;
	[tilespmem:s29+$0x46E0] =	vst v5  }
0x2b3: {  	v45 =	vld [tilespmem:s29+$0x4750];
	v11 =	vmul.f32 v48, v1;
	[tilespmem:s29+$0x4700] =	vst v9  }
0x2b4: {  	v47 =	vld [tilespmem:s29+$0x4770];
	v10 =	vmul.f32 v49, v1;
	[tilespmem:s29+$0x4730] =	vst v12  }
0x2b5: {  	v43 =	vld [tilespmem:s29+$0x4740];
	v6 =	vmul.f32 v50, v1;
	[tilespmem:s29+$0x4790] =	vst v11  }
0x2b6: {  	v55 =	vld [tilespmem:s29+$0x4800];
	[tilespmem:s29+$0x47A0] =	vst v10;
	v2 =	vmul.f32 v2, v1  }
0x2b7: {  	v57 =	vld [tilespmem:s29+$0x4820];
	v4 =	vmul.f32 v60, v27;
	[tilespmem:s29+$0x47B0] =	vst v6  }
0x2b8: {  	v5 =	vmul.f32 v45, v44;
	[tilespmem:s29+$0x4780] =	vst v2;
	v2 =	vld [tilespmem:s29+$0x47F0]  }
0x2b9: {  	v52 =	vld [tilespmem:s29+$0x47C0];
	v9 =	vmul.f32 v47, v44;
	[tilespmem:s29+$0x4860] =	vst v4  }
0x2ba: {  	v56 =	vld [tilespmem:s29+$0x4810];
	v8 =	vmul.f32 v43, v44;
	[tilespmem:s29+$0x4750] =	vst v5  }
0x2bb: {  	v54 =	vld [tilespmem:s29+$0x47E0];
	v11 =	vmul.f32 v55, v27;
	[tilespmem:s29+$0x4770] =	vst v9  }
0x2bc: {  	v58 =	vld [tilespmem:s29+$0x4830];
	v6 =	vmul.f32 v57, v27;
	[tilespmem:s29+$0x4740] =	vst v8  }
0x2bd: {  	v53 =	vld [tilespmem:s29+$0x47D0];
	[tilespmem:s29+$0x4800] =	vst v11;
	v2 =	vmul.f32 v2, v1  }
0x2be: {  	v59 =	vld [tilespmem:s29+$0x4840];
	v5 =	vmul.f32 v52, v1;
	[tilespmem:s29+$0x4820] =	vst v6  }
0x2bf: {  	[tilespmem:s29+$0x47F0] =	vst v2;
	v2 =	vmul.f32 v56, v27  }
0x2c0: {  	v3 =	vld [tilespmem:s29+$0x46A0];
	v9 =	vmul.f32 v54, v1;
	[tilespmem:s29+$0x47C0] =	vst v5  }
0x2c1: {  	[tilespmem:s29+$0x4810] =	vst v2;
	v2 =	vmul.f32 v58, v27  }
0x2c2: {  	[tilespmem:s29+$0x47E0] =	vst v9;
	v1 =	vmul.f32 v53, v1  }
0x2c3: {  	[tilespmem:s29+$0x4830] =	vst v2;
	v2 =	vmul.f32 v59, v27  }
0x2c4: {  	[tilespmem:s29+$0x47D0] =	vst v1  }
0x2c5: {  	s30 =	simm.s32 $0x1;
	[tilespmem:s29+$0x4840] =	vst v2;
	v2 =	vmul.f32 v3, v35  }
.LBB2_10:
0x2c6: {  	s31 =	sshll.u32 s30, $0x4  }
0x2c7: {  	p0 =	sne.s32 s30, $0x7;
	[tilespmem:s29+$0x46A0] =	vst v2;
	s29 =	smov.u32 s30;
	s30 =	sadd.s32 $0x1, s30  }
0x2c8: {  	s31 =	sand.u32 $0x3FFFFFF0, s31  }
0x2c9: {  	s29 =	sshll.u32 s29, $0xB;
	v1 =	vld [tilespmem:s31+$0x4000]  }
0x2ca: {  	s29 =	sand.u32 $0x3FFFF800, s29  }
0x2cb: {  	v8 =	vld [tilespmem:s29+$0x4140]  }
0x2cc: {  	v9 =	vld [tilespmem:s29+$0x4150]  }
0x2cd: {  	v10 =	vld [tilespmem:s29+$0x4130]  }
0x2ce: {  	v2 =	vbroadcast v1, $0x0;
	v3 =	vld [tilespmem:s29+$0x40A0];
	v7 =	vbroadcast v1, $0x4  }
0x2cf: {  	v5 =	vld [tilespmem:s29+$0x40B0]  }
0x2d0: {  	v6 =	vld [tilespmem:s29+$0x45F0]  }
0x2d1: {  	v11 =	vld [tilespmem:s29+$0x40E0]  }
0x2d2: {  	v12 =	vld [tilespmem:s29+$0x40F0]  }
0x2d3: {  	v4 =	vbroadcast v1, $0xA;
	v3 =	vmul.f32 v3, v2;
	v13 =	vld [tilespmem:s29+$0x4100]  }
0x2d4: {  	v5 =	vmul.f32 v5, v2;
	v14 =	vld [tilespmem:s29+$0x4110]  }
0x2d5: {  	[tilespmem:s29+$0x40A0] =	vst v3;
	v15 =	vld [tilespmem:s29+$0x4120];
	v3 =	vmul.f32 v6, v4  }
0x2d6: {  	[tilespmem:s29+$0x40B0] =	vst v5;
	v6 =	vmul.f32 v11, v2;
	v11 =	vbroadcast v1, $0x1;
	v5 =	vld [tilespmem:s29+$0x4600]  }
0x2d7: {  	v12 =	vmul.f32 v12, v2;
	[tilespmem:s29+$0x45F0] =	vst v3;
	v3 =	vld [tilespmem:s29+$0x4850]  }
0x2d8: {  	[tilespmem:s29+$0x40E0] =	vst v6;
	v13 =	vmul.f32 v13, v11;
	v6 =	vld [tilespmem:s29+$0x4610]  }
0x2d9: {  	[tilespmem:s29+$0x40F0] =	vst v12;
	v12 =	vmul.f32 v14, v11;
	v14 =	vld [tilespmem:s29+$0x4160]  }
0x2da: {  	[tilespmem:s29+$0x4100] =	vst v13;
	v13 =	vmul.f32 v15, v11;
	v15 =	vld [tilespmem:s29+$0x4170]  }
0x2db: {  	v10 =	vmul.f32 v10, v11;
	[tilespmem:s29+$0x4110] =	vst v12;
	v12 =	vld [tilespmem:s29+$0x4180]  }
0x2dc: {  	v8 =	vmul.f32 v8, v11;
	[tilespmem:s29+$0x4120] =	vst v13;
	v13 =	vld [tilespmem:s29+$0x4190]  }
0x2dd: {  	v9 =	vmul.f32 v9, v11;
	[tilespmem:s29+$0x4130] =	vst v10;
	v10 =	vld [tilespmem:s29+$0x41A0]  }
0x2de: {  	[tilespmem:s29+$0x4140] =	vst v8;
	v8 =	vmul.f32 v14, v11;
	v14 =	vbroadcast v1, $0x2;
	v16 =	vld [tilespmem:s29+$0x41B0]  }
0x2df: {  	[tilespmem:s29+$0x4150] =	vst v9;
	v9 =	vmul.f32 v15, v11;
	v11 =	vld [tilespmem:s29+$0x41C0]  }
0x2e0: {  	[tilespmem:s29+$0x4160] =	vst v8;
	v8 =	vmul.f32 v12, v14;
	v12 =	vld [tilespmem:s29+$0x41D0]  }
0x2e1: {  	[tilespmem:s29+$0x4170] =	vst v9;
	v9 =	vmul.f32 v13, v14;
	v13 =	vld [tilespmem:s29+$0x41E0]  }
0x2e2: {  	[tilespmem:s29+$0x4180] =	vst v8;
	v8 =	vmul.f32 v10, v14;
	v10 =	vld [tilespmem:s29+$0x41F0]  }
0x2e3: {  	[tilespmem:s29+$0x4190] =	vst v9;
	v9 =	vmul.f32 v16, v14;
	v15 =	vld [tilespmem:s29+$0x4200]  }
0x2e4: {  	[tilespmem:s29+$0x41A0] =	vst v8;
	v8 =	vmul.f32 v11, v14;
	v11 =	vld [tilespmem:s29+$0x4210]  }
0x2e5: {  	[tilespmem:s29+$0x41B0] =	vst v9;
	v9 =	vmul.f32 v12, v14;
	v12 =	vld [tilespmem:s29+$0x4220]  }
0x2e6: {  	[tilespmem:s29+$0x41C0] =	vst v8;
	v8 =	vmul.f32 v13, v14;
	v13 =	vbroadcast v1, $0x3;
	v16 =	vld [tilespmem:s29+$0x4230]  }
0x2e7: {  	[tilespmem:s29+$0x41D0] =	vst v9;
	v9 =	vmul.f32 v10, v14;
	v10 =	vld [tilespmem:s29+$0x4240]  }
0x2e8: {  	[tilespmem:s29+$0x41E0] =	vst v8;
	v8 =	vmul.f32 v15, v13;
	v14 =	vld [tilespmem:s29+$0x4250]  }
0x2e9: {  	[tilespmem:s29+$0x41F0] =	vst v9;
	v9 =	vmul.f32 v11, v13;
	v11 =	vld [tilespmem:s29+$0x4260]  }
0x2ea: {  	[tilespmem:s29+$0x4200] =	vst v8;
	v8 =	vmul.f32 v12, v13;
	v12 =	vld [tilespmem:s29+$0x4270]  }
0x2eb: {  	[tilespmem:s29+$0x4210] =	vst v9;
	v9 =	vmul.f32 v16, v13;
	v15 =	vld [tilespmem:s29+$0x4280]  }
0x2ec: {  	[tilespmem:s29+$0x4220] =	vst v8;
	v8 =	vmul.f32 v10, v13;
	v10 =	vld [tilespmem:s29+$0x4290]  }
0x2ed: {  	[tilespmem:s29+$0x4230] =	vst v9;
	v9 =	vmul.f32 v14, v13;
	v14 =	vld [tilespmem:s29+$0x42A0]  }
0x2ee: {  	[tilespmem:s29+$0x4240] =	vst v8;
	v8 =	vmul.f32 v11, v13;
	v11 =	vld [tilespmem:s29+$0x42B0]  }
0x2ef: {  	[tilespmem:s29+$0x4250] =	vst v9;
	v9 =	vmul.f32 v12, v13;
	v12 =	vld [tilespmem:s29+$0x42C0]  }
0x2f0: {  	[tilespmem:s29+$0x4260] =	vst v8;
	v8 =	vmul.f32 v15, v7;
	v13 =	vld [tilespmem:s29+$0x42D0]  }
0x2f1: {  	[tilespmem:s29+$0x4270] =	vst v9;
	v9 =	vmul.f32 v10, v7;
	v10 =	vld [tilespmem:s29+$0x42E0]  }
0x2f2: {  	[tilespmem:s29+$0x4280] =	vst v8;
	v8 =	vmul.f32 v14, v7;
	v14 =	vld [tilespmem:s29+$0x42F0]  }
0x2f3: {  	[tilespmem:s29+$0x4290] =	vst v9;
	v9 =	vmul.f32 v11, v7;
	v11 =	vld [tilespmem:s29+$0x4300]  }
0x2f4: {  	[tilespmem:s29+$0x42A0] =	vst v8;
	v8 =	vmul.f32 v12, v7;
	v12 =	vld [tilespmem:s29+$0x4310]  }
0x2f5: {  	[tilespmem:s29+$0x42B0] =	vst v9;
	v9 =	vmul.f32 v13, v7;
	v13 =	vld [tilespmem:s29+$0x4320]  }
0x2f6: {  	[tilespmem:s29+$0x42C0] =	vst v8;
	v8 =	vmul.f32 v10, v7;
	v10 =	vbroadcast v1, $0x5;
	v15 =	vld [tilespmem:s29+$0x4330]  }
0x2f7: {  	[tilespmem:s29+$0x42D0] =	vst v9;
	v7 =	vmul.f32 v14, v7;
	v9 =	vld [tilespmem:s29+$0x4340]  }
0x2f8: {  	[tilespmem:s29+$0x42E0] =	vst v8;
	v8 =	vmul.f32 v11, v10;
	v11 =	vld [tilespmem:s29+$0x4350]  }
0x2f9: {  	[tilespmem:s29+$0x42F0] =	vst v7;
	v7 =	vmul.f32 v12, v10;
	v12 =	vld [tilespmem:s29+$0x4360]  }
0x2fa: {  	[tilespmem:s29+$0x4300] =	vst v8;
	v8 =	vmul.f32 v13, v10;
	v13 =	vld [tilespmem:s29+$0x4370]  }
0x2fb: {  	[tilespmem:s29+$0x4310] =	vst v7;
	v7 =	vmul.f32 v15, v10;
	v14 =	vld [tilespmem:s29+$0x4380]  }
0x2fc: {  	[tilespmem:s29+$0x4320] =	vst v8;
	v8 =	vmul.f32 v9, v10;
	v9 =	vld [tilespmem:s29+$0x4390]  }
0x2fd: {  	[tilespmem:s29+$0x4330] =	vst v7;
	v7 =	vmul.f32 v11, v10;
	v11 =	vld [tilespmem:s29+$0x43A0]  }
0x2fe: {  	[tilespmem:s29+$0x4340] =	vst v8;
	v8 =	vmul.f32 v12, v10;
	v12 =	vbroadcast v1, $0x6;
	v15 =	vld [tilespmem:s29+$0x43B0]  }
0x2ff: {  	[tilespmem:s29+$0x4350] =	vst v7;
	v7 =	vmul.f32 v13, v10;
	v10 =	vld [tilespmem:s29+$0x43C0]  }
0x300: {  	[tilespmem:s29+$0x4360] =	vst v8;
	v8 =	vmul.f32 v14, v12;
	v13 =	vld [tilespmem:s29+$0x43D0]  }
0x301: {  	[tilespmem:s29+$0x4370] =	vst v7;
	v7 =	vmul.f32 v9, v12;
	v9 =	vld [tilespmem:s29+$0x43E0]  }
0x302: {  	[tilespmem:s29+$0x4380] =	vst v8;
	v8 =	vmul.f32 v11, v12;
	v11 =	vld [tilespmem:s29+$0x43F0]  }
0x303: {  	[tilespmem:s29+$0x4390] =	vst v7;
	v7 =	vmul.f32 v15, v12;
	v14 =	vld [tilespmem:s29+$0x4400]  }
0x304: {  	[tilespmem:s29+$0x43A0] =	vst v8;
	v8 =	vmul.f32 v10, v12;
	v10 =	vld [tilespmem:s29+$0x4410]  }
0x305: {  	[tilespmem:s29+$0x43B0] =	vst v7;
	v7 =	vmul.f32 v13, v12;
	v13 =	vld [tilespmem:s29+$0x4420]  }
0x306: {  	[tilespmem:s29+$0x43C0] =	vst v8;
	v8 =	vmul.f32 v9, v12;
	v9 =	vbroadcast v1, $0x7;
	v15 =	vld [tilespmem:s29+$0x4430]  }
0x307: {  	[tilespmem:s29+$0x43D0] =	vst v7;
	v7 =	vmul.f32 v11, v12;
	v11 =	vld [tilespmem:s29+$0x4440]  }
0x308: {  	[tilespmem:s29+$0x43E0] =	vst v8;
	v8 =	vmul.f32 v14, v9;
	v12 =	vld [tilespmem:s29+$0x4450]  }
0x309: {  	[tilespmem:s29+$0x43F0] =	vst v7;
	v7 =	vmul.f32 v10, v9;
	v10 =	vld [tilespmem:s29+$0x4460]  }
0x30a: {  	[tilespmem:s29+$0x4400] =	vst v8;
	v8 =	vmul.f32 v13, v9;
	v13 =	vld [tilespmem:s29+$0x4470]  }
0x30b: {  	[tilespmem:s29+$0x4410] =	vst v7;
	v7 =	vmul.f32 v15, v9;
	v14 =	vld [tilespmem:s29+$0x4480]  }
0x30c: {  	[tilespmem:s29+$0x4420] =	vst v8;
	v8 =	vmul.f32 v11, v9;
	v11 =	vld [tilespmem:s29+$0x4490]  }
0x30d: {  	[tilespmem:s29+$0x4430] =	vst v7;
	v7 =	vmul.f32 v12, v9;
	v12 =	vld [tilespmem:s29+$0x44A0]  }
0x30e: {  	[tilespmem:s29+$0x4440] =	vst v8;
	v8 =	vmul.f32 v10, v9;
	v10 =	vbroadcast v1, $0x8;
	v15 =	vld [tilespmem:s29+$0x44B0]  }
0x30f: {  	[tilespmem:s29+$0x4450] =	vst v7;
	v7 =	vmul.f32 v13, v9;
	v9 =	vld [tilespmem:s29+$0x44C0]  }
0x310: {  	[tilespmem:s29+$0x4460] =	vst v8;
	v8 =	vmul.f32 v14, v10;
	v13 =	vld [tilespmem:s29+$0x44D0]  }
0x311: {  	[tilespmem:s29+$0x4470] =	vst v7;
	v7 =	vmul.f32 v11, v10;
	v11 =	vld [tilespmem:s29+$0x44E0]  }
0x312: {  	[tilespmem:s29+$0x4480] =	vst v8;
	v8 =	vmul.f32 v12, v10;
	v12 =	vld [tilespmem:s29+$0x44F0]  }
0x313: {  	[tilespmem:s29+$0x4490] =	vst v7;
	v7 =	vmul.f32 v15, v10;
	v14 =	vld [tilespmem:s29+$0x4500]  }
0x314: {  	[tilespmem:s29+$0x44A0] =	vst v8;
	v8 =	vmul.f32 v9, v10;
	v9 =	vld [tilespmem:s29+$0x4510]  }
0x315: {  	[tilespmem:s29+$0x44B0] =	vst v7;
	v7 =	vmul.f32 v13, v10;
	v13 =	vld [tilespmem:s29+$0x4520]  }
0x316: {  	[tilespmem:s29+$0x44C0] =	vst v8;
	v8 =	vmul.f32 v11, v10;
	v11 =	vbroadcast v1, $0x9;
	v15 =	vld [tilespmem:s29+$0x4530]  }
0x317: {  	[tilespmem:s29+$0x44D0] =	vst v7;
	v7 =	vmul.f32 v12, v10;
	v10 =	vld [tilespmem:s29+$0x4540]  }
0x318: {  	[tilespmem:s29+$0x44E0] =	vst v8;
	v8 =	vmul.f32 v14, v11;
	v12 =	vld [tilespmem:s29+$0x4550]  }
0x319: {  	[tilespmem:s29+$0x44F0] =	vst v7;
	v7 =	vmul.f32 v9, v11;
	v9 =	vld [tilespmem:s29+$0x4560]  }
0x31a: {  	[tilespmem:s29+$0x4500] =	vst v8;
	v8 =	vmul.f32 v13, v11;
	v13 =	vld [tilespmem:s29+$0x4570]  }
0x31b: {  	[tilespmem:s29+$0x4510] =	vst v7;
	v7 =	vmul.f32 v15, v11;
	v14 =	vld [tilespmem:s29+$0x4580]  }
0x31c: {  	[tilespmem:s29+$0x4520] =	vst v8;
	v8 =	vmul.f32 v10, v11;
	v10 =	vld [tilespmem:s29+$0x4590]  }
0x31d: {  	[tilespmem:s29+$0x4530] =	vst v7;
	v7 =	vmul.f32 v12, v11;
	v12 =	vld [tilespmem:s29+$0x45A0]  }
0x31e: {  	[tilespmem:s29+$0x4540] =	vst v8;
	v8 =	vmul.f32 v9, v11;
	v9 =	vld [tilespmem:s29+$0x45B0]  }
0x31f: {  	[tilespmem:s29+$0x4550] =	vst v7;
	v7 =	vmul.f32 v13, v11;
	v11 =	vld [tilespmem:s29+$0x45C0]  }
0x320: {  	[tilespmem:s29+$0x4560] =	vst v8;
	v8 =	vmul.f32 v14, v4;
	v13 =	vld [tilespmem:s29+$0x45D0]  }
0x321: {  	[tilespmem:s29+$0x4570] =	vst v7;
	v7 =	vmul.f32 v10, v4;
	v10 =	vld [tilespmem:s29+$0x45E0]  }
0x322: {  	v14 =	vld [tilespmem:s29+$0x4080];
	[tilespmem:s29+$0x4580] =	vst v8;
	v8 =	vmul.f32 v12, v4  }
0x323: {  	v12 =	vld [tilespmem:s29+$0x4090];
	[tilespmem:s29+$0x4590] =	vst v7;
	v7 =	vmul.f32 v9, v4  }
0x324: {  	v9 =	vld [tilespmem:s29+$0x40C0];
	[tilespmem:s29+$0x45A0] =	vst v8;
	v8 =	vmul.f32 v11, v4  }
0x325: {  	v11 =	vld [tilespmem:s29+$0x40D0];
	[tilespmem:s29+$0x45B0] =	vst v7;
	v7 =	vmul.f32 v13, v4  }
0x326: {  	[tilespmem:s29+$0x45C0] =	vst v8;
	v8 =	vmul.f32 v10, v4;
	v10 =	vbroadcast v1, $0xB;
	v13 =	vld [tilespmem:s29+$0x4620]  }
0x327: {  	v4 =	vbroadcast v1, $0xF;
	v14 =	vmul.f32 v2, v14;
	[tilespmem:s29+$0x45D0] =	vst v7;
	v7 =	vld [tilespmem:s29+$0x4630]  }
0x328: {  	v12 =	vmul.f32 v12, v2;
	[tilespmem:s29+$0x45E0] =	vst v8;
	v5 =	vmul.f32 v5, v10;
	v8 =	vld [tilespmem:s29+$0x4640]  }
0x329: {  	v6 =	vmul.f32 v6, v10;
	[tilespmem:s29+$0x4080] =	vst v14;
	v9 =	vmul.f32 v9, v2;
	v14 =	vld [tilespmem:s29+$0x4650]  }
0x32a: {  	v3 =	vmul.f32 v3, v4;
	v11 =	vmul.f32 v11, v2;
	[tilespmem:s29+$0x4600] =	vst v5;
	v2 =	vld [tilespmem:s29+$0x4660]  }
0x32b: {  	[tilespmem:s29+$0x4610] =	vst v6;
	v5 =	vmul.f32 v13, v10;
	v6 =	vld [tilespmem:s29+$0x4670]  }
0x32c: {  	v7 =	vmul.f32 v7, v10;
	v13 =	vld [tilespmem:s29+$0x4680];
	[tilespmem:s29+$0x4850] =	vst v3  }
0x32d: {  	[tilespmem:s29+$0x4090] =	vst v12;
	v3 =	vmul.f32 v8, v10;
	v8 =	vld [tilespmem:s29+$0x4690]  }
0x32e: {  	[tilespmem:s29+$0x40C0] =	vst v9;
	v9 =	vmul.f32 v14, v10;
	v12 =	vld [tilespmem:s29+$0x46A0]  }
0x32f: {  	v14 =	vbroadcast v1, $0xC;
	[tilespmem:s29+$0x4620] =	vst v5;
	v5 =	vmul.f32 v2, v10;
	v15 =	vld [tilespmem:s29+$0x46B0]  }
0x330: {  	[tilespmem:s29+$0x4650] =	vst v9;
	v6 =	vmul.f32 v6, v10;
	v9 =	vld [tilespmem:s29+$0x46C0]  }
0x331: {  	[tilespmem:s29+$0x4630] =	vst v7;
	v2 =	vmul.f32 v13, v14;
	v7 =	vld [tilespmem:s29+$0x46D0]  }
0x332: {  	[tilespmem:s29+$0x4640] =	vst v3;
	v3 =	vmul.f32 v8, v14;
	v8 =	vld [tilespmem:s29+$0x46E0]  }
0x333: {  	[tilespmem:s29+$0x4680] =	vst v2;
	v2 =	vmul.f32 v12, v14;
	v10 =	vld [tilespmem:s29+$0x46F0]  }
0x334: {  	[tilespmem:s29+$0x4690] =	vst v3;
	v3 =	vld [tilespmem:s29+$0x4700]  }
0x335: {  	[tilespmem:s29+$0x40D0] =	vst v11;
	v9 =	vmul.f32 v9, v14;
	v11 =	vld [tilespmem:s29+$0x4710]  }
0x336: {  	[tilespmem:s29+$0x4660] =	vst v5;
	v5 =	vmul.f32 v7, v14;
	v7 =	vld [tilespmem:s29+$0x4720]  }
0x337: {  	[tilespmem:s29+$0x46C0] =	vst v9;
	v8 =	vmul.f32 v8, v14;
	v9 =	vbroadcast v1, $0xD;
	v12 =	vld [tilespmem:s29+$0x4730]  }
0x338: {  	[tilespmem:s29+$0x46D0] =	vst v5;
	v5 =	vmul.f32 v10, v14;
	v10 =	vld [tilespmem:s29+$0x4740]  }
0x339: {  	[tilespmem:s29+$0x46E0] =	vst v8;
	v3 =	vmul.f32 v3, v9;
	v8 =	vld [tilespmem:s29+$0x4750]  }
0x33a: {  	[tilespmem:s29+$0x46F0] =	vst v5;
	v5 =	vmul.f32 v11, v9;
	v11 =	vld [tilespmem:s29+$0x4760]  }
0x33b: {  	[tilespmem:s29+$0x4700] =	vst v3;
	v3 =	vmul.f32 v7, v9;
	v7 =	vld [tilespmem:s29+$0x4770]  }
0x33c: {  	[tilespmem:s29+$0x4710] =	vst v5;
	v5 =	vmul.f32 v12, v9;
	v12 =	vld [tilespmem:s29+$0x4780]  }
0x33d: {  	[tilespmem:s29+$0x4720] =	vst v3;
	v3 =	vmul.f32 v10, v9;
	v10 =	vld [tilespmem:s29+$0x4790]  }
0x33e: {  	[tilespmem:s29+$0x4730] =	vst v5;
	v5 =	vmul.f32 v8, v9;
	v8 =	vld [tilespmem:s29+$0x47A0]  }
0x33f: {  	v1 =	vbroadcast v1, $0xE;
	[tilespmem:s29+$0x4670] =	vst v6;
	v6 =	vmul.f32 v11, v9;
	v11 =	vld [tilespmem:s29+$0x47B0]  }
0x340: {  	[tilespmem:s29+$0x4750] =	vst v5;
	v5 =	vmul.f32 v7, v9;
	v7 =	vld [tilespmem:s29+$0x47C0]  }
0x341: {  	[tilespmem:s29+$0x4760] =	vst v6;
	v6 =	vmul.f32 v12, v1;
	v9 =	vld [tilespmem:s29+$0x47D0]  }
0x342: {  	[tilespmem:s29+$0x4770] =	vst v5;
	v5 =	vmul.f32 v10, v1;
	v10 =	vld [tilespmem:s29+$0x47E0]  }
0x343: {  	[tilespmem:s29+$0x4780] =	vst v6;
	v6 =	vmul.f32 v8, v1;
	v8 =	vld [tilespmem:s29+$0x47F0]  }
0x344: {  	[tilespmem:s29+$0x4790] =	vst v5;
	v5 =	vmul.f32 v11, v1;
	v11 =	vld [tilespmem:s29+$0x4800]  }
0x345: {  	[tilespmem:s29+$0x47A0] =	vst v6;
	v6 =	vmul.f32 v7, v1;
	v7 =	vld [tilespmem:s29+$0x4810]  }
0x346: {  	[tilespmem:s29+$0x47B0] =	vst v5;
	v5 =	vmul.f32 v9, v1;
	v9 =	vld [tilespmem:s29+$0x4820]  }
0x347: {  	[tilespmem:s29+$0x47C0] =	vst v6;
	v6 =	vmul.f32 v10, v1;
	v10 =	vld [tilespmem:s29+$0x4830]  }
0x348: {  	[tilespmem:s29+$0x4740] =	vst v3;
	v1 =	vmul.f32 v8, v1;
	v3 =	vld [tilespmem:s29+$0x4840]  }
0x349: {  	[tilespmem:s29+$0x47E0] =	vst v6;
	v6 =	vmul.f32 v11, v4;
	v8 =	vld [tilespmem:s29+$0x4860]  }
0x34a: {  	[tilespmem:s29+$0x47F0] =	vst v1;
	v1 =	vmul.f32 v7, v4;
	v7 =	vld [tilespmem:s29+$0x4870]  }
0x34b: {  	[tilespmem:s29+$0x4800] =	vst v6;
	v6 =	vmul.f32 v9, v4  }
0x34c: {  	[tilespmem:s29+$0x4810] =	vst v1;
	v1 =	vmul.f32 v10, v4  }
0x34d: {  	v9 =	vmul.f32 v15, v14;
	[tilespmem:s29+$0x4820] =	vst v6  }
0x34e: {  	[tilespmem:s29+$0x4830] =	vst v1;
	v1 =	vmul.f32 v3, v4  }
.Ltmp3:
0x34f: {  	[tilespmem:s29+$0x46B0] =	vst v9;
	v3 =	vmul.f32 v7, v4;
	(pc) =	sbr.rel @p0 .LBB2_10-.Ltmp3, $4  }
0x350: {  	[tilespmem:s29+$0x4840] =	vst v1  }
0x351: {  	v1 =	vmul.f32 v8, v4;
	[tilespmem:s29+$0x4870] =	vst v3  }
0x352: {  	[tilespmem:s29+$0x47D0] =	vst v5  }
0x353: {  	[tilespmem:s29+$0x4860] =	vst v1  }
0x354: {  	s6 =	sadd.s32 $0x1, s6  }
0x355: {  	p0 =	sne.s32 s6, $0x10  }
.Ltmp4:
0x356: {  	[tilespmem:s29+$0x46A0] =	vst v2;
	(pc) =	sbr.rel @p0 .LBB2_9-.Ltmp4, $4  }
0x357: {  	[spmem:s4] =	stream.indirect.scatter.add.f32 [tilespmem:s24], [sflag:$0x2], $0x80, s28, s26, $0xb8;
	[tilespmem:$0x1C300] =	vst v63  }
0x358: {  	_ =	swait.ge [sflag:s23], $0x4000  }
0x359: {  	[sflag:s23] =	ssyncset.done $0x0  }
0x35a: {  	[sflag:s23] =	ssyncadd.s32 $0xFFFFC000  }
0x35b: {  	s6 =	rddreg [dreg:$0x1f]  }
0x35c: {  	s6 =	sadd.s32 $0x1, s6  }
0x35d: {  	p0 =	sne.s32 s6, $0x5  }
.Ltmp5:
0x35e: {  	_ = 	snop;
	(pc) =	sbr.rel @p0 .LBB2_8-.Ltmp5, $1  }
0x35f: {  	_ =	sdelay $0x3  }
0x360: {  	s6 =	stileid.u32;
	[bflag:$0x0] =	sbarrier.arrive $0xFFFF  }
0x361: {  	s6 =	sshll.u32 s6, $0x6;
	s29 =	rddreg [dreg:$0x16]  }
0x362: {  	s30 =	rddreg [dreg:$0x1c];
	s6 =	sor.u32 $0x1C02, s6;
	s28 =	sshrl.u32 s29, $0x3  }
0x363: {  	[hbm:s30], [sflag:s6] =	dma.local [spmem:s28], $0x2800  }
0x364: {  	_ =	swait.ge [sflag:s23], $0x2800  }
0x365: {  	s28 =	rddreg [dreg:$0x1e]  }
0x366: {  	s6 =	rddreg [dreg:$0x1d];
	s28 =	sadd.s32 $0x1, s28  }
0x367: {  	p0 =	sne.s32 s28, s6  }
.Ltmp6:
0x368: {  	_ = 	snop;
	(pc) =	sbr.rel @p0 .LBB2_1-.Ltmp6, $3  }
0x369: {  	_ =	sdelay $0x1  }
0x36a: {  	[sflag:s23] =	ssyncset.done $0x0  }
0x36b: {  	s31 =	simm.s32 $0x280;
	s30 =	simm.s32 $0x380;
	[sflag:s23] =	ssyncadd.s32 $0xFFFFD800  }
0x36c: {  	_ =	sfence.sel $0x180000  }
0x36d: {  	[bflag:$0x0] =	sbarrier.arrive $0xFFFF  }
0x36e: {  	_ =	strace $0x90000047  }
0x36f: {  	s0 =	stileid.u32;
	[bflag:$0x2] =	sbarrier.arrive $0xFFFF  }
0x370: {  	p0 =	sne.s32 s0, $0x0;
	s0 =	rddreg [dreg:$0x7]  }
0x371: {  	s0 =	sadd.s32 @!p0 $0x100000, s0  }
0x372: {  	[sflag:s0] =	ssyncadd.tile.s32 @!p0 $0x1;
	_ =	shalt  }
.Lfunc_end2:
_tile_overlayer_lowered:
.L_overlay_start_2:
0x373: {  	(tag) =	ssettag $0x2  }
0x374: {  	s0 =	rddreg [dreg:$0x0];
	s2 =	stileid.u32  }
0x375: {  	s1 =	rddreg [dreg:$0x1];
	p0 =	sne.s32 s2, $0x0  }
0x376: {  	s3 =	rddreg [dreg:$0x2];
	[bflag:$0x3] =	sbarrier.arrive $0xFFFF;
	s2 =	simm.s32 @!p0 $0x1C02  }
0x377: {  	[timem:s3], [sflag:s2] =	dma.local @!p0 [hbm:s0], s1  }
0x378: {  	s0 =	simm.s32 @!p0 $0x2  }
0x379: {  	_ =	swait.ge @!p0 [sflag:s0], s1  }
0x37a: {  	s1 =	ssub.s32 @!p0 $0x0, s1;
	[sflag:s0] =	ssyncset.done @!p0 $0x0  }
0x37b: {  	[sflag:s0] =	ssyncadd.s32 @!p0 s1  }
0x37c: {  	[bflag:$0x3] =	sbarrier.arrive $0xFFFF  }
0x37d: {  	_ =	shalt  }

</sc_bundles>
